<compile_context>
chip_gen: v7x
topology: tpu7x:2x2x1
jax: 0.10.2.dev20260603
libtpu: 0.0.44.dev20260713+nightly
codegen_flags: <defaults>
</compile_context>

<pallas_src>
import functools

import numpy as np

import jax
import jax.numpy as jnp
from jax import lax
from jax.experimental import pallas as pl
from jax.experimental.pallas import tpu as pltpu
from jax.experimental.pallas import tpu_sc as plsc

_NUM_CORES = 2
_NUM_SUBCORES = 16
_NUM_WORKERS = _NUM_CORES * _NUM_SUBCORES
_CHUNK = 1024


def _dst_rows(b, h, d):
    j_pad = -(-(h * d) // 128) * 128
    tj = j_pad // 128
    per_l = 128 // d
    p = np.arange(b * h)
    bb, hh = p // h, p % h
    dst = per_l * (8 * (tj * (bb // 8) + hh // per_l) + bb % 8) + hh % per_l
    return dst.astype(np.int32), b * j_pad // d


@functools.lru_cache(maxsize=None)
def _make_gather(n_rows, d, out_rows):
    rows_per_w = n_rows // _NUM_WORKERS
    n_chunks = rows_per_w // _CHUNK
    mesh = plsc.VectorSubcoreMesh(core_axis_name="c", subcore_axis_name="s")

    @functools.partial(
        pl.kernel,
        mesh=mesh,
        out_type=jax.ShapeDtypeStruct((out_rows, d), jnp.float32),
        scratch_types=[
            pltpu.VMEM((rows_per_w,), jnp.int32),
            pltpu.VMEM((n_chunks, _CHUNK), jnp.int32),
            pltpu.VMEM((2, _CHUNK, d), jnp.float32),
            pltpu.SemaphoreType.DMA,
            pltpu.SemaphoreType.DMA,
            pltpu.SemaphoreType.DMA,
            pltpu.SemaphoreType.DMA,
        ],
        compiler_params=pltpu.CompilerParams(use_tc_tiling_on_sc=False),
    )
    def gather_kernel(table_hbm, idx_hbm, didx_hbm, out_hbm, idx_v, didx_v,
                      rows_v, sg0, sg1, ss0, ss1):
        wid = lax.axis_index("s") * _NUM_CORES + lax.axis_index("c")
        base = pl.multiple_of(wid * rows_per_w, 8)
        pltpu.sync_copy(idx_hbm.at[pl.ds(base, rows_per_w)], idx_v)
        pltpu.sync_copy(didx_hbm.at[pl.ds(wid * n_chunks, n_chunks)], didx_v)

        sem_g = (sg0, sg1)
        sem_s = (ss0, ss1)

        def gather_start(g):
            return pltpu.async_copy(
                table_hbm.at[idx_v.at[pl.ds(g * _CHUNK, _CHUNK)]],
                rows_v.at[g % 2], sem_g[g % 2])

        def store_start(g):
            return pltpu.async_copy(
                rows_v.at[g % 2], out_hbm.at[didx_v.at[g]], sem_s[g % 2])

        stores = [None] * n_chunks
        pending = gather_start(0)
        for g in range(n_chunks):
            pending.wait()
            stores[g] = store_start(g)
            if g + 1 < n_chunks:
                if g >= 1:
                    stores[g - 1].wait()
                pending = gather_start(g + 1)
        if n_chunks >= 2:
            stores[n_chunks - 2].wait()
        stores[n_chunks - 1].wait()

    return gather_kernel


def kernel(effect_id, W):
    b, h = effect_id.shape
    d = W.shape[1]
    idx = effect_id.reshape(-1).astype(jnp.int32)
    dst_np, out_rows = _dst_rows(b, h, d)
    n_chunks_total = b * h // _CHUNK
    didx = jnp.asarray(dst_np.reshape(n_chunks_total, _CHUNK))
    out = _make_gather(b * h, d, out_rows)(W, idx, didx)
    j_pad = out_rows * d // b
    x = out.reshape(b // 8, j_pad // 128, 8, 128)
    x = x.transpose(0, 2, 1, 3).reshape(b, j_pad)
    return x[:, :h * d]

# --- scband reference (transcript-rebuilt; emitter-appended) ---
"""Pipeline reference for scband-effect-encoder-78640851190160 (READ-ONLY COPY).

The authoritative reference and input builder live on the scoring server;
editing this copy changes nothing except your own understanding.
"""

import jax, jax.numpy as jnp
import numpy as np

NUM_EFFECTS = 1000000
EMBED_DIM = 32
BATCH = 16384
HIST = 50

def setup_inputs(seed: int = 0) -> dict:
    key = jax.random.key(seed)
    k1, k2 = jax.random.split(key)
    effect_id = jax.random.randint(k1, (BATCH, HIST), 0, NUM_EFFECTS, dtype=jnp.int64)
    W = jax.random.normal(k2, (NUM_EFFECTS + 1, EMBED_DIM), dtype=jnp.float32)
    # mimic torch init: last (padding) row is zero
    W = W.at[-1].set(0.0)
    return {"effect_id": effect_id, "W": W}

def reference(effect_id, W):
    # torch forward semantics:
    # if 1D -> unsqueeze to [B,1]; if [B,1] -> embed then squeeze; else flatten path
    if effect_id.ndim == 1:
        effect_id = effect_id[:, None]
    if effect_id.ndim == 2 and effect_id.shape[1] == 1:
        return jnp.take(W, effect_id, axis=0)[:, 0, :]
    flat = effect_id.reshape(-1)
    emb = jnp.take(W, flat, axis=0)
    return emb.reshape(effect_id.shape[0], -1)

if __name__ == "__main__":
    import jax
    _d = setup_inputs()
    print(jax.jit(kernel)(*tuple(_d.values())))

</pallas_src>

<mosaic_0001>
#map = affine_map<(d0, d1) -> (0, 0)>
#map1 = affine_map<(d0, d1) -> (0)>
module attributes {stable_mosaic.version = 14 : i64} {
  func.func @gather_kernel(%arg0: i32, %arg1: i32, %arg2: memref<1000001x32xf32, #tpu.memory_space<hbm>>, %arg3: memref<819200xi32, #tpu.memory_space<hbm>>, %arg4: memref<800x1024xi32, #tpu.memory_space<hbm>>, %arg5: memref<851968x32xf32, #tpu.memory_space<hbm>>, %arg6: memref<25600xi32, #tpu.memory_space<vmem>>, %arg7: memref<25x1024xi32, #tpu.memory_space<vmem>>, %arg8: memref<2x1024x32xf32, #tpu.memory_space<vmem>>, %arg9: memref<!tpu.dma_semaphore, #tpu.memory_space<semaphore_mem>>, %arg10: memref<!tpu.dma_semaphore, #tpu.memory_space<semaphore_mem>>, %arg11: memref<!tpu.dma_semaphore, #tpu.memory_space<semaphore_mem>>, %arg12: memref<!tpu.dma_semaphore, #tpu.memory_space<semaphore_mem>>) attributes {dimension_semantics = [#tpu.dimension_semantics<core_parallel>, #tpu.dimension_semantics<subcore_parallel>], iteration_bounds = array<i64: 2, 16>, scalar_prefetch = 0 : i64, scratch_operands = 7 : i64, tpu.core_type = #tpu.core_type<sc_vector_subcore>, window_params = [{transform_indices = #map}, {transform_indices = #map1}, {transform_indices = #map}, {transform_indices = #map}]} {
    %mul3A = arith.constant 2 : i32
    %mul3A_0 = arith.muli %arg1, %mul3A : i32
    %add3A = arith.addi %mul3A_0, %arg0 : i32
    %mul3A_1 = arith.constant 25600 : i32
    %mul3A_2 = arith.muli %add3A, %mul3A_1 : i32
    %multiple_of3A = tpu.assume_multiple %mul3A_2, 8 : i32
    "tpu.region"() ({
      %run_scoped3A = tpu.sem_alloc : memref<!tpu.dma_semaphore, #tpu.memory_space<semaphore_mem>>
      %dma_start3A_1103 = tpu.memref_slice %arg3[%multiple_of3A] : memref<819200xi32, #tpu.memory_space<hbm>> -> memref<25600xi32, #tpu.memory_space<hbm>>
      %dma_start3A_1104 = tpu.memref_slice %arg3[%multiple_of3A] : memref<819200xi32, #tpu.memory_space<hbm>> -> memref<25600xi32, #tpu.memory_space<hbm>>
      tpu.enqueue_dma source(%dma_start3A_1104 : memref<25600xi32, #tpu.memory_space<hbm>>) target(%arg6 : memref<25600xi32, #tpu.memory_space<vmem>>) target_semaphore(%run_scoped3A : memref<!tpu.dma_semaphore, #tpu.memory_space<semaphore_mem>>)
      %dma_wait3A_1105 = tpu.memref_slice %arg3[%multiple_of3A] : memref<819200xi32, #tpu.memory_space<hbm>> -> memref<25600xi32, #tpu.memory_space<hbm>>
      %dma_wait3A_1106 = tpu.memref_slice %arg3[%multiple_of3A] : memref<819200xi32, #tpu.memory_space<hbm>> -> memref<25600xi32, #tpu.memory_space<hbm>>
      tpu.wait_dma2 semaphore(%run_scoped3A : memref<!tpu.dma_semaphore, #tpu.memory_space<semaphore_mem>>) src(%dma_wait3A_1106 : memref<25600xi32, #tpu.memory_space<hbm>>) dst(%arg6 : memref<25600xi32, #tpu.memory_space<vmem>>)
      tpu.yield
    }) : () -> ()
    %mul3A_3 = arith.constant 25 : i32
    %mul3A_4 = arith.muli %add3A, %mul3A_3 : i32
    "tpu.region"() ({
      %run_scoped3A = tpu.sem_alloc : memref<!tpu.dma_semaphore, #tpu.memory_space<semaphore_mem>>
      %dma_start3A_1103 = arith.constant 0 : i32
      %dma_start3A_1104 = tpu.memref_slice %arg4[%mul3A_4, %dma_start3A_1103] : memref<800x1024xi32, #tpu.memory_space<hbm>> -> memref<25x1024xi32, #tpu.memory_space<hbm>>
      %dma_start3A_1105 = arith.constant 0 : i32
      %dma_start3A_1106 = tpu.memref_slice %arg4[%mul3A_4, %dma_start3A_1105] : memref<800x1024xi32, #tpu.memory_space<hbm>> -> memref<25x1024xi32, #tpu.memory_space<hbm>>
      tpu.enqueue_dma source(%dma_start3A_1106 : memref<25x1024xi32, #tpu.memory_space<hbm>>) target(%arg7 : memref<25x1024xi32, #tpu.memory_space<vmem>>) target_semaphore(%run_scoped3A : memref<!tpu.dma_semaphore, #tpu.memory_space<semaphore_mem>>)
      %dma_wait3A_1107 = arith.constant 0 : i32
      %dma_wait3A_1108 = tpu.memref_slice %arg4[%mul3A_4, %dma_wait3A_1107] : memref<800x1024xi32, #tpu.memory_space<hbm>> -> memref<25x1024xi32, #tpu.memory_space<hbm>>
      %dma_wait3A_1109 = arith.constant 0 : i32
      %dma_wait3A_1110 = tpu.memref_slice %arg4[%mul3A_4, %dma_wait3A_1109] : memref<800x1024xi32, #tpu.memory_space<hbm>> -> memref<25x1024xi32, #tpu.memory_space<hbm>>
      tpu.wait_dma2 semaphore(%run_scoped3A : memref<!tpu.dma_semaphore, #tpu.memory_space<semaphore_mem>>) src(%dma_wait3A_1110 : memref<25x1024xi32, #tpu.memory_space<hbm>>) dst(%arg7 : memref<25x1024xi32, #tpu.memory_space<vmem>>)
      tpu.yield
    }) : () -> ()
    %dma_start3A = arith.constant 0 : i32
    %dma_start3A_5 = arith.constant 0 : i32
    %dma_start3A_6 = arith.constant 0 : i32
    %dma_start3A_7 = tpu.memref_slice %arg8[%dma_start3A, %dma_start3A_5, %dma_start3A_6] : memref<2x1024x32xf32, #tpu.memory_space<vmem>> -> memref<1x1024x32xf32, #tpu.memory_space<vmem>>
    %dma_start3A_8 = tpu.memref_squeeze %dma_start3A_7 : memref<1x1024x32xf32, #tpu.memory_space<vmem>> -> memref<1024x32xf32, #tpu.memory_space<vmem>>
    %dma_start3A_9 = arith.constant 0 : i32
    %dma_start3A_10 = tpu.memref_slice %arg6[%dma_start3A_9] : memref<25600xi32, #tpu.memory_space<vmem>> -> memref<1024xi32, #tpu.memory_space<vmem>>
    %dma_start3A_11 = arith.constant 0 : i32
    %dma_start3A_12 = arith.constant 0 : i32
    %dma_start3A_13 = tpu.memref_slice %arg2[%dma_start3A_11, %dma_start3A_12] : memref<1000001x32xf32, #tpu.memory_space<hbm>> -> memref<1000001x32xf32, #tpu.memory_space<hbm>>
    tpu.enqueue_indirect_dma source(%dma_start3A_13 : memref<1000001x32xf32, #tpu.memory_space<hbm>>) target(%dma_start3A_8 : memref<1024x32xf32, #tpu.memory_space<vmem>>) offsets(%dma_start3A_10 : memref<1024xi32, #tpu.memory_space<vmem>>) semaphore(%arg9 : memref<!tpu.dma_semaphore, #tpu.memory_space<semaphore_mem>>)
    %dma_wait3A = arith.constant 0 : i32
    %dma_wait3A_14 = arith.constant 0 : i32
    %dma_wait3A_15 = arith.constant 0 : i32
    %dma_wait3A_16 = tpu.memref_slice %arg8[%dma_wait3A, %dma_wait3A_14, %dma_wait3A_15] : memref<2x1024x32xf32, #tpu.memory_space<vmem>> -> memref<1x1024x32xf32, #tpu.memory_space<vmem>>
    %dma_wait3A_17 = tpu.memref_squeeze %dma_wait3A_16 : memref<1x1024x32xf32, #tpu.memory_space<vmem>> -> memref<1024x32xf32, #tpu.memory_space<vmem>>
    %dma_wait3A_18 = arith.constant 0 : i32
    %dma_wait3A_19 = tpu.memref_slice %arg6[%dma_wait3A_18] : memref<25600xi32, #tpu.memory_space<vmem>> -> memref<1024xi32, #tpu.memory_space<vmem>>
    %dma_wait3A_20 = arith.constant 0 : i32
    %dma_wait3A_21 = arith.constant 0 : i32
    %dma_wait3A_22 = tpu.memref_slice %arg2[%dma_wait3A_20, %dma_wait3A_21] : memref<1000001x32xf32, #tpu.memory_space<hbm>> -> memref<1000001x32xf32, #tpu.memory_space<hbm>>
    tpu.wait_indirect_dma semaphore(%arg9 : memref<!tpu.dma_semaphore, #tpu.memory_space<semaphore_mem>>) src(%dma_wait3A_22 : memref<1000001x32xf32, #tpu.memory_space<hbm>>) dst(%dma_wait3A_17 : memref<1024x32xf32, #tpu.memory_space<vmem>>)
    %dma_start3A_23 = arith.constant 0 : i32
    %dma_start3A_24 = arith.constant 0 : i32
    %dma_start3A_25 = arith.constant 0 : i32
    %dma_start3A_26 = arith.constant 0 : i32
    %dma_start3A_27 = tpu.memref_slice %arg8[%dma_start3A_23, %dma_start3A_25, %dma_start3A_26] : memref<2x1024x32xf32, #tpu.memory_space<vmem>> -> memref<1x1024x32xf32, #tpu.memory_space<vmem>>
    %dma_start3A_28 = tpu.memref_squeeze %dma_start3A_27 : memref<1x1024x32xf32, #tpu.memory_space<vmem>> -> memref<1024x32xf32, #tpu.memory_space<vmem>>
    %dma_start3A_29 = arith.constant 0 : i32
    %dma_start3A_30 = tpu.memref_slice %arg7[%dma_start3A_24, %dma_start3A_29] : memref<25x1024xi32, #tpu.memory_space<vmem>> -> memref<1x1024xi32, #tpu.memory_space<vmem>>
    %dma_start3A_31 = tpu.memref_squeeze %dma_start3A_30 : memref<1x1024xi32, #tpu.memory_space<vmem>> -> memref<1024xi32, #tpu.memory_space<vmem>>
    %dma_start3A_32 = arith.constant 0 : i32
    %dma_start3A_33 = arith.constant 0 : i32
    %dma_start3A_34 = tpu.memref_slice %arg5[%dma_start3A_32, %dma_start3A_33] : memref<851968x32xf32, #tpu.memory_space<hbm>> -> memref<851968x32xf32, #tpu.memory_space<hbm>>
    tpu.enqueue_indirect_dma source(%dma_start3A_28 : memref<1024x32xf32, #tpu.memory_space<vmem>>) target(%dma_start3A_34 : memref<851968x32xf32, #tpu.memory_space<hbm>>) offsets(%dma_start3A_31 : memref<1024xi32, #tpu.memory_space<vmem>>) semaphore(%arg11 : memref<!tpu.dma_semaphore, #tpu.memory_space<semaphore_mem>>)
    %dma_start3A_35 = arith.constant 1 : i32
    %dma_start3A_36 = arith.constant 0 : i32
    %dma_start3A_37 = arith.constant 0 : i32
    %dma_start3A_38 = tpu.memref_slice %arg8[%dma_start3A_35, %dma_start3A_36, %dma_start3A_37] : memref<2x1024x32xf32, #tpu.memory_space<vmem>> -> memref<1x1024x32xf32, #tpu.memory_space<vmem>>
    %dma_start3A_39 = tpu.memref_squeeze %dma_start3A_38 : memref<1x1024x32xf32, #tpu.memory_space<vmem>> -> memref<1024x32xf32, #tpu.memory_space<vmem>>
    %dma_start3A_40 = arith.constant 1024 : i32
    %dma_start3A_41 = tpu.memref_slice %arg6[%dma_start3A_40] : memref<25600xi32, #tpu.memory_space<vmem>> -> memref<1024xi32, #tpu.memory_space<vmem>>
    %dma_start3A_42 = arith.constant 0 : i32
    %dma_start3A_43 = arith.constant 0 : i32
    %dma_start3A_44 = tpu.memref_slice %arg2[%dma_start3A_42, %dma_start3A_43] : memref<1000001x32xf32, #tpu.memory_space<hbm>> -> memref<1000001x32xf32, #tpu.memory_space<hbm>>
    tpu.enqueue_indirect_dma source(%dma_start3A_44 : memref<1000001x32xf32, #tpu.memory_space<hbm>>) target(%dma_start3A_39 : memref<1024x32xf32, #tpu.memory_space<vmem>>) offsets(%dma_start3A_41 : memref<1024xi32, #tpu.memory_space<vmem>>) semaphore(%arg10 : memref<!tpu.dma_semaphore, #tpu.memory_space<semaphore_mem>>)
    %dma_wait3A_45 = arith.constant 1 : i32
    %dma_wait3A_46 = arith.constant 0 : i32
    %dma_wait3A_47 = arith.constant 0 : i32
    %dma_wait3A_48 = tpu.memref_slice %arg8[%dma_wait3A_45, %dma_wait3A_46, %dma_wait3A_47] : memref<2x1024x32xf32, #tpu.memory_space<vmem>> -> memref<1x1024x32xf32, #tpu.memory_space<vmem>>
    %dma_wait3A_49 = tpu.memref_squeeze %dma_wait3A_48 : memref<1x1024x32xf32, #tpu.memory_space<vmem>> -> memref<1024x32xf32, #tpu.memory_space<vmem>>
    %dma_wait3A_50 = arith.constant 1024 : i32
    %dma_wait3A_51 = tpu.memref_slice %arg6[%dma_wait3A_50] : memref<25600xi32, #tpu.memory_space<vmem>> -> memref<1024xi32, #tpu.memory_space<vmem>>
    %dma_wait3A_52 = arith.constant 0 : i32
    %dma_wait3A_53 = arith.constant 0 : i32
    %dma_wait3A_54 = tpu.memref_slice %arg2[%dma_wait3A_52, %dma_wait3A_53] : memref<1000001x32xf32, #tpu.memory_space<hbm>> -> memref<1000001x32xf32, #tpu.memory_space<hbm>>
    tpu.wait_indirect_dma semaphore(%arg10 : memref<!tpu.dma_semaphore, #tpu.memory_space<semaphore_mem>>) src(%dma_wait3A_54 : memref<1000001x32xf32, #tpu.memory_space<hbm>>) dst(%dma_wait3A_49 : memref<1024x32xf32, #tpu.memory_space<vmem>>)
    %dma_start3A_55 = arith.constant 1 : i32
    %dma_start3A_56 = arith.constant 1 : i32
    %dma_start3A_57 = arith.constant 0 : i32
    %dma_start3A_58 = arith.constant 0 : i32
    %dma_start3A_59 = tpu.memref_slice %arg8[%dma_start3A_55, %dma_start3A_57, %dma_start3A_58] : memref<2x1024x32xf32, #tpu.memory_space<vmem>> -> memref<1x1024x32xf32, #tpu.memory_space<vmem>>
    %dma_start3A_60 = tpu.memref_squeeze %dma_start3A_59 : memref<1x1024x32xf32, #tpu.memory_space<vmem>> -> memref<1024x32xf32, #tpu.memory_space<vmem>>
    %dma_start3A_61 = arith.constant 0 : i32
    %dma_start3A_62 = tpu.memref_slice %arg7[%dma_start3A_56, %dma_start3A_61] : memref<25x1024xi32, #tpu.memory_space<vmem>> -> memref<1x1024xi32, #tpu.memory_space<vmem>>
    %dma_start3A_63 = tpu.memref_squeeze %dma_start3A_62 : memref<1x1024xi32, #tpu.memory_space<vmem>> -> memref<1024xi32, #tpu.memory_space<vmem>>
    %dma_start3A_64 = arith.constant 0 : i32
    %dma_start3A_65 = arith.constant 0 : i32
    %dma_start3A_66 = tpu.memref_slice %arg5[%dma_start3A_64, %dma_start3A_65] : memref<851968x32xf32, #tpu.memory_space<hbm>> -> memref<851968x32xf32, #tpu.memory_space<hbm>>
    tpu.enqueue_indirect_dma source(%dma_start3A_60 : memref<1024x32xf32, #tpu.memory_space<vmem>>) target(%dma_start3A_66 : memref<851968x32xf32, #tpu.memory_space<hbm>>) offsets(%dma_start3A_63 : memref<1024xi32, #tpu.memory_space<vmem>>) semaphore(%arg12 : memref<!tpu.dma_semaphore, #tpu.memory_space<semaphore_mem>>)
    %dma_wait3A_67 = arith.constant 0 : i32
    %dma_wait3A_68 = arith.constant 0 : i32
    %dma_wait3A_69 = arith.constant 0 : i32
    %dma_wait3A_70 = arith.constant 0 : i32
    %dma_wait3A_71 = tpu.memref_slice %arg8[%dma_wait3A_67, %dma_wait3A_69, %dma_wait3A_70] : memref<2x1024x32xf32, #tpu.memory_space<vmem>> -> memref<1x1024x32xf32, #tpu.memory_space<vmem>>
    %dma_wait3A_72 = tpu.memref_squeeze %dma_wait3A_71 : memref<1x1024x32xf32, #tpu.memory_space<vmem>> -> memref<1024x32xf32, #tpu.memory_space<vmem>>
    %dma_wait3A_73 = arith.constant 0 : i32
    %dma_wait3A_74 = tpu.memref_slice %arg7[%dma_wait3A_68, %dma_wait3A_73] : memref<25x1024xi32, #tpu.memory_space<vmem>> -> memref<1x1024xi32, #tpu.memory_space<vmem>>
    %dma_wait3A_75 = tpu.memref_squeeze %dma_wait3A_74 : memref<1x1024xi32, #tpu.memory_space<vmem>> -> memref<1024xi32, #tpu.memory_space<vmem>>
    %dma_wait3A_76 = arith.constant 0 : i32
    %dma_wait3A_77 = arith.constant 0 : i32
    %dma_wait3A_78 = tpu.memref_slice %arg5[%dma_wait3A_76, %dma_wait3A_77] : memref<851968x32xf32, #tpu.memory_space<hbm>> -> memref<851968x32xf32, #tpu.memory_space<hbm>>
    tpu.wait_indirect_dma semaphore(%arg11 : memref<!tpu.dma_semaphore, #tpu.memory_space<semaphore_mem>>) src(%dma_wait3A_72 : memref<1024x32xf32, #tpu.memory_space<vmem>>) dst(%dma_wait3A_78 : memref<851968x32xf32, #tpu.memory_space<hbm>>)
    %dma_start3A_79 = arith.constant 0 : i32
    %dma_start3A_80 = arith.constant 0 : i32
    %dma_start3A_81 = arith.constant 0 : i32
    %dma_start3A_82 = tpu.memref_slice %arg8[%dma_start3A_79, %dma_start3A_80, %dma_start3A_81] : memref<2x1024x32xf32, #tpu.memory_space<vmem>> -> memref<1x1024x32xf32, #tpu.memory_space<vmem>>
    %dma_start3A_83 = tpu.memref_squeeze %dma_start3A_82 : memref<1x1024x32xf32, #tpu.memory_space<vmem>> -> memref<1024x32xf32, #tpu.memory_space<vmem>>
    %dma_start3A_84 = arith.constant 2048 : i32
    %dma_start3A_85 = tpu.memref_slice %arg6[%dma_start3A_84] : memref<25600xi32, #tpu.memory_space<vmem>> -> memref<1024xi32, #tpu.memory_space<vmem>>
    %dma_start3A_86 = arith.constant 0 : i32
    %dma_start3A_87 = arith.constant 0 : i32
    %dma_start3A_88 = tpu.memref_slice %arg2[%dma_start3A_86, %dma_start3A_87] : memref<1000001x32xf32, #tpu.memory_space<hbm>> -> memref<1000001x32xf32, #tpu.memory_space<hbm>>
    tpu.enqueue_indirect_dma source(%dma_start3A_88 : memref<1000001x32xf32, #tpu.memory_space<hbm>>) target(%dma_start3A_83 : memref<1024x32xf32, #tpu.memory_space<vmem>>) offsets(%dma_start3A_85 : memref<1024xi32, #tpu.memory_space<vmem>>) semaphore(%arg9 : memref<!tpu.dma_semaphore, #tpu.memory_space<semaphore_mem>>)
    %dma_wait3A_89 = arith.constant 0 : i32
    %dma_wait3A_90 = arith.constant 0 : i32
    %dma_wait3A_91 = arith.constant 0 : i32
    %dma_wait3A_92 = tpu.memref_slice %arg8[%dma_wait3A_89, %dma_wait3A_90, %dma_wait3A_91] : memref<2x1024x32xf32, #tpu.memory_space<vmem>> -> memref<1x1024x32xf32, #tpu.memory_space<vmem>>
    %dma_wait3A_93 = tpu.memref_squeeze %dma_wait3A_92 : memref<1x1024x32xf32, #tpu.memory_space<vmem>> -> memref<1024x32xf32, #tpu.memory_space<vmem>>
    %dma_wait3A_94 = arith.constant 2048 : i32
    %dma_wait3A_95 = tpu.memref_slice %arg6[%dma_wait3A_94] : memref<25600xi32, #tpu.memory_space<vmem>> -> memref<1024xi32, #tpu.memory_space<vmem>>
    %dma_wait3A_96 = arith.constant 0 : i32
    %dma_wait3A_97 = arith.constant 0 : i32
    %dma_wait3A_98 = tpu.memref_slice %arg2[%dma_wait3A_96, %dma_wait3A_97] : memref<1000001x32xf32, #tpu.memory_space<hbm>> -> memref<1000001x32xf32, #tpu.memory_space<hbm>>
    tpu.wait_indirect_dma semaphore(%arg9 : memref<!tpu.dma_semaphore, #tpu.memory_space<semaphore_mem>>) src(%dma_wait3A_98 : memref<1000001x32xf32, #tpu.memory_space<hbm>>) dst(%dma_wait3A_93 : memref<1024x32xf32, #tpu.memory_space<vmem>>)
    %dma_start3A_99 = arith.constant 0 : i32
    %dma_start3A_100 = arith.constant 2 : i32
    %dma_start3A_101 = arith.constant 0 : i32
    %dma_start3A_102 = arith.constant 0 : i32
    %dma_start3A_103 = tpu.memref_slice %arg8[%dma_start3A_99, %dma_start3A_101, %dma_start3A_102] : memref<2x1024x32xf32, #tpu.memory_space<vmem>> -> memref<1x1024x32xf32, #tpu.memory_space<vmem>>
    %dma_start3A_104 = tpu.memref_squeeze %dma_start3A_103 : memref<1x1024x32xf32, #tpu.memory_space<vmem>> -> memref<1024x32xf32, #tpu.memory_space<vmem>>
    %dma_start3A_105 = arith.constant 0 : i32
    %dma_start3A_106 = tpu.memref_slice %arg7[%dma_start3A_100, %dma_start3A_105] : memref<25x1024xi32, #tpu.memory_space<vmem>> -> memref<1x1024xi32, #tpu.memory_space<vmem>>
    %dma_start3A_107 = tpu.memref_squeeze %dma_start3A_106 : memref<1x1024xi32, #tpu.memory_space<vmem>> -> memref<1024xi32, #tpu.memory_space<vmem>>
    %dma_start3A_108 = arith.constant 0 : i32
    %dma_start3A_109 = arith.constant 0 : i32
    %dma_start3A_110 = tpu.memref_slice %arg5[%dma_start3A_108, %dma_start3A_109] : memref<851968x32xf32, #tpu.memory_space<hbm>> -> memref<851968x32xf32, #tpu.memory_space<hbm>>
    tpu.enqueue_indirect_dma source(%dma_start3A_104 : memref<1024x32xf32, #tpu.memory_space<vmem>>) target(%dma_start3A_110 : memref<851968x32xf32, #tpu.memory_space<hbm>>) offsets(%dma_start3A_107 : memref<1024xi32, #tpu.memory_space<vmem>>) semaphore(%arg11 : memref<!tpu.dma_semaphore, #tpu.memory_space<semaphore_mem>>)
    %dma_wait3A_111 = arith.constant 1 : i32
    %dma_wait3A_112 = arith.constant 1 : i32
    %dma_wait3A_113 = arith.constant 0 : i32
    %dma_wait3A_114 = arith.constant 0 : i32
    %dma_wait3A_115 = tpu.memref_slice %arg8[%dma_wait3A_111, %dma_wait3A_113, %dma_wait3A_114] : memref<2x1024x32xf32, #tpu.memory_space<vmem>> -> memref<1x1024x32xf32, #tpu.memory_space<vmem>>
    %dma_wait3A_116 = tpu.memref_squeeze %dma_wait3A_115 : memref<1x1024x32xf32, #tpu.memory_space<vmem>> -> memref<1024x32xf32, #tpu.memory_space<vmem>>
    %dma_wait3A_117 = arith.constant 0 : i32
    %dma_wait3A_118 = tpu.memref_slice %arg7[%dma_wait3A_112, %dma_wait3A_117] : memref<25x1024xi32, #tpu.memory_space<vmem>> -> memref<1x1024xi32, #tpu.memory_space<vmem>>
    %dma_wait3A_119 = tpu.memref_squeeze %dma_wait3A_118 : memref<1x1024xi32, #tpu.memory_space<vmem>> -> memref<1024xi32, #tpu.memory_space<vmem>>
    %dma_wait3A_120 = arith.constant 0 : i32
    %dma_wait3A_121 = arith.constant 0 : i32
    %dma_wait3A_122 = tpu.memref_slice %arg5[%dma_wait3A_120, %dma_wait3A_121] : memref<851968x32xf32, #tpu.memory_space<hbm>> -> memref<851968x32xf32, #tpu.memory_space<hbm>>
    tpu.wait_indirect_dma semaphore(%arg12 : memref<!tpu.dma_semaphore, #tpu.memory_space<semaphore_mem>>) src(%dma_wait3A_116 : memref<1024x32xf32, #tpu.memory_space<vmem>>) dst(%dma_wait3A_122 : memref<851968x32xf32, #tpu.memory_space<hbm>>)
    %dma_start3A_123 = arith.constant 1 : i32
    %dma_start3A_124 = arith.constant 0 : i32
    %dma_start3A_125 = arith.constant 0 : i32
    %dma_start3A_126 = tpu.memref_slice %arg8[%dma_start3A_123, %dma_start3A_124, %dma_start3A_125] : memref<2x1024x32xf32, #tpu.memory_space<vmem>> -> memref<1x1024x32xf32, #tpu.memory_space<vmem>>
    %dma_start3A_127 = tpu.memref_squeeze %dma_start3A_126 : memref<1x1024x32xf32, #tpu.memory_space<vmem>> -> memref<1024x32xf32, #tpu.memory_space<vmem>>
    %dma_start3A_128 = arith.constant 3072 : i32
    %dma_start3A_129 = tpu.memref_slice %arg6[%dma_start3A_128] : memref<25600xi32, #tpu.memory_space<vmem>> -> memref<1024xi32, #tpu.memory_space<vmem>>
    %dma_start3A_130 = arith.constant 0 : i32
    %dma_start3A_131 = arith.constant 0 : i32
    %dma_start3A_132 = tpu.memref_slice %arg2[%dma_start3A_130, %dma_start3A_131] : memref<1000001x32xf32, #tpu.memory_space<hbm>> -> memref<1000001x32xf32, #tpu.memory_space<hbm>>
    tpu.enqueue_indirect_dma source(%dma_start3A_132 : memref<1000001x32xf32, #tpu.memory_space<hbm>>) target(%dma_start3A_127 : memref<1024x32xf32, #tpu.memory_space<vmem>>) offsets(%dma_start3A_129 : memref<1024xi32, #tpu.memory_space<vmem>>) semaphore(%arg10 : memref<!tpu.dma_semaphore, #tpu.memory_space<semaphore_mem>>)
    %dma_wait3A_133 = arith.constant 1 : i32
    %dma_wait3A_134 = arith.constant 0 : i32
    %dma_wait3A_135 = arith.constant 0 : i32
    %dma_wait3A_136 = tpu.memref_slice %arg8[%dma_wait3A_133, %dma_wait3A_134, %dma_wait3A_135] : memref<2x1024x32xf32, #tpu.memory_space<vmem>> -> memref<1x1024x32xf32, #tpu.memory_space<vmem>>
    %dma_wait3A_137 = tpu.memref_squeeze %dma_wait3A_136 : memref<1x1024x32xf32, #tpu.memory_space<vmem>> -> memref<1024x32xf32, #tpu.memory_space<vmem>>
    %dma_wait3A_138 = arith.constant 3072 : i32
    %dma_wait3A_139 = tpu.memref_slice %arg6[%dma_wait3A_138] : memref<25600xi32, #tpu.memory_space<vmem>> -> memref<1024xi32, #tpu.memory_space<vmem>>
    %dma_wait3A_140 = arith.constant 0 : i32
    %dma_wait3A_141 = arith.constant 0 : i32
    %dma_wait3A_142 = tpu.memref_slice %arg2[%dma_wait3A_140, %dma_wait3A_141] : memref<1000001x32xf32, #tpu.memory_space<hbm>> -> memref<1000001x32xf32, #tpu.memory_space<hbm>>
    tpu.wait_indirect_dma semaphore(%arg10 : memref<!tpu.dma_semaphore, #tpu.memory_space<semaphore_mem>>) src(%dma_wait3A_142 : memref<1000001x32xf32, #tpu.memory_space<hbm>>) dst(%dma_wait3A_137 : memref<1024x32xf32, #tpu.memory_space<vmem>>)
    %dma_start3A_143 = arith.constant 1 : i32
    %dma_start3A_144 = arith.constant 3 : i32
    %dma_start3A_145 = arith.constant 0 : i32
    %dma_start3A_146 = arith.constant 0 : i32
    %dma_start3A_147 = tpu.memref_slice %arg8[%dma_start3A_143, %dma_start3A_145, %dma_start3A_146] : memref<2x1024x32xf32, #tpu.memory_space<vmem>> -> memref<1x1024x32xf32, #tpu.memory_space<vmem>>
    %dma_start3A_148 = tpu.memref_squeeze %dma_start3A_147 : memref<1x1024x32xf32, #tpu.memory_space<vmem>> -> memref<1024x32xf32, #tpu.memory_space<vmem>>
    %dma_start3A_149 = arith.constant 0 : i32
    %dma_start3A_150 = tpu.memref_slice %arg7[%dma_start3A_144, %dma_start3A_149] : memref<25x1024xi32, #tpu.memory_space<vmem>> -> memref<1x1024xi32, #tpu.memory_space<vmem>>
    %dma_start3A_151 = tpu.memref_squeeze %dma_start3A_150 : memref<1x1024xi32, #tpu.memory_space<vmem>> -> memref<1024xi32, #tpu.memory_space<vmem>>
    %dma_start3A_152 = arith.constant 0 : i32
    %dma_start3A_153 = arith.constant 0 : i32
    %dma_start3A_154 = tpu.memref_slice %arg5[%dma_start3A_152, %dma_start3A_153] : memref<851968x32xf32, #tpu.memory_space<hbm>> -> memref<851968x32xf32, #tpu.memory_space<hbm>>
    tpu.enqueue_indirect_dma source(%dma_start3A_148 : memref<1024x32xf32, #tpu.memory_space<vmem>>) target(%dma_start3A_154 : memref<851968x32xf32, #tpu.memory_space<hbm>>) offsets(%dma_start3A_151 : memref<1024xi32, #tpu.memory_space<vmem>>) semaphore(%arg12 : memref<!tpu.dma_semaphore, #tpu.memory_space<semaphore_mem>>)
    %dma_wait3A_155 = arith.constant 0 : i32
    %dma_wait3A_156 = arith.constant 2 : i32
    %dma_wait3A_157 = arith.constant 0 : i32
    %dma_wait3A_158 = arith.constant 0 : i32
    %dma_wait3A_159 = tpu.memref_slice %arg8[%dma_wait3A_155, %dma_wait3A_157, %dma_wait3A_158] : memref<2x1024x32xf32, #tpu.memory_space<vmem>> -> memref<1x1024x32xf32, #tpu.memory_space<vmem>>
    %dma_wait3A_160 = tpu.memref_squeeze %dma_wait3A_159 : memref<1x1024x32xf32, #tpu.memory_space<vmem>> -> memref<1024x32xf32, #tpu.memory_space<vmem>>
    %dma_wait3A_161 = arith.constant 0 : i32
    %dma_wait3A_162 = tpu.memref_slice %arg7[%dma_wait3A_156, %dma_wait3A_161] : memref<25x1024xi32, #tpu.memory_space<vmem>> -> memref<1x1024xi32, #tpu.memory_space<vmem>>
    %dma_wait3A_163 = tpu.memref_squeeze %dma_wait3A_162 : memref<1x1024xi32, #tpu.memory_space<vmem>> -> memref<1024xi32, #tpu.memory_space<vmem>>
    %dma_wait3A_164 = arith.constant 0 : i32
    %dma_wait3A_165 = arith.constant 0 : i32
    %dma_wait3A_166 = tpu.memref_slice %arg5[%dma_wait3A_164, %dma_wait3A_165] : memref<851968x32xf32, #tpu.memory_space<hbm>> -> memref<851968x32xf32, #tpu.memory_space<hbm>>
    tpu.wait_indirect_dma semaphore(%arg11 : memref<!tpu.dma_semaphore, #tpu.memory_space<semaphore_mem>>) src(%dma_wait3A_160 : memref<1024x32xf32, #tpu.memory_space<vmem>>) dst(%dma_wait3A_166 : memref<851968x32xf32, #tpu.memory_space<hbm>>)
    %dma_start3A_167 = arith.constant 0 : i32
    %dma_start3A_168 = arith.constant 0 : i32
    %dma_start3A_169 = arith.constant 0 : i32
    %dma_start3A_170 = tpu.memref_slice %arg8[%dma_start3A_167, %dma_start3A_168, %dma_start3A_169] : memref<2x1024x32xf32, #tpu.memory_space<vmem>> -> memref<1x1024x32xf32, #tpu.memory_space<vmem>>
    %dma_start3A_171 = tpu.memref_squeeze %dma_start3A_170 : memref<1x1024x32xf32, #tpu.memory_space<vmem>> -> memref<1024x32xf32, #tpu.memory_space<vmem>>
    %dma_start3A_172 = arith.constant 4096 : i32
    %dma_start3A_173 = tpu.memref_slice %arg6[%dma_start3A_172] : memref<25600xi32, #tpu.memory_space<vmem>> -> memref<1024xi32, #tpu.memory_space<vmem>>
    %dma_start3A_174 = arith.constant 0 : i32
    %dma_start3A_175 = arith.constant 0 : i32
    %dma_start3A_176 = tpu.memref_slice %arg2[%dma_start3A_174, %dma_start3A_175] : memref<1000001x32xf32, #tpu.memory_space<hbm>> -> memref<1000001x32xf32, #tpu.memory_space<hbm>>
    tpu.enqueue_indirect_dma source(%dma_start3A_176 : memref<1000001x32xf32, #tpu.memory_space<hbm>>) target(%dma_start3A_171 : memref<1024x32xf32, #tpu.memory_space<vmem>>) offsets(%dma_start3A_173 : memref<1024xi32, #tpu.memory_space<vmem>>) semaphore(%arg9 : memref<!tpu.dma_semaphore, #tpu.memory_space<semaphore_mem>>)
    %dma_wait3A_177 = arith.constant 0 : i32
    %dma_wait3A_178 = arith.constant 0 : i32
    %dma_wait3A_179 = arith.constant 0 : i32
    %dma_wait3A_180 = tpu.memref_slice %arg8[%dma_wait3A_177, %dma_wait3A_178, %dma_wait3A_179] : memref<2x1024x32xf32, #tpu.memory_space<vmem>> -> memref<1x1024x32xf32, #tpu.memory_space<vmem>>
    %dma_wait3A_181 = tpu.memref_squeeze %dma_wait3A_180 : memref<1x1024x32xf32, #tpu.memory_space<vmem>> -> memref<1024x32xf32, #tpu.memory_space<vmem>>
    %dma_wait3A_182 = arith.constant 4096 : i32
    %dma_wait3A_183 = tpu.memref_slice %arg6[%dma_wait3A_182] : memref<25600xi32, #tpu.memory_space<vmem>> -> memref<1024xi32, #tpu.memory_space<vmem>>
    %dma_wait3A_184 = arith.constant 0 : i32
    %dma_wait3A_185 = arith.constant 0 : i32
    %dma_wait3A_186 = tpu.memref_slice %arg2[%dma_wait3A_184, %dma_wait3A_185] : memref<1000001x32xf32, #tpu.memory_space<hbm>> -> memref<1000001x32xf32, #tpu.memory_space<hbm>>
    tpu.wait_indirect_dma semaphore(%arg9 : memref<!tpu.dma_semaphore, #tpu.memory_space<semaphore_mem>>) src(%dma_wait3A_186 : memref<1000001x32xf32, #tpu.memory_space<hbm>>) dst(%dma_wait3A_181 : memref<1024x32xf32, #tpu.memory_space<vmem>>)
    %dma_start3A_187 = arith.constant 0 : i32
    %dma_start3A_188 = arith.constant 4 : i32
    %dma_start3A_189 = arith.constant 0 : i32
    %dma_start3A_190 = arith.constant 0 : i32
    %dma_start3A_191 = tpu.memref_slice %arg8[%dma_start3A_187, %dma_start3A_189, %dma_start3A_190] : memref<2x1024x32xf32, #tpu.memory_space<vmem>> -> memref<1x1024x32xf32, #tpu.memory_space<vmem>>
    %dma_start3A_192 = tpu.memref_squeeze %dma_start3A_191 : memref<1x1024x32xf32, #tpu.memory_space<vmem>> -> memref<1024x32xf32, #tpu.memory_space<vmem>>
    %dma_start3A_193 = arith.constant 0 : i32
    %dma_start3A_194 = tpu.memref_slice %arg7[%dma_start3A_188, %dma_start3A_193] : memref<25x1024xi32, #tpu.memory_space<vmem>> -> memref<1x1024xi32, #tpu.memory_space<vmem>>
    %dma_start3A_195 = tpu.memref_squeeze %dma_start3A_194 : memref<1x1024xi32, #tpu.memory_space<vmem>> -> memref<1024xi32, #tpu.memory_space<vmem>>
    %dma_start3A_196 = arith.constant 0 : i32
    %dma_start3A_197 = arith.constant 0 : i32
    %dma_start3A_198 = tpu.memref_slice %arg5[%dma_start3A_196, %dma_start3A_197] : memref<851968x32xf32, #tpu.memory_space<hbm>> -> memref<851968x32xf32, #tpu.memory_space<hbm>>
    tpu.enqueue_indirect_dma source(%dma_start3A_192 : memref<1024x32xf32, #tpu.memory_space<vmem>>) target(%dma_start3A_198 : memref<851968x32xf32, #tpu.memory_space<hbm>>) offsets(%dma_start3A_195 : memref<1024xi32, #tpu.memory_space<vmem>>) semaphore(%arg11 : memref<!tpu.dma_semaphore, #tpu.memory_space<semaphore_mem>>)
    %dma_wait3A_199 = arith.constant 1 : i32
    %dma_wait3A_200 = arith.constant 3 : i32
    %dma_wait3A_201 = arith.constant 0 : i32
    %dma_wait3A_202 = arith.constant 0 : i32
    %dma_wait3A_203 = tpu.memref_slice %arg8[%dma_wait3A_199, %dma_wait3A_201, %dma_wait3A_202] : memref<2x1024x32xf32, #tpu.memory_space<vmem>> -> memref<1x1024x32xf32, #tpu.memory_space<vmem>>
    %dma_wait3A_204 = tpu.memref_squeeze %dma_wait3A_203 : memref<1x1024x32xf32, #tpu.memory_space<vmem>> -> memref<1024x32xf32, #tpu.memory_space<vmem>>
    %dma_wait3A_205 = arith.constant 0 : i32
    %dma_wait3A_206 = tpu.memref_slice %arg7[%dma_wait3A_200, %dma_wait3A_205] : memref<25x1024xi32, #tpu.memory_space<vmem>> -> memref<1x1024xi32, #tpu.memory_space<vmem>>
    %dma_wait3A_207 = tpu.memref_squeeze %dma_wait3A_206 : memref<1x1024xi32, #tpu.memory_space<vmem>> -> memref<1024xi32, #tpu.memory_space<vmem>>
    %dma_wait3A_208 = arith.constant 0 : i32
    %dma_wait3A_209 = arith.constant 0 : i32
    %dma_wait3A_210 = tpu.memref_slice %arg5[%dma_wait3A_208, %dma_wait3A_209] : memref<851968x32xf32, #tpu.memory_space<hbm>> -> memref<851968x32xf32, #tpu.memory_space<hbm>>
    tpu.wait_indirect_dma semaphore(%arg12 : memref<!tpu.dma_semaphore, #tpu.memory_space<semaphore_mem>>) src(%dma_wait3A_204 : memref<1024x32xf32, #tpu.memory_space<vmem>>) dst(%dma_wait3A_210 : memref<851968x32xf32, #tpu.memory_space<hbm>>)
    %dma_start3A_211 = arith.constant 1 : i32
    %dma_start3A_212 = arith.constant 0 : i32
    %dma_start3A_213 = arith.constant 0 : i32
    %dma_start3A_214 = tpu.memref_slice %arg8[%dma_start3A_211, %dma_start3A_212, %dma_start3A_213] : memref<2x1024x32xf32, #tpu.memory_space<vmem>> -> memref<1x1024x32xf32, #tpu.memory_space<vmem>>
    %dma_start3A_215 = tpu.memref_squeeze %dma_start3A_214 : memref<1x1024x32xf32, #tpu.memory_space<vmem>> -> memref<1024x32xf32, #tpu.memory_space<vmem>>
    %dma_start3A_216 = arith.constant 5120 : i32
    %dma_start3A_217 = tpu.memref_slice %arg6[%dma_start3A_216] : memref<25600xi32, #tpu.memory_space<vmem>> -> memref<1024xi32, #tpu.memory_space<vmem>>
    %dma_start3A_218 = arith.constant 0 : i32
    %dma_start3A_219 = arith.constant 0 : i32
    %dma_start3A_220 = tpu.memref_slice %arg2[%dma_start3A_218, %dma_start3A_219] : memref<1000001x32xf32, #tpu.memory_space<hbm>> -> memref<1000001x32xf32, #tpu.memory_space<hbm>>
    tpu.enqueue_indirect_dma source(%dma_start3A_220 : memref<1000001x32xf32, #tpu.memory_space<hbm>>) target(%dma_start3A_215 : memref<1024x32xf32, #tpu.memory_space<vmem>>) offsets(%dma_start3A_217 : memref<1024xi32, #tpu.memory_space<vmem>>) semaphore(%arg10 : memref<!tpu.dma_semaphore, #tpu.memory_space<semaphore_mem>>)
    %dma_wait3A_221 = arith.constant 1 : i32
    %dma_wait3A_222 = arith.constant 0 : i32
    %dma_wait3A_223 = arith.constant 0 : i32
    %dma_wait3A_224 = tpu.memref_slice %arg8[%dma_wait3A_221, %dma_wait3A_222, %dma_wait3A_223] : memref<2x1024x32xf32, #tpu.memory_space<vmem>> -> memref<1x1024x32xf32, #tpu.memory_space<vmem>>
    %dma_wait3A_225 = tpu.memref_squeeze %dma_wait3A_224 : memref<1x1024x32xf32, #tpu.memory_space<vmem>> -> memref<1024x32xf32, #tpu.memory_space<vmem>>
    %dma_wait3A_226 = arith.constant 5120 : i32
    %dma_wait3A_227 = tpu.memref_slice %arg6[%dma_wait3A_226] : memref<25600xi32, #tpu.memory_space<vmem>> -> memref<1024xi32, #tpu.memory_space<vmem>>
    %dma_wait3A_228 = arith.constant 0 : i32
    %dma_wait3A_229 = arith.constant 0 : i32
    %dma_wait3A_230 = tpu.memref_slice %arg2[%dma_wait3A_228, %dma_wait3A_229] : memref<1000001x32xf32, #tpu.memory_space<hbm>> -> memref<1000001x32xf32, #tpu.memory_space<hbm>>
    tpu.wait_indirect_dma semaphore(%arg10 : memref<!tpu.dma_semaphore, #tpu.memory_space<semaphore_mem>>) src(%dma_wait3A_230 : memref<1000001x32xf32, #tpu.memory_space<hbm>>) dst(%dma_wait3A_225 : memref<1024x32xf32, #tpu.memory_space<vmem>>)
    %dma_start3A_231 = arith.constant 1 : i32
    %dma_start3A_232 = arith.constant 5 : i32
    %dma_start3A_233 = arith.constant 0 : i32
    %dma_start3A_234 = arith.constant 0 : i32
    %dma_start3A_235 = tpu.memref_slice %arg8[%dma_start3A_231, %dma_start3A_233, %dma_start3A_234] : memref<2x1024x32xf32, #tpu.memory_space<vmem>> -> memref<1x1024x32xf32, #tpu.memory_space<vmem>>
    %dma_start3A_236 = tpu.memref_squeeze %dma_start3A_235 : memref<1x1024x32xf32, #tpu.memory_space<vmem>> -> memref<1024x32xf32, #tpu.memory_space<vmem>>
    %dma_start3A_237 = arith.constant 0 : i32
    %dma_start3A_238 = tpu.memref_slice %arg7[%dma_start3A_232, %dma_start3A_237] : memref<25x1024xi32, #tpu.memory_space<vmem>> -> memref<1x1024xi32, #tpu.memory_space<vmem>>
    %dma_start3A_239 = tpu.memref_squeeze %dma_start3A_238 : memref<1x1024xi32, #tpu.memory_space<vmem>> -> memref<1024xi32, #tpu.memory_space<vmem>>
    %dma_start3A_240 = arith.constant 0 : i32
    %dma_start3A_241 = arith.constant 0 : i32
    %dma_start3A_242 = tpu.memref_slice %arg5[%dma_start3A_240, %dma_start3A_241] : memref<851968x32xf32, #tpu.memory_space<hbm>> -> memref<851968x32xf32, #tpu.memory_space<hbm>>
    tpu.enqueue_indirect_dma source(%dma_start3A_236 : memref<1024x32xf32, #tpu.memory_space<vmem>>) target(%dma_start3A_242 : memref<851968x32xf32, #tpu.memory_space<hbm>>) offsets(%dma_start3A_239 : memref<1024xi32, #tpu.memory_space<vmem>>) semaphore(%arg12 : memref<!tpu.dma_semaphore, #tpu.memory_space<semaphore_mem>>)
    %dma_wait3A_243 = arith.constant 0 : i32
    %dma_wait3A_244 = arith.constant 4 : i32
    %dma_wait3A_245 = arith.constant 0 : i32
    %dma_wait3A_246 = arith.constant 0 : i32
    %dma_wait3A_247 = tpu.memref_slice %arg8[%dma_wait3A_243, %dma_wait3A_245, %dma_wait3A_246] : memref<2x1024x32xf32, #tpu.memory_space<vmem>> -> memref<1x1024x32xf32, #tpu.memory_space<vmem>>
    %dma_wait3A_248 = tpu.memref_squeeze %dma_wait3A_247 : memref<1x1024x32xf32, #tpu.memory_space<vmem>> -> memref<1024x32xf32, #tpu.memory_space<vmem>>
    %dma_wait3A_249 = arith.constant 0 : i32
    %dma_wait3A_250 = tpu.memref_slice %arg7[%dma_wait3A_244, %dma_wait3A_249] : memref<25x1024xi32, #tpu.memory_space<vmem>> -> memref<1x1024xi32, #tpu.memory_space<vmem>>
    %dma_wait3A_251 = tpu.memref_squeeze %dma_wait3A_250 : memref<1x1024xi32, #tpu.memory_space<vmem>> -> memref<1024xi32, #tpu.memory_space<vmem>>
    %dma_wait3A_252 = arith.constant 0 : i32
    %dma_wait3A_253 = arith.constant 0 : i32
    %dma_wait3A_254 = tpu.memref_slice %arg5[%dma_wait3A_252, %dma_wait3A_253] : memref<851968x32xf32, #tpu.memory_space<hbm>> -> memref<851968x32xf32, #tpu.memory_space<hbm>>
    tpu.wait_indirect_dma semaphore(%arg11 : memref<!tpu.dma_semaphore, #tpu.memory_space<semaphore_mem>>) src(%dma_wait3A_248 : memref<1024x32xf32, #tpu.memory_space<vmem>>) dst(%dma_wait3A_254 : memref<851968x32xf32, #tpu.memory_space<hbm>>)
    %dma_start3A_255 = arith.constant 0 : i32
    %dma_start3A_256 = arith.constant 0 : i32
    %dma_start3A_257 = arith.constant 0 : i32
    %dma_start3A_258 = tpu.memref_slice %arg8[%dma_start3A_255, %dma_start3A_256, %dma_start3A_257] : memref<2x1024x32xf32, #tpu.memory_space<vmem>> -> memref<1x1024x32xf32, #tpu.memory_space<vmem>>
    %dma_start3A_259 = tpu.memref_squeeze %dma_start3A_258 : memref<1x1024x32xf32, #tpu.memory_space<vmem>> -> memref<1024x32xf32, #tpu.memory_space<vmem>>
    %dma_start3A_260 = arith.constant 6144 : i32
    %dma_start3A_261 = tpu.memref_slice %arg6[%dma_start3A_260] : memref<25600xi32, #tpu.memory_space<vmem>> -> memref<1024xi32, #tpu.memory_space<vmem>>
    %dma_start3A_262 = arith.constant 0 : i32
    %dma_start3A_263 = arith.constant 0 : i32
    %dma_start3A_264 = tpu.memref_slice %arg2[%dma_start3A_262, %dma_start3A_263] : memref<1000001x32xf32, #tpu.memory_space<hbm>> -> memref<1000001x32xf32, #tpu.memory_space<hbm>>
    tpu.enqueue_indirect_dma source(%dma_start3A_264 : memref<1000001x32xf32, #tpu.memory_space<hbm>>) target(%dma_start3A_259 : memref<1024x32xf32, #tpu.memory_space<vmem>>) offsets(%dma_start3A_261 : memref<1024xi32, #tpu.memory_space<vmem>>) semaphore(%arg9 : memref<!tpu.dma_semaphore, #tpu.memory_space<semaphore_mem>>)
    %dma_wait3A_265 = arith.constant 0 : i32
    %dma_wait3A_266 = arith.constant 0 : i32
    %dma_wait3A_267 = arith.constant 0 : i32
    %dma_wait3A_268 = tpu.memref_slice %arg8[%dma_wait3A_265, %dma_wait3A_266, %dma_wait3A_267] : memref<2x1024x32xf32, #tpu.memory_space<vmem>> -> memref<1x1024x32xf32, #tpu.memory_space<vmem>>
    %dma_wait3A_269 = tpu.memref_squeeze %dma_wait3A_268 : memref<1x1024x32xf32, #tpu.memory_space<vmem>> -> memref<1024x32xf32, #tpu.memory_space<vmem>>
    %dma_wait3A_270 = arith.constant 6144 : i32
    %dma_wait3A_271 = tpu.memref_slice %arg6[%dma_wait3A_270] : memref<25600xi32, #tpu.memory_space<vmem>> -> memref<1024xi32, #tpu.memory_space<vmem>>
    %dma_wait3A_272 = arith.constant 0 : i32
    %dma_wait3A_273 = arith.constant 0 : i32
    %dma_wait3A_274 = tpu.memref_slice %arg2[%dma_wait3A_272, %dma_wait3A_273] : memref<1000001x32xf32, #tpu.memory_space<hbm>> -> memref<1000001x32xf32, #tpu.memory_space<hbm>>
    tpu.wait_indirect_dma semaphore(%arg9 : memref<!tpu.dma_semaphore, #tpu.memory_space<semaphore_mem>>) src(%dma_wait3A_274 : memref<1000001x32xf32, #tpu.memory_space<hbm>>) dst(%dma_wait3A_269 : memref<1024x32xf32, #tpu.memory_space<vmem>>)
    %dma_start3A_275 = arith.constant 0 : i32
    %dma_start3A_276 = arith.constant 6 : i32
    %dma_start3A_277 = arith.constant 0 : i32
    %dma_start3A_278 = arith.constant 0 : i32
    %dma_start3A_279 = tpu.memref_slice %arg8[%dma_start3A_275, %dma_start3A_277, %dma_start3A_278] : memref<2x1024x32xf32, #tpu.memory_space<vmem>> -> memref<1x1024x32xf32, #tpu.memory_space<vmem>>
    %dma_start3A_280 = tpu.memref_squeeze %dma_start3A_279 : memref<1x1024x32xf32, #tpu.memory_space<vmem>> -> memref<1024x32xf32, #tpu.memory_space<vmem>>
    %dma_start3A_281 = arith.constant 0 : i32
    %dma_start3A_282 = tpu.memref_slice %arg7[%dma_start3A_276, %dma_start3A_281] : memref<25x1024xi32, #tpu.memory_space<vmem>> -> memref<1x1024xi32, #tpu.memory_space<vmem>>
    %dma_start3A_283 = tpu.memref_squeeze %dma_start3A_282 : memref<1x1024xi32, #tpu.memory_space<vmem>> -> memref<1024xi32, #tpu.memory_space<vmem>>
    %dma_start3A_284 = arith.constant 0 : i32
    %dma_start3A_285 = arith.constant 0 : i32
    %dma_start3A_286 = tpu.memref_slice %arg5[%dma_start3A_284, %dma_start3A_285] : memref<851968x32xf32, #tpu.memory_space<hbm>> -> memref<851968x32xf32, #tpu.memory_space<hbm>>
    tpu.enqueue_indirect_dma source(%dma_start3A_280 : memref<1024x32xf32, #tpu.memory_space<vmem>>) target(%dma_start3A_286 : memref<851968x32xf32, #tpu.memory_space<hbm>>) offsets(%dma_start3A_283 : memref<1024xi32, #tpu.memory_space<vmem>>) semaphore(%arg11 : memref<!tpu.dma_semaphore, #tpu.memory_space<semaphore_mem>>)
    %dma_wait3A_287 = arith.constant 1 : i32
    %dma_wait3A_288 = arith.constant 5 : i32
    %dma_wait3A_289 = arith.constant 0 : i32
    %dma_wait3A_290 = arith.constant 0 : i32
    %dma_wait3A_291 = tpu.memref_slice %arg8[%dma_wait3A_287, %dma_wait3A_289, %dma_wait3A_290] : memref<2x1024x32xf32, #tpu.memory_space<vmem>> -> memref<1x1024x32xf32, #tpu.memory_space<vmem>>
    %dma_wait3A_292 = tpu.memref_squeeze %dma_wait3A_291 : memref<1x1024x32xf32, #tpu.memory_space<vmem>> -> memref<1024x32xf32, #tpu.memory_space<vmem>>
    %dma_wait3A_293 = arith.constant 0 : i32
    %dma_wait3A_294 = tpu.memref_slice %arg7[%dma_wait3A_288, %dma_wait3A_293] : memref<25x1024xi32, #tpu.memory_space<vmem>> -> memref<1x1024xi32, #tpu.memory_space<vmem>>
    %dma_wait3A_295 = tpu.memref_squeeze %dma_wait3A_294 : memref<1x1024xi32, #tpu.memory_space<vmem>> -> memref<1024xi32, #tpu.memory_space<vmem>>
    %dma_wait3A_296 = arith.constant 0 : i32
    %dma_wait3A_297 = arith.constant 0 : i32
    %dma_wait3A_298 = tpu.memref_slice %arg5[%dma_wait3A_296, %dma_wait3A_297] : memref<851968x32xf32, #tpu.memory_space<hbm>> -> memref<851968x32xf32, #tpu.memory_space<hbm>>
    tpu.wait_indirect_dma semaphore(%arg12 : memref<!tpu.dma_semaphore, #tpu.memory_space<semaphore_mem>>) src(%dma_wait3A_292 : memref<1024x32xf32, #tpu.memory_space<vmem>>) dst(%dma_wait3A_298 : memref<851968x32xf32, #tpu.memory_space<hbm>>)
    %dma_start3A_299 = arith.constant 1 : i32
    %dma_start3A_300 = arith.constant 0 : i32
    %dma_start3A_301 = arith.constant 0 : i32
    %dma_start3A_302 = tpu.memref_slice %arg8[%dma_start3A_299, %dma_start3A_300, %dma_start3A_301] : memref<2x1024x32xf32, #tpu.memory_space<vmem>> -> memref<1x1024x32xf32, #tpu.memory_space<vmem>>
    %dma_start3A_303 = tpu.memref_squeeze %dma_start3A_302 : memref<1x1024x32xf32, #tpu.memory_space<vmem>> -> memref<1024x32xf32, #tpu.memory_space<vmem>>
    %dma_start3A_304 = arith.constant 7168 : i32
    %dma_start3A_305 = tpu.memref_slice %arg6[%dma_start3A_304] : memref<25600xi32, #tpu.memory_space<vmem>> -> memref<1024xi32, #tpu.memory_space<vmem>>
    %dma_start3A_306 = arith.constant 0 : i32
    %dma_start3A_307 = arith.constant 0 : i32
    %dma_start3A_308 = tpu.memref_slice %arg2[%dma_start3A_306, %dma_start3A_307] : memref<1000001x32xf32, #tpu.memory_space<hbm>> -> memref<1000001x32xf32, #tpu.memory_space<hbm>>
    tpu.enqueue_indirect_dma source(%dma_start3A_308 : memref<1000001x32xf32, #tpu.memory_space<hbm>>) target(%dma_start3A_303 : memref<1024x32xf32, #tpu.memory_space<vmem>>) offsets(%dma_start3A_305 : memref<1024xi32, #tpu.memory_space<vmem>>) semaphore(%arg10 : memref<!tpu.dma_semaphore, #tpu.memory_space<semaphore_mem>>)
    %dma_wait3A_309 = arith.constant 1 : i32
    %dma_wait3A_310 = arith.constant 0 : i32
    %dma_wait3A_311 = arith.constant 0 : i32
    %dma_wait3A_312 = tpu.memref_slice %arg8[%dma_wait3A_309, %dma_wait3A_310, %dma_wait3A_311] : memref<2x1024x32xf32, #tpu.memory_space<vmem>> -> memref<1x1024x32xf32, #tpu.memory_space<vmem>>
    %dma_wait3A_313 = tpu.memref_squeeze %dma_wait3A_312 : memref<1x1024x32xf32, #tpu.memory_space<vmem>> -> memref<1024x32xf32, #tpu.memory_space<vmem>>
    %dma_wait3A_314 = arith.constant 7168 : i32
    %dma_wait3A_315 = tpu.memref_slice %arg6[%dma_wait3A_314] : memref<25600xi32, #tpu.memory_space<vmem>> -> memref<1024xi32, #tpu.memory_space<vmem>>
    %dma_wait3A_316 = arith.constant 0 : i32
    %dma_wait3A_317 = arith.constant 0 : i32
    %dma_wait3A_318 = tpu.memref_slice %arg2[%dma_wait3A_316, %dma_wait3A_317] : memref<1000001x32xf32, #tpu.memory_space<hbm>> -> memref<1000001x32xf32, #tpu.memory_space<hbm>>
    tpu.wait_indirect_dma semaphore(%arg10 : memref<!tpu.dma_semaphore, #tpu.memory_space<semaphore_mem>>) src(%dma_wait3A_318 : memref<1000001x32xf32, #tpu.memory_space<hbm>>) dst(%dma_wait3A_313 : memref<1024x32xf32, #tpu.memory_space<vmem>>)
    %dma_start3A_319 = arith.constant 1 : i32
    %dma_start3A_320 = arith.constant 7 : i32
    %dma_start3A_321 = arith.constant 0 : i32
    %dma_start3A_322 = arith.constant 0 : i32
    %dma_start3A_323 = tpu.memref_slice %arg8[%dma_start3A_319, %dma_start3A_321, %dma_start3A_322] : memref<2x1024x32xf32, #tpu.memory_space<vmem>> -> memref<1x1024x32xf32, #tpu.memory_space<vmem>>
    %dma_start3A_324 = tpu.memref_squeeze %dma_start3A_323 : memref<1x1024x32xf32, #tpu.memory_space<vmem>> -> memref<1024x32xf32, #tpu.memory_space<vmem>>
    %dma_start3A_325 = arith.constant 0 : i32
    %dma_start3A_326 = tpu.memref_slice %arg7[%dma_start3A_320, %dma_start3A_325] : memref<25x1024xi32, #tpu.memory_space<vmem>> -> memref<1x1024xi32, #tpu.memory_space<vmem>>
    %dma_start3A_327 = tpu.memref_squeeze %dma_start3A_326 : memref<1x1024xi32, #tpu.memory_space<vmem>> -> memref<1024xi32, #tpu.memory_space<vmem>>
    %dma_start3A_328 = arith.constant 0 : i32
    %dma_start3A_329 = arith.constant 0 : i32
    %dma_start3A_330 = tpu.memref_slice %arg5[%dma_start3A_328, %dma_start3A_329] : memref<851968x32xf32, #tpu.memory_space<hbm>> -> memref<851968x32xf32, #tpu.memory_space<hbm>>
    tpu.enqueue_indirect_dma source(%dma_start3A_324 : memref<1024x32xf32, #tpu.memory_space<vmem>>) target(%dma_start3A_330 : memref<851968x32xf32, #tpu.memory_space<hbm>>) offsets(%dma_start3A_327 : memref<1024xi32, #tpu.memory_space<vmem>>) semaphore(%arg12 : memref<!tpu.dma_semaphore, #tpu.memory_space<semaphore_mem>>)
    %dma_wait3A_331 = arith.constant 0 : i32
    %dma_wait3A_332 = arith.constant 6 : i32
    %dma_wait3A_333 = arith.constant 0 : i32
    %dma_wait3A_334 = arith.constant 0 : i32
    %dma_wait3A_335 = tpu.memref_slice %arg8[%dma_wait3A_331, %dma_wait3A_333, %dma_wait3A_334] : memref<2x1024x32xf32, #tpu.memory_space<vmem>> -> memref<1x1024x32xf32, #tpu.memory_space<vmem>>
    %dma_wait3A_336 = tpu.memref_squeeze %dma_wait3A_335 : memref<1x1024x32xf32, #tpu.memory_space<vmem>> -> memref<1024x32xf32, #tpu.memory_space<vmem>>
    %dma_wait3A_337 = arith.constant 0 : i32
    %dma_wait3A_338 = tpu.memref_slice %arg7[%dma_wait3A_332, %dma_wait3A_337] : memref<25x1024xi32, #tpu.memory_space<vmem>> -> memref<1x1024xi32, #tpu.memory_space<vmem>>
    %dma_wait3A_339 = tpu.memref_squeeze %dma_wait3A_338 : memref<1x1024xi32, #tpu.memory_space<vmem>> -> memref<1024xi32, #tpu.memory_space<vmem>>
    %dma_wait3A_340 = arith.constant 0 : i32
    %dma_wait3A_341 = arith.constant 0 : i32
    %dma_wait3A_342 = tpu.memref_slice %arg5[%dma_wait3A_340, %dma_wait3A_341] : memref<851968x32xf32, #tpu.memory_space<hbm>> -> memref<851968x32xf32, #tpu.memory_space<hbm>>
    tpu.wait_indirect_dma semaphore(%arg11 : memref<!tpu.dma_semaphore, #tpu.memory_space<semaphore_mem>>) src(%dma_wait3A_336 : memref<1024x32xf32, #tpu.memory_space<vmem>>) dst(%dma_wait3A_342 : memref<851968x32xf32, #tpu.memory_space<hbm>>)
    %dma_start3A_343 = arith.constant 0 : i32
    %dma_start3A_344 = arith.constant 0 : i32
    %dma_start3A_345 = arith.constant 0 : i32
    %dma_start3A_346 = tpu.memref_slice %arg8[%dma_start3A_343, %dma_start3A_344, %dma_start3A_345] : memref<2x1024x32xf32, #tpu.memory_space<vmem>> -> memref<1x1024x32xf32, #tpu.memory_space<vmem>>
    %dma_start3A_347 = tpu.memref_squeeze %dma_start3A_346 : memref<1x1024x32xf32, #tpu.memory_space<vmem>> -> memref<1024x32xf32, #tpu.memory_space<vmem>>
    %dma_start3A_348 = arith.constant 8192 : i32
    %dma_start3A_349 = tpu.memref_slice %arg6[%dma_start3A_348] : memref<25600xi32, #tpu.memory_space<vmem>> -> memref<1024xi32, #tpu.memory_space<vmem>>
    %dma_start3A_350 = arith.constant 0 : i32
    %dma_start3A_351 = arith.constant 0 : i32
    %dma_start3A_352 = tpu.memref_slice %arg2[%dma_start3A_350, %dma_start3A_351] : memref<1000001x32xf32, #tpu.memory_space<hbm>> -> memref<1000001x32xf32, #tpu.memory_space<hbm>>
    tpu.enqueue_indirect_dma source(%dma_start3A_352 : memref<1000001x32xf32, #tpu.memory_space<hbm>>) target(%dma_start3A_347 : memref<1024x32xf32, #tpu.memory_space<vmem>>) offsets(%dma_start3A_349 : memref<1024xi32, #tpu.memory_space<vmem>>) semaphore(%arg9 : memref<!tpu.dma_semaphore, #tpu.memory_space<semaphore_mem>>)
    %dma_wait3A_353 = arith.constant 0 : i32
    %dma_wait3A_354 = arith.constant 0 : i32
    %dma_wait3A_355 = arith.constant 0 : i32
    %dma_wait3A_356 = tpu.memref_slice %arg8[%dma_wait3A_353, %dma_wait3A_354, %dma_wait3A_355] : memref<2x1024x32xf32, #tpu.memory_space<vmem>> -> memref<1x1024x32xf32, #tpu.memory_space<vmem>>
    %dma_wait3A_357 = tpu.memref_squeeze %dma_wait3A_356 : memref<1x1024x32xf32, #tpu.memory_space<vmem>> -> memref<1024x32xf32, #tpu.memory_space<vmem>>
    %dma_wait3A_358 = arith.constant 8192 : i32
    %dma_wait3A_359 = tpu.memref_slice %arg6[%dma_wait3A_358] : memref<25600xi32, #tpu.memory_space<vmem>> -> memref<1024xi32, #tpu.memory_space<vmem>>
    %dma_wait3A_360 = arith.constant 0 : i32
    %dma_wait3A_361 = arith.constant 0 : i32
    %dma_wait3A_362 = tpu.memref_slice %arg2[%dma_wait3A_360, %dma_wait3A_361] : memref<1000001x32xf32, #tpu.memory_space<hbm>> -> memref<1000001x32xf32, #tpu.memory_space<hbm>>
    tpu.wait_indirect_dma semaphore(%arg9 : memref<!tpu.dma_semaphore, #tpu.memory_space<semaphore_mem>>) src(%dma_wait3A_362 : memref<1000001x32xf32, #tpu.memory_space<hbm>>) dst(%dma_wait3A_357 : memref<1024x32xf32, #tpu.memory_space<vmem>>)
    %dma_start3A_363 = arith.constant 0 : i32
    %dma_start3A_364 = arith.constant 8 : i32
    %dma_start3A_365 = arith.constant 0 : i32
    %dma_start3A_366 = arith.constant 0 : i32
    %dma_start3A_367 = tpu.memref_slice %arg8[%dma_start3A_363, %dma_start3A_365, %dma_start3A_366] : memref<2x1024x32xf32, #tpu.memory_space<vmem>> -> memref<1x1024x32xf32, #tpu.memory_space<vmem>>
    %dma_start3A_368 = tpu.memref_squeeze %dma_start3A_367 : memref<1x1024x32xf32, #tpu.memory_space<vmem>> -> memref<1024x32xf32, #tpu.memory_space<vmem>>
    %dma_start3A_369 = arith.constant 0 : i32
    %dma_start3A_370 = tpu.memref_slice %arg7[%dma_start3A_364, %dma_start3A_369] : memref<25x1024xi32, #tpu.memory_space<vmem>> -> memref<1x1024xi32, #tpu.memory_space<vmem>>
    %dma_start3A_371 = tpu.memref_squeeze %dma_start3A_370 : memref<1x1024xi32, #tpu.memory_space<vmem>> -> memref<1024xi32, #tpu.memory_space<vmem>>
    %dma_start3A_372 = arith.constant 0 : i32
    %dma_start3A_373 = arith.constant 0 : i32
    %dma_start3A_374 = tpu.memref_slice %arg5[%dma_start3A_372, %dma_start3A_373] : memref<851968x32xf32, #tpu.memory_space<hbm>> -> memref<851968x32xf32, #tpu.memory_space<hbm>>
    tpu.enqueue_indirect_dma source(%dma_start3A_368 : memref<1024x32xf32, #tpu.memory_space<vmem>>) target(%dma_start3A_374 : memref<851968x32xf32, #tpu.memory_space<hbm>>) offsets(%dma_start3A_371 : memref<1024xi32, #tpu.memory_space<vmem>>) semaphore(%arg11 : memref<!tpu.dma_semaphore, #tpu.memory_space<semaphore_mem>>)
    %dma_wait3A_375 = arith.constant 1 : i32
    %dma_wait3A_376 = arith.constant 7 : i32
    %dma_wait3A_377 = arith.constant 0 : i32
    %dma_wait3A_378 = arith.constant 0 : i32
    %dma_wait3A_379 = tpu.memref_slice %arg8[%dma_wait3A_375, %dma_wait3A_377, %dma_wait3A_378] : memref<2x1024x32xf32, #tpu.memory_space<vmem>> -> memref<1x1024x32xf32, #tpu.memory_space<vmem>>
    %dma_wait3A_380 = tpu.memref_squeeze %dma_wait3A_379 : memref<1x1024x32xf32, #tpu.memory_space<vmem>> -> memref<1024x32xf32, #tpu.memory_space<vmem>>
    %dma_wait3A_381 = arith.constant 0 : i32
    %dma_wait3A_382 = tpu.memref_slice %arg7[%dma_wait3A_376, %dma_wait3A_381] : memref<25x1024xi32, #tpu.memory_space<vmem>> -> memref<1x1024xi32, #tpu.memory_space<vmem>>
    %dma_wait3A_383 = tpu.memref_squeeze %dma_wait3A_382 : memref<1x1024xi32, #tpu.memory_space<vmem>> -> memref<1024xi32, #tpu.memory_space<vmem>>
    %dma_wait3A_384 = arith.constant 0 : i32
    %dma_wait3A_385 = arith.constant 0 : i32
    %dma_wait3A_386 = tpu.memref_slice %arg5[%dma_wait3A_384, %dma_wait3A_385] : memref<851968x32xf32, #tpu.memory_space<hbm>> -> memref<851968x32xf32, #tpu.memory_space<hbm>>
    tpu.wait_indirect_dma semaphore(%arg12 : memref<!tpu.dma_semaphore, #tpu.memory_space<semaphore_mem>>) src(%dma_wait3A_380 : memref<1024x32xf32, #tpu.memory_space<vmem>>) dst(%dma_wait3A_386 : memref<851968x32xf32, #tpu.memory_space<hbm>>)
    %dma_start3A_387 = arith.constant 1 : i32
    %dma_start3A_388 = arith.constant 0 : i32
    %dma_start3A_389 = arith.constant 0 : i32
    %dma_start3A_390 = tpu.memref_slice %arg8[%dma_start3A_387, %dma_start3A_388, %dma_start3A_389] : memref<2x1024x32xf32, #tpu.memory_space<vmem>> -> memref<1x1024x32xf32, #tpu.memory_space<vmem>>
    %dma_start3A_391 = tpu.memref_squeeze %dma_start3A_390 : memref<1x1024x32xf32, #tpu.memory_space<vmem>> -> memref<1024x32xf32, #tpu.memory_space<vmem>>
    %dma_start3A_392 = arith.constant 9216 : i32
    %dma_start3A_393 = tpu.memref_slice %arg6[%dma_start3A_392] : memref<25600xi32, #tpu.memory_space<vmem>> -> memref<1024xi32, #tpu.memory_space<vmem>>
    %dma_start3A_394 = arith.constant 0 : i32
    %dma_start3A_395 = arith.constant 0 : i32
    %dma_start3A_396 = tpu.memref_slice %arg2[%dma_start3A_394, %dma_start3A_395] : memref<1000001x32xf32, #tpu.memory_space<hbm>> -> memref<1000001x32xf32, #tpu.memory_space<hbm>>
    tpu.enqueue_indirect_dma source(%dma_start3A_396 : memref<1000001x32xf32, #tpu.memory_space<hbm>>) target(%dma_start3A_391 : memref<1024x32xf32, #tpu.memory_space<vmem>>) offsets(%dma_start3A_393 : memref<1024xi32, #tpu.memory_space<vmem>>) semaphore(%arg10 : memref<!tpu.dma_semaphore, #tpu.memory_space<semaphore_mem>>)
    %dma_wait3A_397 = arith.constant 1 : i32
    %dma_wait3A_398 = arith.constant 0 : i32
    %dma_wait3A_399 = arith.constant 0 : i32
    %dma_wait3A_400 = tpu.memref_slice %arg8[%dma_wait3A_397, %dma_wait3A_398, %dma_wait3A_399] : memref<2x1024x32xf32, #tpu.memory_space<vmem>> -> memref<1x1024x32xf32, #tpu.memory_space<vmem>>
    %dma_wait3A_401 = tpu.memref_squeeze %dma_wait3A_400 : memref<1x1024x32xf32, #tpu.memory_space<vmem>> -> memref<1024x32xf32, #tpu.memory_space<vmem>>
    %dma_wait3A_402 = arith.constant 9216 : i32
    %dma_wait3A_403 = tpu.memref_slice %arg6[%dma_wait3A_402] : memref<25600xi32, #tpu.memory_space<vmem>> -> memref<1024xi32, #tpu.memory_space<vmem>>
    %dma_wait3A_404 = arith.constant 0 : i32
    %dma_wait3A_405 = arith.constant 0 : i32
    %dma_wait3A_406 = tpu.memref_slice %arg2[%dma_wait3A_404, %dma_wait3A_405] : memref<1000001x32xf32, #tpu.memory_space<hbm>> -> memref<1000001x32xf32, #tpu.memory_space<hbm>>
    tpu.wait_indirect_dma semaphore(%arg10 : memref<!tpu.dma_semaphore, #tpu.memory_space<semaphore_mem>>) src(%dma_wait3A_406 : memref<1000001x32xf32, #tpu.memory_space<hbm>>) dst(%dma_wait3A_401 : memref<1024x32xf32, #tpu.memory_space<vmem>>)
    %dma_start3A_407 = arith.constant 1 : i32
    %dma_start3A_408 = arith.constant 9 : i32
    %dma_start3A_409 = arith.constant 0 : i32
    %dma_start3A_410 = arith.constant 0 : i32
    %dma_start3A_411 = tpu.memref_slice %arg8[%dma_start3A_407, %dma_start3A_409, %dma_start3A_410] : memref<2x1024x32xf32, #tpu.memory_space<vmem>> -> memref<1x1024x32xf32, #tpu.memory_space<vmem>>
    %dma_start3A_412 = tpu.memref_squeeze %dma_start3A_411 : memref<1x1024x32xf32, #tpu.memory_space<vmem>> -> memref<1024x32xf32, #tpu.memory_space<vmem>>
    %dma_start3A_413 = arith.constant 0 : i32
    %dma_start3A_414 = tpu.memref_slice %arg7[%dma_start3A_408, %dma_start3A_413] : memref<25x1024xi32, #tpu.memory_space<vmem>> -> memref<1x1024xi32, #tpu.memory_space<vmem>>
    %dma_start3A_415 = tpu.memref_squeeze %dma_start3A_414 : memref<1x1024xi32, #tpu.memory_space<vmem>> -> memref<1024xi32, #tpu.memory_space<vmem>>
    %dma_start3A_416 = arith.constant 0 : i32
    %dma_start3A_417 = arith.constant 0 : i32
    %dma_start3A_418 = tpu.memref_slice %arg5[%dma_start3A_416, %dma_start3A_417] : memref<851968x32xf32, #tpu.memory_space<hbm>> -> memref<851968x32xf32, #tpu.memory_space<hbm>>
    tpu.enqueue_indirect_dma source(%dma_start3A_412 : memref<1024x32xf32, #tpu.memory_space<vmem>>) target(%dma_start3A_418 : memref<851968x32xf32, #tpu.memory_space<hbm>>) offsets(%dma_start3A_415 : memref<1024xi32, #tpu.memory_space<vmem>>) semaphore(%arg12 : memref<!tpu.dma_semaphore, #tpu.memory_space<semaphore_mem>>)
    %dma_wait3A_419 = arith.constant 0 : i32
    %dma_wait3A_420 = arith.constant 8 : i32
    %dma_wait3A_421 = arith.constant 0 : i32
    %dma_wait3A_422 = arith.constant 0 : i32
    %dma_wait3A_423 = tpu.memref_slice %arg8[%dma_wait3A_419, %dma_wait3A_421, %dma_wait3A_422] : memref<2x1024x32xf32, #tpu.memory_space<vmem>> -> memref<1x1024x32xf32, #tpu.memory_space<vmem>>
    %dma_wait3A_424 = tpu.memref_squeeze %dma_wait3A_423 : memref<1x1024x32xf32, #tpu.memory_space<vmem>> -> memref<1024x32xf32, #tpu.memory_space<vmem>>
    %dma_wait3A_425 = arith.constant 0 : i32
    %dma_wait3A_426 = tpu.memref_slice %arg7[%dma_wait3A_420, %dma_wait3A_425] : memref<25x1024xi32, #tpu.memory_space<vmem>> -> memref<1x1024xi32, #tpu.memory_space<vmem>>
    %dma_wait3A_427 = tpu.memref_squeeze %dma_wait3A_426 : memref<1x1024xi32, #tpu.memory_space<vmem>> -> memref<1024xi32, #tpu.memory_space<vmem>>
    %dma_wait3A_428 = arith.constant 0 : i32
    %dma_wait3A_429 = arith.constant 0 : i32
    %dma_wait3A_430 = tpu.memref_slice %arg5[%dma_wait3A_428, %dma_wait3A_429] : memref<851968x32xf32, #tpu.memory_space<hbm>> -> memref<851968x32xf32, #tpu.memory_space<hbm>>
    tpu.wait_indirect_dma semaphore(%arg11 : memref<!tpu.dma_semaphore, #tpu.memory_space<semaphore_mem>>) src(%dma_wait3A_424 : memref<1024x32xf32, #tpu.memory_space<vmem>>) dst(%dma_wait3A_430 : memref<851968x32xf32, #tpu.memory_space<hbm>>)
    %dma_start3A_431 = arith.constant 0 : i32
    %dma_start3A_432 = arith.constant 0 : i32
    %dma_start3A_433 = arith.constant 0 : i32
    %dma_start3A_434 = tpu.memref_slice %arg8[%dma_start3A_431, %dma_start3A_432, %dma_start3A_433] : memref<2x1024x32xf32, #tpu.memory_space<vmem>> -> memref<1x1024x32xf32, #tpu.memory_space<vmem>>
    %dma_start3A_435 = tpu.memref_squeeze %dma_start3A_434 : memref<1x1024x32xf32, #tpu.memory_space<vmem>> -> memref<1024x32xf32, #tpu.memory_space<vmem>>
    %dma_start3A_436 = arith.constant 10240 : i32
    %dma_start3A_437 = tpu.memref_slice %arg6[%dma_start3A_436] : memref<25600xi32, #tpu.memory_space<vmem>> -> memref<1024xi32, #tpu.memory_space<vmem>>
    %dma_start3A_438 = arith.constant 0 : i32
    %dma_start3A_439 = arith.constant 0 : i32
    %dma_start3A_440 = tpu.memref_slice %arg2[%dma_start3A_438, %dma_start3A_439] : memref<1000001x32xf32, #tpu.memory_space<hbm>> -> memref<1000001x32xf32, #tpu.memory_space<hbm>>
    tpu.enqueue_indirect_dma source(%dma_start3A_440 : memref<1000001x32xf32, #tpu.memory_space<hbm>>) target(%dma_start3A_435 : memref<1024x32xf32, #tpu.memory_space<vmem>>) offsets(%dma_start3A_437 : memref<1024xi32, #tpu.memory_space<vmem>>) semaphore(%arg9 : memref<!tpu.dma_semaphore, #tpu.memory_space<semaphore_mem>>)
    %dma_wait3A_441 = arith.constant 0 : i32
    %dma_wait3A_442 = arith.constant 0 : i32
    %dma_wait3A_443 = arith.constant 0 : i32
    %dma_wait3A_444 = tpu.memref_slice %arg8[%dma_wait3A_441, %dma_wait3A_442, %dma_wait3A_443] : memref<2x1024x32xf32, #tpu.memory_space<vmem>> -> memref<1x1024x32xf32, #tpu.memory_space<vmem>>
    %dma_wait3A_445 = tpu.memref_squeeze %dma_wait3A_444 : memref<1x1024x32xf32, #tpu.memory_space<vmem>> -> memref<1024x32xf32, #tpu.memory_space<vmem>>
    %dma_wait3A_446 = arith.constant 10240 : i32
    %dma_wait3A_447 = tpu.memref_slice %arg6[%dma_wait3A_446] : memref<25600xi32, #tpu.memory_space<vmem>> -> memref<1024xi32, #tpu.memory_space<vmem>>
    %dma_wait3A_448 = arith.constant 0 : i32
    %dma_wait3A_449 = arith.constant 0 : i32
    %dma_wait3A_450 = tpu.memref_slice %arg2[%dma_wait3A_448, %dma_wait3A_449] : memref<1000001x32xf32, #tpu.memory_space<hbm>> -> memref<1000001x32xf32, #tpu.memory_space<hbm>>
    tpu.wait_indirect_dma semaphore(%arg9 : memref<!tpu.dma_semaphore, #tpu.memory_space<semaphore_mem>>) src(%dma_wait3A_450 : memref<1000001x32xf32, #tpu.memory_space<hbm>>) dst(%dma_wait3A_445 : memref<1024x32xf32, #tpu.memory_space<vmem>>)
    %dma_start3A_451 = arith.constant 0 : i32
    %dma_start3A_452 = arith.constant 10 : i32
    %dma_start3A_453 = arith.constant 0 : i32
    %dma_start3A_454 = arith.constant 0 : i32
    %dma_start3A_455 = tpu.memref_slice %arg8[%dma_start3A_451, %dma_start3A_453, %dma_start3A_454] : memref<2x1024x32xf32, #tpu.memory_space<vmem>> -> memref<1x1024x32xf32, #tpu.memory_space<vmem>>
    %dma_start3A_456 = tpu.memref_squeeze %dma_start3A_455 : memref<1x1024x32xf32, #tpu.memory_space<vmem>> -> memref<1024x32xf32, #tpu.memory_space<vmem>>
    %dma_start3A_457 = arith.constant 0 : i32
    %dma_start3A_458 = tpu.memref_slice %arg7[%dma_start3A_452, %dma_start3A_457] : memref<25x1024xi32, #tpu.memory_space<vmem>> -> memref<1x1024xi32, #tpu.memory_space<vmem>>
    %dma_start3A_459 = tpu.memref_squeeze %dma_start3A_458 : memref<1x1024xi32, #tpu.memory_space<vmem>> -> memref<1024xi32, #tpu.memory_space<vmem>>
    %dma_start3A_460 = arith.constant 0 : i32
    %dma_start3A_461 = arith.constant 0 : i32
    %dma_start3A_462 = tpu.memref_slice %arg5[%dma_start3A_460, %dma_start3A_461] : memref<851968x32xf32, #tpu.memory_space<hbm>> -> memref<851968x32xf32, #tpu.memory_space<hbm>>
    tpu.enqueue_indirect_dma source(%dma_start3A_456 : memref<1024x32xf32, #tpu.memory_space<vmem>>) target(%dma_start3A_462 : memref<851968x32xf32, #tpu.memory_space<hbm>>) offsets(%dma_start3A_459 : memref<1024xi32, #tpu.memory_space<vmem>>) semaphore(%arg11 : memref<!tpu.dma_semaphore, #tpu.memory_space<semaphore_mem>>)
    %dma_wait3A_463 = arith.constant 1 : i32
    %dma_wait3A_464 = arith.constant 9 : i32
    %dma_wait3A_465 = arith.constant 0 : i32
    %dma_wait3A_466 = arith.constant 0 : i32
    %dma_wait3A_467 = tpu.memref_slice %arg8[%dma_wait3A_463, %dma_wait3A_465, %dma_wait3A_466] : memref<2x1024x32xf32, #tpu.memory_space<vmem>> -> memref<1x1024x32xf32, #tpu.memory_space<vmem>>
    %dma_wait3A_468 = tpu.memref_squeeze %dma_wait3A_467 : memref<1x1024x32xf32, #tpu.memory_space<vmem>> -> memref<1024x32xf32, #tpu.memory_space<vmem>>
    %dma_wait3A_469 = arith.constant 0 : i32
    %dma_wait3A_470 = tpu.memref_slice %arg7[%dma_wait3A_464, %dma_wait3A_469] : memref<25x1024xi32, #tpu.memory_space<vmem>> -> memref<1x1024xi32, #tpu.memory_space<vmem>>
    %dma_wait3A_471 = tpu.memref_squeeze %dma_wait3A_470 : memref<1x1024xi32, #tpu.memory_space<vmem>> -> memref<1024xi32, #tpu.memory_space<vmem>>
    %dma_wait3A_472 = arith.constant 0 : i32
    %dma_wait3A_473 = arith.constant 0 : i32
    %dma_wait3A_474 = tpu.memref_slice %arg5[%dma_wait3A_472, %dma_wait3A_473] : memref<851968x32xf32, #tpu.memory_space<hbm>> -> memref<851968x32xf32, #tpu.memory_space<hbm>>
    tpu.wait_indirect_dma semaphore(%arg12 : memref<!tpu.dma_semaphore, #tpu.memory_space<semaphore_mem>>) src(%dma_wait3A_468 : memref<1024x32xf32, #tpu.memory_space<vmem>>) dst(%dma_wait3A_474 : memref<851968x32xf32, #tpu.memory_space<hbm>>)
    %dma_start3A_475 = arith.constant 1 : i32
    %dma_start3A_476 = arith.constant 0 : i32
    %dma_start3A_477 = arith.constant 0 : i32
    %dma_start3A_478 = tpu.memref_slice %arg8[%dma_start3A_475, %dma_start3A_476, %dma_start3A_477] : memref<2x1024x32xf32, #tpu.memory_space<vmem>> -> memref<1x1024x32xf32, #tpu.memory_space<vmem>>
    %dma_start3A_479 = tpu.memref_squeeze %dma_start3A_478 : memref<1x1024x32xf32, #tpu.memory_space<vmem>> -> memref<1024x32xf32, #tpu.memory_space<vmem>>
    %dma_start3A_480 = arith.constant 11264 : i32
    %dma_start3A_481 = tpu.memref_slice %arg6[%dma_start3A_480] : memref<25600xi32, #tpu.memory_space<vmem>> -> memref<1024xi32, #tpu.memory_space<vmem>>
    %dma_start3A_482 = arith.constant 0 : i32
    %dma_start3A_483 = arith.constant 0 : i32
    %dma_start3A_484 = tpu.memref_slice %arg2[%dma_start3A_482, %dma_start3A_483] : memref<1000001x32xf32, #tpu.memory_space<hbm>> -> memref<1000001x32xf32, #tpu.memory_space<hbm>>
    tpu.enqueue_indirect_dma source(%dma_start3A_484 : memref<1000001x32xf32, #tpu.memory_space<hbm>>) target(%dma_start3A_479 : memref<1024x32xf32, #tpu.memory_space<vmem>>) offsets(%dma_start3A_481 : memref<1024xi32, #tpu.memory_space<vmem>>) semaphore(%arg10 : memref<!tpu.dma_semaphore, #tpu.memory_space<semaphore_mem>>)
    %dma_wait3A_485 = arith.constant 1 : i32
    %dma_wait3A_486 = arith.constant 0 : i32
    %dma_wait3A_487 = arith.constant 0 : i32
    %dma_wait3A_488 = tpu.memref_slice %arg8[%dma_wait3A_485, %dma_wait3A_486, %dma_wait3A_487] : memref<2x1024x32xf32, #tpu.memory_space<vmem>> -> memref<1x1024x32xf32, #tpu.memory_space<vmem>>
    %dma_wait3A_489 = tpu.memref_squeeze %dma_wait3A_488 : memref<1x1024x32xf32, #tpu.memory_space<vmem>> -> memref<1024x32xf32, #tpu.memory_space<vmem>>
    %dma_wait3A_490 = arith.constant 11264 : i32
    %dma_wait3A_491 = tpu.memref_slice %arg6[%dma_wait3A_490] : memref<25600xi32, #tpu.memory_space<vmem>> -> memref<1024xi32, #tpu.memory_space<vmem>>
    %dma_wait3A_492 = arith.constant 0 : i32
    %dma_wait3A_493 = arith.constant 0 : i32
    %dma_wait3A_494 = tpu.memref_slice %arg2[%dma_wait3A_492, %dma_wait3A_493] : memref<1000001x32xf32, #tpu.memory_space<hbm>> -> memref<1000001x32xf32, #tpu.memory_space<hbm>>
    tpu.wait_indirect_dma semaphore(%arg10 : memref<!tpu.dma_semaphore, #tpu.memory_space<semaphore_mem>>) src(%dma_wait3A_494 : memref<1000001x32xf32, #tpu.memory_space<hbm>>) dst(%dma_wait3A_489 : memref<1024x32xf32, #tpu.memory_space<vmem>>)
    %dma_start3A_495 = arith.constant 1 : i32
    %dma_start3A_496 = arith.constant 11 : i32
    %dma_start3A_497 = arith.constant 0 : i32
    %dma_start3A_498 = arith.constant 0 : i32
    %dma_start3A_499 = tpu.memref_slice %arg8[%dma_start3A_495, %dma_start3A_497, %dma_start3A_498] : memref<2x1024x32xf32, #tpu.memory_space<vmem>> -> memref<1x1024x32xf32, #tpu.memory_space<vmem>>
    %dma_start3A_500 = tpu.memref_squeeze %dma_start3A_499 : memref<1x1024x32xf32, #tpu.memory_space<vmem>> -> memref<1024x32xf32, #tpu.memory_space<vmem>>
    %dma_start3A_501 = arith.constant 0 : i32
    %dma_start3A_502 = tpu.memref_slice %arg7[%dma_start3A_496, %dma_start3A_501] : memref<25x1024xi32, #tpu.memory_space<vmem>> -> memref<1x1024xi32, #tpu.memory_space<vmem>>
    %dma_start3A_503 = tpu.memref_squeeze %dma_start3A_502 : memref<1x1024xi32, #tpu.memory_space<vmem>> -> memref<1024xi32, #tpu.memory_space<vmem>>
    %dma_start3A_504 = arith.constant 0 : i32
    %dma_start3A_505 = arith.constant 0 : i32
    %dma_start3A_506 = tpu.memref_slice %arg5[%dma_start3A_504, %dma_start3A_505] : memref<851968x32xf32, #tpu.memory_space<hbm>> -> memref<851968x32xf32, #tpu.memory_space<hbm>>
    tpu.enqueue_indirect_dma source(%dma_start3A_500 : memref<1024x32xf32, #tpu.memory_space<vmem>>) target(%dma_start3A_506 : memref<851968x32xf32, #tpu.memory_space<hbm>>) offsets(%dma_start3A_503 : memref<1024xi32, #tpu.memory_space<vmem>>) semaphore(%arg12 : memref<!tpu.dma_semaphore, #tpu.memory_space<semaphore_mem>>)
    %dma_wait3A_507 = arith.constant 0 : i32
    %dma_wait3A_508 = arith.constant 10 : i32
    %dma_wait3A_509 = arith.constant 0 : i32
    %dma_wait3A_510 = arith.constant 0 : i32
    %dma_wait3A_511 = tpu.memref_slice %arg8[%dma_wait3A_507, %dma_wait3A_509, %dma_wait3A_510] : memref<2x1024x32xf32, #tpu.memory_space<vmem>> -> memref<1x1024x32xf32, #tpu.memory_space<vmem>>
    %dma_wait3A_512 = tpu.memref_squeeze %dma_wait3A_511 : memref<1x1024x32xf32, #tpu.memory_space<vmem>> -> memref<1024x32xf32, #tpu.memory_space<vmem>>
    %dma_wait3A_513 = arith.constant 0 : i32
    %dma_wait3A_514 = tpu.memref_slice %arg7[%dma_wait3A_508, %dma_wait3A_513] : memref<25x1024xi32, #tpu.memory_space<vmem>> -> memref<1x1024xi32, #tpu.memory_space<vmem>>
    %dma_wait3A_515 = tpu.memref_squeeze %dma_wait3A_514 : memref<1x1024xi32, #tpu.memory_space<vmem>> -> memref<1024xi32, #tpu.memory_space<vmem>>
    %dma_wait3A_516 = arith.constant 0 : i32
    %dma_wait3A_517 = arith.constant 0 : i32
    %dma_wait3A_518 = tpu.memref_slice %arg5[%dma_wait3A_516, %dma_wait3A_517] : memref<851968x32xf32, #tpu.memory_space<hbm>> -> memref<851968x32xf32, #tpu.memory_space<hbm>>
    tpu.wait_indirect_dma semaphore(%arg11 : memref<!tpu.dma_semaphore, #tpu.memory_space<semaphore_mem>>) src(%dma_wait3A_512 : memref<1024x32xf32, #tpu.memory_space<vmem>>) dst(%dma_wait3A_518 : memref<851968x32xf32, #tpu.memory_space<hbm>>)
    %dma_start3A_519 = arith.constant 0 : i32
    %dma_start3A_520 = arith.constant 0 : i32
    %dma_start3A_521 = arith.constant 0 : i32
    %dma_start3A_522 = tpu.memref_slice %arg8[%dma_start3A_519, %dma_start3A_520, %dma_start3A_521] : memref<2x1024x32xf32, #tpu.memory_space<vmem>> -> memref<1x1024x32xf32, #tpu.memory_space<vmem>>
    %dma_start3A_523 = tpu.memref_squeeze %dma_start3A_522 : memref<1x1024x32xf32, #tpu.memory_space<vmem>> -> memref<1024x32xf32, #tpu.memory_space<vmem>>
    %dma_start3A_524 = arith.constant 12288 : i32
    %dma_start3A_525 = tpu.memref_slice %arg6[%dma_start3A_524] : memref<25600xi32, #tpu.memory_space<vmem>> -> memref<1024xi32, #tpu.memory_space<vmem>>
    %dma_start3A_526 = arith.constant 0 : i32
    %dma_start3A_527 = arith.constant 0 : i32
    %dma_start3A_528 = tpu.memref_slice %arg2[%dma_start3A_526, %dma_start3A_527] : memref<1000001x32xf32, #tpu.memory_space<hbm>> -> memref<1000001x32xf32, #tpu.memory_space<hbm>>
    tpu.enqueue_indirect_dma source(%dma_start3A_528 : memref<1000001x32xf32, #tpu.memory_space<hbm>>) target(%dma_start3A_523 : memref<1024x32xf32, #tpu.memory_space<vmem>>) offsets(%dma_start3A_525 : memref<1024xi32, #tpu.memory_space<vmem>>) semaphore(%arg9 : memref<!tpu.dma_semaphore, #tpu.memory_space<semaphore_mem>>)
    %dma_wait3A_529 = arith.constant 0 : i32
    %dma_wait3A_530 = arith.constant 0 : i32
    %dma_wait3A_531 = arith.constant 0 : i32
    %dma_wait3A_532 = tpu.memref_slice %arg8[%dma_wait3A_529, %dma_wait3A_530, %dma_wait3A_531] : memref<2x1024x32xf32, #tpu.memory_space<vmem>> -> memref<1x1024x32xf32, #tpu.memory_space<vmem>>
    %dma_wait3A_533 = tpu.memref_squeeze %dma_wait3A_532 : memref<1x1024x32xf32, #tpu.memory_space<vmem>> -> memref<1024x32xf32, #tpu.memory_space<vmem>>
    %dma_wait3A_534 = arith.constant 12288 : i32
    %dma_wait3A_535 = tpu.memref_slice %arg6[%dma_wait3A_534] : memref<25600xi32, #tpu.memory_space<vmem>> -> memref<1024xi32, #tpu.memory_space<vmem>>
    %dma_wait3A_536 = arith.constant 0 : i32
    %dma_wait3A_537 = arith.constant 0 : i32
    %dma_wait3A_538 = tpu.memref_slice %arg2[%dma_wait3A_536, %dma_wait3A_537] : memref<1000001x32xf32, #tpu.memory_space<hbm>> -> memref<1000001x32xf32, #tpu.memory_space<hbm>>
    tpu.wait_indirect_dma semaphore(%arg9 : memref<!tpu.dma_semaphore, #tpu.memory_space<semaphore_mem>>) src(%dma_wait3A_538 : memref<1000001x32xf32, #tpu.memory_space<hbm>>) dst(%dma_wait3A_533 : memref<1024x32xf32, #tpu.memory_space<vmem>>)
    %dma_start3A_539 = arith.constant 0 : i32
    %dma_start3A_540 = arith.constant 12 : i32
    %dma_start3A_541 = arith.constant 0 : i32
    %dma_start3A_542 = arith.constant 0 : i32
    %dma_start3A_543 = tpu.memref_slice %arg8[%dma_start3A_539, %dma_start3A_541, %dma_start3A_542] : memref<2x1024x32xf32, #tpu.memory_space<vmem>> -> memref<1x1024x32xf32, #tpu.memory_space<vmem>>
    %dma_start3A_544 = tpu.memref_squeeze %dma_start3A_543 : memref<1x1024x32xf32, #tpu.memory_space<vmem>> -> memref<1024x32xf32, #tpu.memory_space<vmem>>
    %dma_start3A_545 = arith.constant 0 : i32
    %dma_start3A_546 = tpu.memref_slice %arg7[%dma_start3A_540, %dma_start3A_545] : memref<25x1024xi32, #tpu.memory_space<vmem>> -> memref<1x1024xi32, #tpu.memory_space<vmem>>
    %dma_start3A_547 = tpu.memref_squeeze %dma_start3A_546 : memref<1x1024xi32, #tpu.memory_space<vmem>> -> memref<1024xi32, #tpu.memory_space<vmem>>
    %dma_start3A_548 = arith.constant 0 : i32
    %dma_start3A_549 = arith.constant 0 : i32
    %dma_start3A_550 = tpu.memref_slice %arg5[%dma_start3A_548, %dma_start3A_549] : memref<851968x32xf32, #tpu.memory_space<hbm>> -> memref<851968x32xf32, #tpu.memory_space<hbm>>
    tpu.enqueue_indirect_dma source(%dma_start3A_544 : memref<1024x32xf32, #tpu.memory_space<vmem>>) target(%dma_start3A_550 : memref<851968x32xf32, #tpu.memory_space<hbm>>) offsets(%dma_start3A_547 : memref<1024xi32, #tpu.memory_space<vmem>>) semaphore(%arg11 : memref<!tpu.dma_semaphore, #tpu.memory_space<semaphore_mem>>)
    %dma_wait3A_551 = arith.constant 1 : i32
    %dma_wait3A_552 = arith.constant 11 : i32
    %dma_wait3A_553 = arith.constant 0 : i32
    %dma_wait3A_554 = arith.constant 0 : i32
    %dma_wait3A_555 = tpu.memref_slice %arg8[%dma_wait3A_551, %dma_wait3A_553, %dma_wait3A_554] : memref<2x1024x32xf32, #tpu.memory_space<vmem>> -> memref<1x1024x32xf32, #tpu.memory_space<vmem>>
    %dma_wait3A_556 = tpu.memref_squeeze %dma_wait3A_555 : memref<1x1024x32xf32, #tpu.memory_space<vmem>> -> memref<1024x32xf32, #tpu.memory_space<vmem>>
    %dma_wait3A_557 = arith.constant 0 : i32
    %dma_wait3A_558 = tpu.memref_slice %arg7[%dma_wait3A_552, %dma_wait3A_557] : memref<25x1024xi32, #tpu.memory_space<vmem>> -> memref<1x1024xi32, #tpu.memory_space<vmem>>
    %dma_wait3A_559 = tpu.memref_squeeze %dma_wait3A_558 : memref<1x1024xi32, #tpu.memory_space<vmem>> -> memref<1024xi32, #tpu.memory_space<vmem>>
    %dma_wait3A_560 = arith.constant 0 : i32
    %dma_wait3A_561 = arith.constant 0 : i32
    %dma_wait3A_562 = tpu.memref_slice %arg5[%dma_wait3A_560, %dma_wait3A_561] : memref<851968x32xf32, #tpu.memory_space<hbm>> -> memref<851968x32xf32, #tpu.memory_space<hbm>>
    tpu.wait_indirect_dma semaphore(%arg12 : memref<!tpu.dma_semaphore, #tpu.memory_space<semaphore_mem>>) src(%dma_wait3A_556 : memref<1024x32xf32, #tpu.memory_space<vmem>>) dst(%dma_wait3A_562 : memref<851968x32xf32, #tpu.memory_space<hbm>>)
    %dma_start3A_563 = arith.constant 1 : i32
    %dma_start3A_564 = arith.constant 0 : i32
    %dma_start3A_565 = arith.constant 0 : i32
    %dma_start3A_566 = tpu.memref_slice %arg8[%dma_start3A_563, %dma_start3A_564, %dma_start3A_565] : memref<2x1024x32xf32, #tpu.memory_space<vmem>> -> memref<1x1024x32xf32, #tpu.memory_space<vmem>>
    %dma_start3A_567 = tpu.memref_squeeze %dma_start3A_566 : memref<1x1024x32xf32, #tpu.memory_space<vmem>> -> memref<1024x32xf32, #tpu.memory_space<vmem>>
    %dma_start3A_568 = arith.constant 13312 : i32
    %dma_start3A_569 = tpu.memref_slice %arg6[%dma_start3A_568] : memref<25600xi32, #tpu.memory_space<vmem>> -> memref<1024xi32, #tpu.memory_space<vmem>>
    %dma_start3A_570 = arith.constant 0 : i32
    %dma_start3A_571 = arith.constant 0 : i32
    %dma_start3A_572 = tpu.memref_slice %arg2[%dma_start3A_570, %dma_start3A_571] : memref<1000001x32xf32, #tpu.memory_space<hbm>> -> memref<1000001x32xf32, #tpu.memory_space<hbm>>
    tpu.enqueue_indirect_dma source(%dma_start3A_572 : memref<1000001x32xf32, #tpu.memory_space<hbm>>) target(%dma_start3A_567 : memref<1024x32xf32, #tpu.memory_space<vmem>>) offsets(%dma_start3A_569 : memref<1024xi32, #tpu.memory_space<vmem>>) semaphore(%arg10 : memref<!tpu.dma_semaphore, #tpu.memory_space<semaphore_mem>>)
    %dma_wait3A_573 = arith.constant 1 : i32
    %dma_wait3A_574 = arith.constant 0 : i32
    %dma_wait3A_575 = arith.constant 0 : i32
    %dma_wait3A_576 = tpu.memref_slice %arg8[%dma_wait3A_573, %dma_wait3A_574, %dma_wait3A_575] : memref<2x1024x32xf32, #tpu.memory_space<vmem>> -> memref<1x1024x32xf32, #tpu.memory_space<vmem>>
    %dma_wait3A_577 = tpu.memref_squeeze %dma_wait3A_576 : memref<1x1024x32xf32, #tpu.memory_space<vmem>> -> memref<1024x32xf32, #tpu.memory_space<vmem>>
    %dma_wait3A_578 = arith.constant 13312 : i32
    %dma_wait3A_579 = tpu.memref_slice %arg6[%dma_wait3A_578] : memref<25600xi32, #tpu.memory_space<vmem>> -> memref<1024xi32, #tpu.memory_space<vmem>>
    %dma_wait3A_580 = arith.constant 0 : i32
    %dma_wait3A_581 = arith.constant 0 : i32
    %dma_wait3A_582 = tpu.memref_slice %arg2[%dma_wait3A_580, %dma_wait3A_581] : memref<1000001x32xf32, #tpu.memory_space<hbm>> -> memref<1000001x32xf32, #tpu.memory_space<hbm>>
    tpu.wait_indirect_dma semaphore(%arg10 : memref<!tpu.dma_semaphore, #tpu.memory_space<semaphore_mem>>) src(%dma_wait3A_582 : memref<1000001x32xf32, #tpu.memory_space<hbm>>) dst(%dma_wait3A_577 : memref<1024x32xf32, #tpu.memory_space<vmem>>)
    %dma_start3A_583 = arith.constant 1 : i32
    %dma_start3A_584 = arith.constant 13 : i32
    %dma_start3A_585 = arith.constant 0 : i32
    %dma_start3A_586 = arith.constant 0 : i32
    %dma_start3A_587 = tpu.memref_slice %arg8[%dma_start3A_583, %dma_start3A_585, %dma_start3A_586] : memref<2x1024x32xf32, #tpu.memory_space<vmem>> -> memref<1x1024x32xf32, #tpu.memory_space<vmem>>
    %dma_start3A_588 = tpu.memref_squeeze %dma_start3A_587 : memref<1x1024x32xf32, #tpu.memory_space<vmem>> -> memref<1024x32xf32, #tpu.memory_space<vmem>>
    %dma_start3A_589 = arith.constant 0 : i32
    %dma_start3A_590 = tpu.memref_slice %arg7[%dma_start3A_584, %dma_start3A_589] : memref<25x1024xi32, #tpu.memory_space<vmem>> -> memref<1x1024xi32, #tpu.memory_space<vmem>>
    %dma_start3A_591 = tpu.memref_squeeze %dma_start3A_590 : memref<1x1024xi32, #tpu.memory_space<vmem>> -> memref<1024xi32, #tpu.memory_space<vmem>>
    %dma_start3A_592 = arith.constant 0 : i32
    %dma_start3A_593 = arith.constant 0 : i32
    %dma_start3A_594 = tpu.memref_slice %arg5[%dma_start3A_592, %dma_start3A_593] : memref<851968x32xf32, #tpu.memory_space<hbm>> -> memref<851968x32xf32, #tpu.memory_space<hbm>>
    tpu.enqueue_indirect_dma source(%dma_start3A_588 : memref<1024x32xf32, #tpu.memory_space<vmem>>) target(%dma_start3A_594 : memref<851968x32xf32, #tpu.memory_space<hbm>>) offsets(%dma_start3A_591 : memref<1024xi32, #tpu.memory_space<vmem>>) semaphore(%arg12 : memref<!tpu.dma_semaphore, #tpu.memory_space<semaphore_mem>>)
    %dma_wait3A_595 = arith.constant 0 : i32
    %dma_wait3A_596 = arith.constant 12 : i32
    %dma_wait3A_597 = arith.constant 0 : i32
    %dma_wait3A_598 = arith.constant 0 : i32
    %dma_wait3A_599 = tpu.memref_slice %arg8[%dma_wait3A_595, %dma_wait3A_597, %dma_wait3A_598] : memref<2x1024x32xf32, #tpu.memory_space<vmem>> -> memref<1x1024x32xf32, #tpu.memory_space<vmem>>
    %dma_wait3A_600 = tpu.memref_squeeze %dma_wait3A_599 : memref<1x1024x32xf32, #tpu.memory_space<vmem>> -> memref<1024x32xf32, #tpu.memory_space<vmem>>
    %dma_wait3A_601 = arith.constant 0 : i32
    %dma_wait3A_602 = tpu.memref_slice %arg7[%dma_wait3A_596, %dma_wait3A_601] : memref<25x1024xi32, #tpu.memory_space<vmem>> -> memref<1x1024xi32, #tpu.memory_space<vmem>>
    %dma_wait3A_603 = tpu.memref_squeeze %dma_wait3A_602 : memref<1x1024xi32, #tpu.memory_space<vmem>> -> memref<1024xi32, #tpu.memory_space<vmem>>
    %dma_wait3A_604 = arith.constant 0 : i32
    %dma_wait3A_605 = arith.constant 0 : i32
    %dma_wait3A_606 = tpu.memref_slice %arg5[%dma_wait3A_604, %dma_wait3A_605] : memref<851968x32xf32, #tpu.memory_space<hbm>> -> memref<851968x32xf32, #tpu.memory_space<hbm>>
    tpu.wait_indirect_dma semaphore(%arg11 : memref<!tpu.dma_semaphore, #tpu.memory_space<semaphore_mem>>) src(%dma_wait3A_600 : memref<1024x32xf32, #tpu.memory_space<vmem>>) dst(%dma_wait3A_606 : memref<851968x32xf32, #tpu.memory_space<hbm>>)
    %dma_start3A_607 = arith.constant 0 : i32
    %dma_start3A_608 = arith.constant 0 : i32
    %dma_start3A_609 = arith.constant 0 : i32
    %dma_start3A_610 = tpu.memref_slice %arg8[%dma_start3A_607, %dma_start3A_608, %dma_start3A_609] : memref<2x1024x32xf32, #tpu.memory_space<vmem>> -> memref<1x1024x32xf32, #tpu.memory_space<vmem>>
    %dma_start3A_611 = tpu.memref_squeeze %dma_start3A_610 : memref<1x1024x32xf32, #tpu.memory_space<vmem>> -> memref<1024x32xf32, #tpu.memory_space<vmem>>
    %dma_start3A_612 = arith.constant 14336 : i32
    %dma_start3A_613 = tpu.memref_slice %arg6[%dma_start3A_612] : memref<25600xi32, #tpu.memory_space<vmem>> -> memref<1024xi32, #tpu.memory_space<vmem>>
    %dma_start3A_614 = arith.constant 0 : i32
    %dma_start3A_615 = arith.constant 0 : i32
    %dma_start3A_616 = tpu.memref_slice %arg2[%dma_start3A_614, %dma_start3A_615] : memref<1000001x32xf32, #tpu.memory_space<hbm>> -> memref<1000001x32xf32, #tpu.memory_space<hbm>>
    tpu.enqueue_indirect_dma source(%dma_start3A_616 : memref<1000001x32xf32, #tpu.memory_space<hbm>>) target(%dma_start3A_611 : memref<1024x32xf32, #tpu.memory_space<vmem>>) offsets(%dma_start3A_613 : memref<1024xi32, #tpu.memory_space<vmem>>) semaphore(%arg9 : memref<!tpu.dma_semaphore, #tpu.memory_space<semaphore_mem>>)
    %dma_wait3A_617 = arith.constant 0 : i32
    %dma_wait3A_618 = arith.constant 0 : i32
    %dma_wait3A_619 = arith.constant 0 : i32
    %dma_wait3A_620 = tpu.memref_slice %arg8[%dma_wait3A_617, %dma_wait3A_618, %dma_wait3A_619] : memref<2x1024x32xf32, #tpu.memory_space<vmem>> -> memref<1x1024x32xf32, #tpu.memory_space<vmem>>
    %dma_wait3A_621 = tpu.memref_squeeze %dma_wait3A_620 : memref<1x1024x32xf32, #tpu.memory_space<vmem>> -> memref<1024x32xf32, #tpu.memory_space<vmem>>
    %dma_wait3A_622 = arith.constant 14336 : i32
    %dma_wait3A_623 = tpu.memref_slice %arg6[%dma_wait3A_622] : memref<25600xi32, #tpu.memory_space<vmem>> -> memref<1024xi32, #tpu.memory_space<vmem>>
    %dma_wait3A_624 = arith.constant 0 : i32
    %dma_wait3A_625 = arith.constant 0 : i32
    %dma_wait3A_626 = tpu.memref_slice %arg2[%dma_wait3A_624, %dma_wait3A_625] : memref<1000001x32xf32, #tpu.memory_space<hbm>> -> memref<1000001x32xf32, #tpu.memory_space<hbm>>
    tpu.wait_indirect_dma semaphore(%arg9 : memref<!tpu.dma_semaphore, #tpu.memory_space<semaphore_mem>>) src(%dma_wait3A_626 : memref<1000001x32xf32, #tpu.memory_space<hbm>>) dst(%dma_wait3A_621 : memref<1024x32xf32, #tpu.memory_space<vmem>>)
    %dma_start3A_627 = arith.constant 0 : i32
    %dma_start3A_628 = arith.constant 14 : i32
    %dma_start3A_629 = arith.constant 0 : i32
    %dma_start3A_630 = arith.constant 0 : i32
    %dma_start3A_631 = tpu.memref_slice %arg8[%dma_start3A_627, %dma_start3A_629, %dma_start3A_630] : memref<2x1024x32xf32, #tpu.memory_space<vmem>> -> memref<1x1024x32xf32, #tpu.memory_space<vmem>>
    %dma_start3A_632 = tpu.memref_squeeze %dma_start3A_631 : memref<1x1024x32xf32, #tpu.memory_space<vmem>> -> memref<1024x32xf32, #tpu.memory_space<vmem>>
    %dma_start3A_633 = arith.constant 0 : i32
    %dma_start3A_634 = tpu.memref_slice %arg7[%dma_start3A_628, %dma_start3A_633] : memref<25x1024xi32, #tpu.memory_space<vmem>> -> memref<1x1024xi32, #tpu.memory_space<vmem>>
    %dma_start3A_635 = tpu.memref_squeeze %dma_start3A_634 : memref<1x1024xi32, #tpu.memory_space<vmem>> -> memref<1024xi32, #tpu.memory_space<vmem>>
    %dma_start3A_636 = arith.constant 0 : i32
    %dma_start3A_637 = arith.constant 0 : i32
    %dma_start3A_638 = tpu.memref_slice %arg5[%dma_start3A_636, %dma_start3A_637] : memref<851968x32xf32, #tpu.memory_space<hbm>> -> memref<851968x32xf32, #tpu.memory_space<hbm>>
    tpu.enqueue_indirect_dma source(%dma_start3A_632 : memref<1024x32xf32, #tpu.memory_space<vmem>>) target(%dma_start3A_638 : memref<851968x32xf32, #tpu.memory_space<hbm>>) offsets(%dma_start3A_635 : memref<1024xi32, #tpu.memory_space<vmem>>) semaphore(%arg11 : memref<!tpu.dma_semaphore, #tpu.memory_space<semaphore_mem>>)
    %dma_wait3A_639 = arith.constant 1 : i32
    %dma_wait3A_640 = arith.constant 13 : i32
    %dma_wait3A_641 = arith.constant 0 : i32
    %dma_wait3A_642 = arith.constant 0 : i32
    %dma_wait3A_643 = tpu.memref_slice %arg8[%dma_wait3A_639, %dma_wait3A_641, %dma_wait3A_642] : memref<2x1024x32xf32, #tpu.memory_space<vmem>> -> memref<1x1024x32xf32, #tpu.memory_space<vmem>>
    %dma_wait3A_644 = tpu.memref_squeeze %dma_wait3A_643 : memref<1x1024x32xf32, #tpu.memory_space<vmem>> -> memref<1024x32xf32, #tpu.memory_space<vmem>>
    %dma_wait3A_645 = arith.constant 0 : i32
    %dma_wait3A_646 = tpu.memref_slice %arg7[%dma_wait3A_640, %dma_wait3A_645] : memref<25x1024xi32, #tpu.memory_space<vmem>> -> memref<1x1024xi32, #tpu.memory_space<vmem>>
    %dma_wait3A_647 = tpu.memref_squeeze %dma_wait3A_646 : memref<1x1024xi32, #tpu.memory_space<vmem>> -> memref<1024xi32, #tpu.memory_space<vmem>>
    %dma_wait3A_648 = arith.constant 0 : i32
    %dma_wait3A_649 = arith.constant 0 : i32
    %dma_wait3A_650 = tpu.memref_slice %arg5[%dma_wait3A_648, %dma_wait3A_649] : memref<851968x32xf32, #tpu.memory_space<hbm>> -> memref<851968x32xf32, #tpu.memory_space<hbm>>
    tpu.wait_indirect_dma semaphore(%arg12 : memref<!tpu.dma_semaphore, #tpu.memory_space<semaphore_mem>>) src(%dma_wait3A_644 : memref<1024x32xf32, #tpu.memory_space<vmem>>) dst(%dma_wait3A_650 : memref<851968x32xf32, #tpu.memory_space<hbm>>)
    %dma_start3A_651 = arith.constant 1 : i32
    %dma_start3A_652 = arith.constant 0 : i32
    %dma_start3A_653 = arith.constant 0 : i32
    %dma_start3A_654 = tpu.memref_slice %arg8[%dma_start3A_651, %dma_start3A_652, %dma_start3A_653] : memref<2x1024x32xf32, #tpu.memory_space<vmem>> -> memref<1x1024x32xf32, #tpu.memory_space<vmem>>
    %dma_start3A_655 = tpu.memref_squeeze %dma_start3A_654 : memref<1x1024x32xf32, #tpu.memory_space<vmem>> -> memref<1024x32xf32, #tpu.memory_space<vmem>>
    %dma_start3A_656 = arith.constant 15360 : i32
    %dma_start3A_657 = tpu.memref_slice %arg6[%dma_start3A_656] : memref<25600xi32, #tpu.memory_space<vmem>> -> memref<1024xi32, #tpu.memory_space<vmem>>
    %dma_start3A_658 = arith.constant 0 : i32
    %dma_start3A_659 = arith.constant 0 : i32
    %dma_start3A_660 = tpu.memref_slice %arg2[%dma_start3A_658, %dma_start3A_659] : memref<1000001x32xf32, #tpu.memory_space<hbm>> -> memref<1000001x32xf32, #tpu.memory_space<hbm>>
    tpu.enqueue_indirect_dma source(%dma_start3A_660 : memref<1000001x32xf32, #tpu.memory_space<hbm>>) target(%dma_start3A_655 : memref<1024x32xf32, #tpu.memory_space<vmem>>) offsets(%dma_start3A_657 : memref<1024xi32, #tpu.memory_space<vmem>>) semaphore(%arg10 : memref<!tpu.dma_semaphore, #tpu.memory_space<semaphore_mem>>)
    %dma_wait3A_661 = arith.constant 1 : i32
    %dma_wait3A_662 = arith.constant 0 : i32
    %dma_wait3A_663 = arith.constant 0 : i32
    %dma_wait3A_664 = tpu.memref_slice %arg8[%dma_wait3A_661, %dma_wait3A_662, %dma_wait3A_663] : memref<2x1024x32xf32, #tpu.memory_space<vmem>> -> memref<1x1024x32xf32, #tpu.memory_space<vmem>>
    %dma_wait3A_665 = tpu.memref_squeeze %dma_wait3A_664 : memref<1x1024x32xf32, #tpu.memory_space<vmem>> -> memref<1024x32xf32, #tpu.memory_space<vmem>>
    %dma_wait3A_666 = arith.constant 15360 : i32
    %dma_wait3A_667 = tpu.memref_slice %arg6[%dma_wait3A_666] : memref<25600xi32, #tpu.memory_space<vmem>> -> memref<1024xi32, #tpu.memory_space<vmem>>
    %dma_wait3A_668 = arith.constant 0 : i32
    %dma_wait3A_669 = arith.constant 0 : i32
    %dma_wait3A_670 = tpu.memref_slice %arg2[%dma_wait3A_668, %dma_wait3A_669] : memref<1000001x32xf32, #tpu.memory_space<hbm>> -> memref<1000001x32xf32, #tpu.memory_space<hbm>>
    tpu.wait_indirect_dma semaphore(%arg10 : memref<!tpu.dma_semaphore, #tpu.memory_space<semaphore_mem>>) src(%dma_wait3A_670 : memref<1000001x32xf32, #tpu.memory_space<hbm>>) dst(%dma_wait3A_665 : memref<1024x32xf32, #tpu.memory_space<vmem>>)
    %dma_start3A_671 = arith.constant 1 : i32
    %dma_start3A_672 = arith.constant 15 : i32
    %dma_start3A_673 = arith.constant 0 : i32
    %dma_start3A_674 = arith.constant 0 : i32
    %dma_start3A_675 = tpu.memref_slice %arg8[%dma_start3A_671, %dma_start3A_673, %dma_start3A_674] : memref<2x1024x32xf32, #tpu.memory_space<vmem>> -> memref<1x1024x32xf32, #tpu.memory_space<vmem>>
    %dma_start3A_676 = tpu.memref_squeeze %dma_start3A_675 : memref<1x1024x32xf32, #tpu.memory_space<vmem>> -> memref<1024x32xf32, #tpu.memory_space<vmem>>
    %dma_start3A_677 = arith.constant 0 : i32
    %dma_start3A_678 = tpu.memref_slice %arg7[%dma_start3A_672, %dma_start3A_677] : memref<25x1024xi32, #tpu.memory_space<vmem>> -> memref<1x1024xi32, #tpu.memory_space<vmem>>
    %dma_start3A_679 = tpu.memref_squeeze %dma_start3A_678 : memref<1x1024xi32, #tpu.memory_space<vmem>> -> memref<1024xi32, #tpu.memory_space<vmem>>
    %dma_start3A_680 = arith.constant 0 : i32
    %dma_start3A_681 = arith.constant 0 : i32
    %dma_start3A_682 = tpu.memref_slice %arg5[%dma_start3A_680, %dma_start3A_681] : memref<851968x32xf32, #tpu.memory_space<hbm>> -> memref<851968x32xf32, #tpu.memory_space<hbm>>
    tpu.enqueue_indirect_dma source(%dma_start3A_676 : memref<1024x32xf32, #tpu.memory_space<vmem>>) target(%dma_start3A_682 : memref<851968x32xf32, #tpu.memory_space<hbm>>) offsets(%dma_start3A_679 : memref<1024xi32, #tpu.memory_space<vmem>>) semaphore(%arg12 : memref<!tpu.dma_semaphore, #tpu.memory_space<semaphore_mem>>)
    %dma_wait3A_683 = arith.constant 0 : i32
    %dma_wait3A_684 = arith.constant 14 : i32
    %dma_wait3A_685 = arith.constant 0 : i32
    %dma_wait3A_686 = arith.constant 0 : i32
    %dma_wait3A_687 = tpu.memref_slice %arg8[%dma_wait3A_683, %dma_wait3A_685, %dma_wait3A_686] : memref<2x1024x32xf32, #tpu.memory_space<vmem>> -> memref<1x1024x32xf32, #tpu.memory_space<vmem>>
    %dma_wait3A_688 = tpu.memref_squeeze %dma_wait3A_687 : memref<1x1024x32xf32, #tpu.memory_space<vmem>> -> memref<1024x32xf32, #tpu.memory_space<vmem>>
    %dma_wait3A_689 = arith.constant 0 : i32
    %dma_wait3A_690 = tpu.memref_slice %arg7[%dma_wait3A_684, %dma_wait3A_689] : memref<25x1024xi32, #tpu.memory_space<vmem>> -> memref<1x1024xi32, #tpu.memory_space<vmem>>
    %dma_wait3A_691 = tpu.memref_squeeze %dma_wait3A_690 : memref<1x1024xi32, #tpu.memory_space<vmem>> -> memref<1024xi32, #tpu.memory_space<vmem>>
    %dma_wait3A_692 = arith.constant 0 : i32
    %dma_wait3A_693 = arith.constant 0 : i32
    %dma_wait3A_694 = tpu.memref_slice %arg5[%dma_wait3A_692, %dma_wait3A_693] : memref<851968x32xf32, #tpu.memory_space<hbm>> -> memref<851968x32xf32, #tpu.memory_space<hbm>>
    tpu.wait_indirect_dma semaphore(%arg11 : memref<!tpu.dma_semaphore, #tpu.memory_space<semaphore_mem>>) src(%dma_wait3A_688 : memref<1024x32xf32, #tpu.memory_space<vmem>>) dst(%dma_wait3A_694 : memref<851968x32xf32, #tpu.memory_space<hbm>>)
    %dma_start3A_695 = arith.constant 0 : i32
    %dma_start3A_696 = arith.constant 0 : i32
    %dma_start3A_697 = arith.constant 0 : i32
    %dma_start3A_698 = tpu.memref_slice %arg8[%dma_start3A_695, %dma_start3A_696, %dma_start3A_697] : memref<2x1024x32xf32, #tpu.memory_space<vmem>> -> memref<1x1024x32xf32, #tpu.memory_space<vmem>>
    %dma_start3A_699 = tpu.memref_squeeze %dma_start3A_698 : memref<1x1024x32xf32, #tpu.memory_space<vmem>> -> memref<1024x32xf32, #tpu.memory_space<vmem>>
    %dma_start3A_700 = arith.constant 16384 : i32
    %dma_start3A_701 = tpu.memref_slice %arg6[%dma_start3A_700] : memref<25600xi32, #tpu.memory_space<vmem>> -> memref<1024xi32, #tpu.memory_space<vmem>>
    %dma_start3A_702 = arith.constant 0 : i32
    %dma_start3A_703 = arith.constant 0 : i32
    %dma_start3A_704 = tpu.memref_slice %arg2[%dma_start3A_702, %dma_start3A_703] : memref<1000001x32xf32, #tpu.memory_space<hbm>> -> memref<1000001x32xf32, #tpu.memory_space<hbm>>
    tpu.enqueue_indirect_dma source(%dma_start3A_704 : memref<1000001x32xf32, #tpu.memory_space<hbm>>) target(%dma_start3A_699 : memref<1024x32xf32, #tpu.memory_space<vmem>>) offsets(%dma_start3A_701 : memref<1024xi32, #tpu.memory_space<vmem>>) semaphore(%arg9 : memref<!tpu.dma_semaphore, #tpu.memory_space<semaphore_mem>>)
    %dma_wait3A_705 = arith.constant 0 : i32
    %dma_wait3A_706 = arith.constant 0 : i32
    %dma_wait3A_707 = arith.constant 0 : i32
    %dma_wait3A_708 = tpu.memref_slice %arg8[%dma_wait3A_705, %dma_wait3A_706, %dma_wait3A_707] : memref<2x1024x32xf32, #tpu.memory_space<vmem>> -> memref<1x1024x32xf32, #tpu.memory_space<vmem>>
    %dma_wait3A_709 = tpu.memref_squeeze %dma_wait3A_708 : memref<1x1024x32xf32, #tpu.memory_space<vmem>> -> memref<1024x32xf32, #tpu.memory_space<vmem>>
    %dma_wait3A_710 = arith.constant 16384 : i32
    %dma_wait3A_711 = tpu.memref_slice %arg6[%dma_wait3A_710] : memref<25600xi32, #tpu.memory_space<vmem>> -> memref<1024xi32, #tpu.memory_space<vmem>>
    %dma_wait3A_712 = arith.constant 0 : i32
    %dma_wait3A_713 = arith.constant 0 : i32
    %dma_wait3A_714 = tpu.memref_slice %arg2[%dma_wait3A_712, %dma_wait3A_713] : memref<1000001x32xf32, #tpu.memory_space<hbm>> -> memref<1000001x32xf32, #tpu.memory_space<hbm>>
    tpu.wait_indirect_dma semaphore(%arg9 : memref<!tpu.dma_semaphore, #tpu.memory_space<semaphore_mem>>) src(%dma_wait3A_714 : memref<1000001x32xf32, #tpu.memory_space<hbm>>) dst(%dma_wait3A_709 : memref<1024x32xf32, #tpu.memory_space<vmem>>)
    %dma_start3A_715 = arith.constant 0 : i32
    %dma_start3A_716 = arith.constant 16 : i32
    %dma_start3A_717 = arith.constant 0 : i32
    %dma_start3A_718 = arith.constant 0 : i32
    %dma_start3A_719 = tpu.memref_slice %arg8[%dma_start3A_715, %dma_start3A_717, %dma_start3A_718] : memref<2x1024x32xf32, #tpu.memory_space<vmem>> -> memref<1x1024x32xf32, #tpu.memory_space<vmem>>
    %dma_start3A_720 = tpu.memref_squeeze %dma_start3A_719 : memref<1x1024x32xf32, #tpu.memory_space<vmem>> -> memref<1024x32xf32, #tpu.memory_space<vmem>>
    %dma_start3A_721 = arith.constant 0 : i32
    %dma_start3A_722 = tpu.memref_slice %arg7[%dma_start3A_716, %dma_start3A_721] : memref<25x1024xi32, #tpu.memory_space<vmem>> -> memref<1x1024xi32, #tpu.memory_space<vmem>>
    %dma_start3A_723 = tpu.memref_squeeze %dma_start3A_722 : memref<1x1024xi32, #tpu.memory_space<vmem>> -> memref<1024xi32, #tpu.memory_space<vmem>>
    %dma_start3A_724 = arith.constant 0 : i32
    %dma_start3A_725 = arith.constant 0 : i32
    %dma_start3A_726 = tpu.memref_slice %arg5[%dma_start3A_724, %dma_start3A_725] : memref<851968x32xf32, #tpu.memory_space<hbm>> -> memref<851968x32xf32, #tpu.memory_space<hbm>>
    tpu.enqueue_indirect_dma source(%dma_start3A_720 : memref<1024x32xf32, #tpu.memory_space<vmem>>) target(%dma_start3A_726 : memref<851968x32xf32, #tpu.memory_space<hbm>>) offsets(%dma_start3A_723 : memref<1024xi32, #tpu.memory_space<vmem>>) semaphore(%arg11 : memref<!tpu.dma_semaphore, #tpu.memory_space<semaphore_mem>>)
    %dma_wait3A_727 = arith.constant 1 : i32
    %dma_wait3A_728 = arith.constant 15 : i32
    %dma_wait3A_729 = arith.constant 0 : i32
    %dma_wait3A_730 = arith.constant 0 : i32
    %dma_wait3A_731 = tpu.memref_slice %arg8[%dma_wait3A_727, %dma_wait3A_729, %dma_wait3A_730] : memref<2x1024x32xf32, #tpu.memory_space<vmem>> -> memref<1x1024x32xf32, #tpu.memory_space<vmem>>
    %dma_wait3A_732 = tpu.memref_squeeze %dma_wait3A_731 : memref<1x1024x32xf32, #tpu.memory_space<vmem>> -> memref<1024x32xf32, #tpu.memory_space<vmem>>
    %dma_wait3A_733 = arith.constant 0 : i32
    %dma_wait3A_734 = tpu.memref_slice %arg7[%dma_wait3A_728, %dma_wait3A_733] : memref<25x1024xi32, #tpu.memory_space<vmem>> -> memref<1x1024xi32, #tpu.memory_space<vmem>>
    %dma_wait3A_735 = tpu.memref_squeeze %dma_wait3A_734 : memref<1x1024xi32, #tpu.memory_space<vmem>> -> memref<1024xi32, #tpu.memory_space<vmem>>
    %dma_wait3A_736 = arith.constant 0 : i32
    %dma_wait3A_737 = arith.constant 0 : i32
    %dma_wait3A_738 = tpu.memref_slice %arg5[%dma_wait3A_736, %dma_wait3A_737] : memref<851968x32xf32, #tpu.memory_space<hbm>> -> memref<851968x32xf32, #tpu.memory_space<hbm>>
    tpu.wait_indirect_dma semaphore(%arg12 : memref<!tpu.dma_semaphore, #tpu.memory_space<semaphore_mem>>) src(%dma_wait3A_732 : memref<1024x32xf32, #tpu.memory_space<vmem>>) dst(%dma_wait3A_738 : memref<851968x32xf32, #tpu.memory_space<hbm>>)
    %dma_start3A_739 = arith.constant 1 : i32
    %dma_start3A_740 = arith.constant 0 : i32
    %dma_start3A_741 = arith.constant 0 : i32
    %dma_start3A_742 = tpu.memref_slice %arg8[%dma_start3A_739, %dma_start3A_740, %dma_start3A_741] : memref<2x1024x32xf32, #tpu.memory_space<vmem>> -> memref<1x1024x32xf32, #tpu.memory_space<vmem>>
    %dma_start3A_743 = tpu.memref_squeeze %dma_start3A_742 : memref<1x1024x32xf32, #tpu.memory_space<vmem>> -> memref<1024x32xf32, #tpu.memory_space<vmem>>
    %dma_start3A_744 = arith.constant 17408 : i32
    %dma_start3A_745 = tpu.memref_slice %arg6[%dma_start3A_744] : memref<25600xi32, #tpu.memory_space<vmem>> -> memref<1024xi32, #tpu.memory_space<vmem>>
    %dma_start3A_746 = arith.constant 0 : i32
    %dma_start3A_747 = arith.constant 0 : i32
    %dma_start3A_748 = tpu.memref_slice %arg2[%dma_start3A_746, %dma_start3A_747] : memref<1000001x32xf32, #tpu.memory_space<hbm>> -> memref<1000001x32xf32, #tpu.memory_space<hbm>>
    tpu.enqueue_indirect_dma source(%dma_start3A_748 : memref<1000001x32xf32, #tpu.memory_space<hbm>>) target(%dma_start3A_743 : memref<1024x32xf32, #tpu.memory_space<vmem>>) offsets(%dma_start3A_745 : memref<1024xi32, #tpu.memory_space<vmem>>) semaphore(%arg10 : memref<!tpu.dma_semaphore, #tpu.memory_space<semaphore_mem>>)
    %dma_wait3A_749 = arith.constant 1 : i32
    %dma_wait3A_750 = arith.constant 0 : i32
    %dma_wait3A_751 = arith.constant 0 : i32
    %dma_wait3A_752 = tpu.memref_slice %arg8[%dma_wait3A_749, %dma_wait3A_750, %dma_wait3A_751] : memref<2x1024x32xf32, #tpu.memory_space<vmem>> -> memref<1x1024x32xf32, #tpu.memory_space<vmem>>
    %dma_wait3A_753 = tpu.memref_squeeze %dma_wait3A_752 : memref<1x1024x32xf32, #tpu.memory_space<vmem>> -> memref<1024x32xf32, #tpu.memory_space<vmem>>
    %dma_wait3A_754 = arith.constant 17408 : i32
    %dma_wait3A_755 = tpu.memref_slice %arg6[%dma_wait3A_754] : memref<25600xi32, #tpu.memory_space<vmem>> -> memref<1024xi32, #tpu.memory_space<vmem>>
    %dma_wait3A_756 = arith.constant 0 : i32
    %dma_wait3A_757 = arith.constant 0 : i32
    %dma_wait3A_758 = tpu.memref_slice %arg2[%dma_wait3A_756, %dma_wait3A_757] : memref<1000001x32xf32, #tpu.memory_space<hbm>> -> memref<1000001x32xf32, #tpu.memory_space<hbm>>
    tpu.wait_indirect_dma semaphore(%arg10 : memref<!tpu.dma_semaphore, #tpu.memory_space<semaphore_mem>>) src(%dma_wait3A_758 : memref<1000001x32xf32, #tpu.memory_space<hbm>>) dst(%dma_wait3A_753 : memref<1024x32xf32, #tpu.memory_space<vmem>>)
    %dma_start3A_759 = arith.constant 1 : i32
    %dma_start3A_760 = arith.constant 17 : i32
    %dma_start3A_761 = arith.constant 0 : i32
    %dma_start3A_762 = arith.constant 0 : i32
    %dma_start3A_763 = tpu.memref_slice %arg8[%dma_start3A_759, %dma_start3A_761, %dma_start3A_762] : memref<2x1024x32xf32, #tpu.memory_space<vmem>> -> memref<1x1024x32xf32, #tpu.memory_space<vmem>>
    %dma_start3A_764 = tpu.memref_squeeze %dma_start3A_763 : memref<1x1024x32xf32, #tpu.memory_space<vmem>> -> memref<1024x32xf32, #tpu.memory_space<vmem>>
    %dma_start3A_765 = arith.constant 0 : i32
    %dma_start3A_766 = tpu.memref_slice %arg7[%dma_start3A_760, %dma_start3A_765] : memref<25x1024xi32, #tpu.memory_space<vmem>> -> memref<1x1024xi32, #tpu.memory_space<vmem>>
    %dma_start3A_767 = tpu.memref_squeeze %dma_start3A_766 : memref<1x1024xi32, #tpu.memory_space<vmem>> -> memref<1024xi32, #tpu.memory_space<vmem>>
    %dma_start3A_768 = arith.constant 0 : i32
    %dma_start3A_769 = arith.constant 0 : i32
    %dma_start3A_770 = tpu.memref_slice %arg5[%dma_start3A_768, %dma_start3A_769] : memref<851968x32xf32, #tpu.memory_space<hbm>> -> memref<851968x32xf32, #tpu.memory_space<hbm>>
    tpu.enqueue_indirect_dma source(%dma_start3A_764 : memref<1024x32xf32, #tpu.memory_space<vmem>>) target(%dma_start3A_770 : memref<851968x32xf32, #tpu.memory_space<hbm>>) offsets(%dma_start3A_767 : memref<1024xi32, #tpu.memory_space<vmem>>) semaphore(%arg12 : memref<!tpu.dma_semaphore, #tpu.memory_space<semaphore_mem>>)
    %dma_wait3A_771 = arith.constant 0 : i32
    %dma_wait3A_772 = arith.constant 16 : i32
    %dma_wait3A_773 = arith.constant 0 : i32
    %dma_wait3A_774 = arith.constant 0 : i32
    %dma_wait3A_775 = tpu.memref_slice %arg8[%dma_wait3A_771, %dma_wait3A_773, %dma_wait3A_774] : memref<2x1024x32xf32, #tpu.memory_space<vmem>> -> memref<1x1024x32xf32, #tpu.memory_space<vmem>>
    %dma_wait3A_776 = tpu.memref_squeeze %dma_wait3A_775 : memref<1x1024x32xf32, #tpu.memory_space<vmem>> -> memref<1024x32xf32, #tpu.memory_space<vmem>>
    %dma_wait3A_777 = arith.constant 0 : i32
    %dma_wait3A_778 = tpu.memref_slice %arg7[%dma_wait3A_772, %dma_wait3A_777] : memref<25x1024xi32, #tpu.memory_space<vmem>> -> memref<1x1024xi32, #tpu.memory_space<vmem>>
    %dma_wait3A_779 = tpu.memref_squeeze %dma_wait3A_778 : memref<1x1024xi32, #tpu.memory_space<vmem>> -> memref<1024xi32, #tpu.memory_space<vmem>>
    %dma_wait3A_780 = arith.constant 0 : i32
    %dma_wait3A_781 = arith.constant 0 : i32
    %dma_wait3A_782 = tpu.memref_slice %arg5[%dma_wait3A_780, %dma_wait3A_781] : memref<851968x32xf32, #tpu.memory_space<hbm>> -> memref<851968x32xf32, #tpu.memory_space<hbm>>
    tpu.wait_indirect_dma semaphore(%arg11 : memref<!tpu.dma_semaphore, #tpu.memory_space<semaphore_mem>>) src(%dma_wait3A_776 : memref<1024x32xf32, #tpu.memory_space<vmem>>) dst(%dma_wait3A_782 : memref<851968x32xf32, #tpu.memory_space<hbm>>)
    %dma_start3A_783 = arith.constant 0 : i32
    %dma_start3A_784 = arith.constant 0 : i32
    %dma_start3A_785 = arith.constant 0 : i32
    %dma_start3A_786 = tpu.memref_slice %arg8[%dma_start3A_783, %dma_start3A_784, %dma_start3A_785] : memref<2x1024x32xf32, #tpu.memory_space<vmem>> -> memref<1x1024x32xf32, #tpu.memory_space<vmem>>
    %dma_start3A_787 = tpu.memref_squeeze %dma_start3A_786 : memref<1x1024x32xf32, #tpu.memory_space<vmem>> -> memref<1024x32xf32, #tpu.memory_space<vmem>>
    %dma_start3A_788 = arith.constant 18432 : i32
    %dma_start3A_789 = tpu.memref_slice %arg6[%dma_start3A_788] : memref<25600xi32, #tpu.memory_space<vmem>> -> memref<1024xi32, #tpu.memory_space<vmem>>
    %dma_start3A_790 = arith.constant 0 : i32
    %dma_start3A_791 = arith.constant 0 : i32
    %dma_start3A_792 = tpu.memref_slice %arg2[%dma_start3A_790, %dma_start3A_791] : memref<1000001x32xf32, #tpu.memory_space<hbm>> -> memref<1000001x32xf32, #tpu.memory_space<hbm>>
    tpu.enqueue_indirect_dma source(%dma_start3A_792 : memref<1000001x32xf32, #tpu.memory_space<hbm>>) target(%dma_start3A_787 : memref<1024x32xf32, #tpu.memory_space<vmem>>) offsets(%dma_start3A_789 : memref<1024xi32, #tpu.memory_space<vmem>>) semaphore(%arg9 : memref<!tpu.dma_semaphore, #tpu.memory_space<semaphore_mem>>)
    %dma_wait3A_793 = arith.constant 0 : i32
    %dma_wait3A_794 = arith.constant 0 : i32
    %dma_wait3A_795 = arith.constant 0 : i32
    %dma_wait3A_796 = tpu.memref_slice %arg8[%dma_wait3A_793, %dma_wait3A_794, %dma_wait3A_795] : memref<2x1024x32xf32, #tpu.memory_space<vmem>> -> memref<1x1024x32xf32, #tpu.memory_space<vmem>>
    %dma_wait3A_797 = tpu.memref_squeeze %dma_wait3A_796 : memref<1x1024x32xf32, #tpu.memory_space<vmem>> -> memref<1024x32xf32, #tpu.memory_space<vmem>>
    %dma_wait3A_798 = arith.constant 18432 : i32
    %dma_wait3A_799 = tpu.memref_slice %arg6[%dma_wait3A_798] : memref<25600xi32, #tpu.memory_space<vmem>> -> memref<1024xi32, #tpu.memory_space<vmem>>
    %dma_wait3A_800 = arith.constant 0 : i32
    %dma_wait3A_801 = arith.constant 0 : i32
    %dma_wait3A_802 = tpu.memref_slice %arg2[%dma_wait3A_800, %dma_wait3A_801] : memref<1000001x32xf32, #tpu.memory_space<hbm>> -> memref<1000001x32xf32, #tpu.memory_space<hbm>>
    tpu.wait_indirect_dma semaphore(%arg9 : memref<!tpu.dma_semaphore, #tpu.memory_space<semaphore_mem>>) src(%dma_wait3A_802 : memref<1000001x32xf32, #tpu.memory_space<hbm>>) dst(%dma_wait3A_797 : memref<1024x32xf32, #tpu.memory_space<vmem>>)
    %dma_start3A_803 = arith.constant 0 : i32
    %dma_start3A_804 = arith.constant 18 : i32
    %dma_start3A_805 = arith.constant 0 : i32
    %dma_start3A_806 = arith.constant 0 : i32
    %dma_start3A_807 = tpu.memref_slice %arg8[%dma_start3A_803, %dma_start3A_805, %dma_start3A_806] : memref<2x1024x32xf32, #tpu.memory_space<vmem>> -> memref<1x1024x32xf32, #tpu.memory_space<vmem>>
    %dma_start3A_808 = tpu.memref_squeeze %dma_start3A_807 : memref<1x1024x32xf32, #tpu.memory_space<vmem>> -> memref<1024x32xf32, #tpu.memory_space<vmem>>
    %dma_start3A_809 = arith.constant 0 : i32
    %dma_start3A_810 = tpu.memref_slice %arg7[%dma_start3A_804, %dma_start3A_809] : memref<25x1024xi32, #tpu.memory_space<vmem>> -> memref<1x1024xi32, #tpu.memory_space<vmem>>
    %dma_start3A_811 = tpu.memref_squeeze %dma_start3A_810 : memref<1x1024xi32, #tpu.memory_space<vmem>> -> memref<1024xi32, #tpu.memory_space<vmem>>
    %dma_start3A_812 = arith.constant 0 : i32
    %dma_start3A_813 = arith.constant 0 : i32
    %dma_start3A_814 = tpu.memref_slice %arg5[%dma_start3A_812, %dma_start3A_813] : memref<851968x32xf32, #tpu.memory_space<hbm>> -> memref<851968x32xf32, #tpu.memory_space<hbm>>
    tpu.enqueue_indirect_dma source(%dma_start3A_808 : memref<1024x32xf32, #tpu.memory_space<vmem>>) target(%dma_start3A_814 : memref<851968x32xf32, #tpu.memory_space<hbm>>) offsets(%dma_start3A_811 : memref<1024xi32, #tpu.memory_space<vmem>>) semaphore(%arg11 : memref<!tpu.dma_semaphore, #tpu.memory_space<semaphore_mem>>)
    %dma_wait3A_815 = arith.constant 1 : i32
    %dma_wait3A_816 = arith.constant 17 : i32
    %dma_wait3A_817 = arith.constant 0 : i32
    %dma_wait3A_818 = arith.constant 0 : i32
    %dma_wait3A_819 = tpu.memref_slice %arg8[%dma_wait3A_815, %dma_wait3A_817, %dma_wait3A_818] : memref<2x1024x32xf32, #tpu.memory_space<vmem>> -> memref<1x1024x32xf32, #tpu.memory_space<vmem>>
    %dma_wait3A_820 = tpu.memref_squeeze %dma_wait3A_819 : memref<1x1024x32xf32, #tpu.memory_space<vmem>> -> memref<1024x32xf32, #tpu.memory_space<vmem>>
    %dma_wait3A_821 = arith.constant 0 : i32
    %dma_wait3A_822 = tpu.memref_slice %arg7[%dma_wait3A_816, %dma_wait3A_821] : memref<25x1024xi32, #tpu.memory_space<vmem>> -> memref<1x1024xi32, #tpu.memory_space<vmem>>
    %dma_wait3A_823 = tpu.memref_squeeze %dma_wait3A_822 : memref<1x1024xi32, #tpu.memory_space<vmem>> -> memref<1024xi32, #tpu.memory_space<vmem>>
    %dma_wait3A_824 = arith.constant 0 : i32
    %dma_wait3A_825 = arith.constant 0 : i32
    %dma_wait3A_826 = tpu.memref_slice %arg5[%dma_wait3A_824, %dma_wait3A_825] : memref<851968x32xf32, #tpu.memory_space<hbm>> -> memref<851968x32xf32, #tpu.memory_space<hbm>>
    tpu.wait_indirect_dma semaphore(%arg12 : memref<!tpu.dma_semaphore, #tpu.memory_space<semaphore_mem>>) src(%dma_wait3A_820 : memref<1024x32xf32, #tpu.memory_space<vmem>>) dst(%dma_wait3A_826 : memref<851968x32xf32, #tpu.memory_space<hbm>>)
    %dma_start3A_827 = arith.constant 1 : i32
    %dma_start3A_828 = arith.constant 0 : i32
    %dma_start3A_829 = arith.constant 0 : i32
    %dma_start3A_830 = tpu.memref_slice %arg8[%dma_start3A_827, %dma_start3A_828, %dma_start3A_829] : memref<2x1024x32xf32, #tpu.memory_space<vmem>> -> memref<1x1024x32xf32, #tpu.memory_space<vmem>>
    %dma_start3A_831 = tpu.memref_squeeze %dma_start3A_830 : memref<1x1024x32xf32, #tpu.memory_space<vmem>> -> memref<1024x32xf32, #tpu.memory_space<vmem>>
    %dma_start3A_832 = arith.constant 19456 : i32
    %dma_start3A_833 = tpu.memref_slice %arg6[%dma_start3A_832] : memref<25600xi32, #tpu.memory_space<vmem>> -> memref<1024xi32, #tpu.memory_space<vmem>>
    %dma_start3A_834 = arith.constant 0 : i32
    %dma_start3A_835 = arith.constant 0 : i32
    %dma_start3A_836 = tpu.memref_slice %arg2[%dma_start3A_834, %dma_start3A_835] : memref<1000001x32xf32, #tpu.memory_space<hbm>> -> memref<1000001x32xf32, #tpu.memory_space<hbm>>
    tpu.enqueue_indirect_dma source(%dma_start3A_836 : memref<1000001x32xf32, #tpu.memory_space<hbm>>) target(%dma_start3A_831 : memref<1024x32xf32, #tpu.memory_space<vmem>>) offsets(%dma_start3A_833 : memref<1024xi32, #tpu.memory_space<vmem>>) semaphore(%arg10 : memref<!tpu.dma_semaphore, #tpu.memory_space<semaphore_mem>>)
    %dma_wait3A_837 = arith.constant 1 : i32
    %dma_wait3A_838 = arith.constant 0 : i32
    %dma_wait3A_839 = arith.constant 0 : i32
    %dma_wait3A_840 = tpu.memref_slice %arg8[%dma_wait3A_837, %dma_wait3A_838, %dma_wait3A_839] : memref<2x1024x32xf32, #tpu.memory_space<vmem>> -> memref<1x1024x32xf32, #tpu.memory_space<vmem>>
    %dma_wait3A_841 = tpu.memref_squeeze %dma_wait3A_840 : memref<1x1024x32xf32, #tpu.memory_space<vmem>> -> memref<1024x32xf32, #tpu.memory_space<vmem>>
    %dma_wait3A_842 = arith.constant 19456 : i32
    %dma_wait3A_843 = tpu.memref_slice %arg6[%dma_wait3A_842] : memref<25600xi32, #tpu.memory_space<vmem>> -> memref<1024xi32, #tpu.memory_space<vmem>>
    %dma_wait3A_844 = arith.constant 0 : i32
    %dma_wait3A_845 = arith.constant 0 : i32
    %dma_wait3A_846 = tpu.memref_slice %arg2[%dma_wait3A_844, %dma_wait3A_845] : memref<1000001x32xf32, #tpu.memory_space<hbm>> -> memref<1000001x32xf32, #tpu.memory_space<hbm>>
    tpu.wait_indirect_dma semaphore(%arg10 : memref<!tpu.dma_semaphore, #tpu.memory_space<semaphore_mem>>) src(%dma_wait3A_846 : memref<1000001x32xf32, #tpu.memory_space<hbm>>) dst(%dma_wait3A_841 : memref<1024x32xf32, #tpu.memory_space<vmem>>)
    %dma_start3A_847 = arith.constant 1 : i32
    %dma_start3A_848 = arith.constant 19 : i32
    %dma_start3A_849 = arith.constant 0 : i32
    %dma_start3A_850 = arith.constant 0 : i32
    %dma_start3A_851 = tpu.memref_slice %arg8[%dma_start3A_847, %dma_start3A_849, %dma_start3A_850] : memref<2x1024x32xf32, #tpu.memory_space<vmem>> -> memref<1x1024x32xf32, #tpu.memory_space<vmem>>
    %dma_start3A_852 = tpu.memref_squeeze %dma_start3A_851 : memref<1x1024x32xf32, #tpu.memory_space<vmem>> -> memref<1024x32xf32, #tpu.memory_space<vmem>>
    %dma_start3A_853 = arith.constant 0 : i32
    %dma_start3A_854 = tpu.memref_slice %arg7[%dma_start3A_848, %dma_start3A_853] : memref<25x1024xi32, #tpu.memory_space<vmem>> -> memref<1x1024xi32, #tpu.memory_space<vmem>>
    %dma_start3A_855 = tpu.memref_squeeze %dma_start3A_854 : memref<1x1024xi32, #tpu.memory_space<vmem>> -> memref<1024xi32, #tpu.memory_space<vmem>>
    %dma_start3A_856 = arith.constant 0 : i32
    %dma_start3A_857 = arith.constant 0 : i32
    %dma_start3A_858 = tpu.memref_slice %arg5[%dma_start3A_856, %dma_start3A_857] : memref<851968x32xf32, #tpu.memory_space<hbm>> -> memref<851968x32xf32, #tpu.memory_space<hbm>>
    tpu.enqueue_indirect_dma source(%dma_start3A_852 : memref<1024x32xf32, #tpu.memory_space<vmem>>) target(%dma_start3A_858 : memref<851968x32xf32, #tpu.memory_space<hbm>>) offsets(%dma_start3A_855 : memref<1024xi32, #tpu.memory_space<vmem>>) semaphore(%arg12 : memref<!tpu.dma_semaphore, #tpu.memory_space<semaphore_mem>>)
    %dma_wait3A_859 = arith.constant 0 : i32
    %dma_wait3A_860 = arith.constant 18 : i32
    %dma_wait3A_861 = arith.constant 0 : i32
    %dma_wait3A_862 = arith.constant 0 : i32
    %dma_wait3A_863 = tpu.memref_slice %arg8[%dma_wait3A_859, %dma_wait3A_861, %dma_wait3A_862] : memref<2x1024x32xf32, #tpu.memory_space<vmem>> -> memref<1x1024x32xf32, #tpu.memory_space<vmem>>
    %dma_wait3A_864 = tpu.memref_squeeze %dma_wait3A_863 : memref<1x1024x32xf32, #tpu.memory_space<vmem>> -> memref<1024x32xf32, #tpu.memory_space<vmem>>
    %dma_wait3A_865 = arith.constant 0 : i32
    %dma_wait3A_866 = tpu.memref_slice %arg7[%dma_wait3A_860, %dma_wait3A_865] : memref<25x1024xi32, #tpu.memory_space<vmem>> -> memref<1x1024xi32, #tpu.memory_space<vmem>>
    %dma_wait3A_867 = tpu.memref_squeeze %dma_wait3A_866 : memref<1x1024xi32, #tpu.memory_space<vmem>> -> memref<1024xi32, #tpu.memory_space<vmem>>
    %dma_wait3A_868 = arith.constant 0 : i32
    %dma_wait3A_869 = arith.constant 0 : i32
    %dma_wait3A_870 = tpu.memref_slice %arg5[%dma_wait3A_868, %dma_wait3A_869] : memref<851968x32xf32, #tpu.memory_space<hbm>> -> memref<851968x32xf32, #tpu.memory_space<hbm>>
    tpu.wait_indirect_dma semaphore(%arg11 : memref<!tpu.dma_semaphore, #tpu.memory_space<semaphore_mem>>) src(%dma_wait3A_864 : memref<1024x32xf32, #tpu.memory_space<vmem>>) dst(%dma_wait3A_870 : memref<851968x32xf32, #tpu.memory_space<hbm>>)
    %dma_start3A_871 = arith.constant 0 : i32
    %dma_start3A_872 = arith.constant 0 : i32
    %dma_start3A_873 = arith.constant 0 : i32
    %dma_start3A_874 = tpu.memref_slice %arg8[%dma_start3A_871, %dma_start3A_872, %dma_start3A_873] : memref<2x1024x32xf32, #tpu.memory_space<vmem>> -> memref<1x1024x32xf32, #tpu.memory_space<vmem>>
    %dma_start3A_875 = tpu.memref_squeeze %dma_start3A_874 : memref<1x1024x32xf32, #tpu.memory_space<vmem>> -> memref<1024x32xf32, #tpu.memory_space<vmem>>
    %dma_start3A_876 = arith.constant 20480 : i32
    %dma_start3A_877 = tpu.memref_slice %arg6[%dma_start3A_876] : memref<25600xi32, #tpu.memory_space<vmem>> -> memref<1024xi32, #tpu.memory_space<vmem>>
    %dma_start3A_878 = arith.constant 0 : i32
    %dma_start3A_879 = arith.constant 0 : i32
    %dma_start3A_880 = tpu.memref_slice %arg2[%dma_start3A_878, %dma_start3A_879] : memref<1000001x32xf32, #tpu.memory_space<hbm>> -> memref<1000001x32xf32, #tpu.memory_space<hbm>>
    tpu.enqueue_indirect_dma source(%dma_start3A_880 : memref<1000001x32xf32, #tpu.memory_space<hbm>>) target(%dma_start3A_875 : memref<1024x32xf32, #tpu.memory_space<vmem>>) offsets(%dma_start3A_877 : memref<1024xi32, #tpu.memory_space<vmem>>) semaphore(%arg9 : memref<!tpu.dma_semaphore, #tpu.memory_space<semaphore_mem>>)
    %dma_wait3A_881 = arith.constant 0 : i32
    %dma_wait3A_882 = arith.constant 0 : i32
    %dma_wait3A_883 = arith.constant 0 : i32
    %dma_wait3A_884 = tpu.memref_slice %arg8[%dma_wait3A_881, %dma_wait3A_882, %dma_wait3A_883] : memref<2x1024x32xf32, #tpu.memory_space<vmem>> -> memref<1x1024x32xf32, #tpu.memory_space<vmem>>
    %dma_wait3A_885 = tpu.memref_squeeze %dma_wait3A_884 : memref<1x1024x32xf32, #tpu.memory_space<vmem>> -> memref<1024x32xf32, #tpu.memory_space<vmem>>
    %dma_wait3A_886 = arith.constant 20480 : i32
    %dma_wait3A_887 = tpu.memref_slice %arg6[%dma_wait3A_886] : memref<25600xi32, #tpu.memory_space<vmem>> -> memref<1024xi32, #tpu.memory_space<vmem>>
    %dma_wait3A_888 = arith.constant 0 : i32
    %dma_wait3A_889 = arith.constant 0 : i32
    %dma_wait3A_890 = tpu.memref_slice %arg2[%dma_wait3A_888, %dma_wait3A_889] : memref<1000001x32xf32, #tpu.memory_space<hbm>> -> memref<1000001x32xf32, #tpu.memory_space<hbm>>
    tpu.wait_indirect_dma semaphore(%arg9 : memref<!tpu.dma_semaphore, #tpu.memory_space<semaphore_mem>>) src(%dma_wait3A_890 : memref<1000001x32xf32, #tpu.memory_space<hbm>>) dst(%dma_wait3A_885 : memref<1024x32xf32, #tpu.memory_space<vmem>>)
    %dma_start3A_891 = arith.constant 0 : i32
    %dma_start3A_892 = arith.constant 20 : i32
    %dma_start3A_893 = arith.constant 0 : i32
    %dma_start3A_894 = arith.constant 0 : i32
    %dma_start3A_895 = tpu.memref_slice %arg8[%dma_start3A_891, %dma_start3A_893, %dma_start3A_894] : memref<2x1024x32xf32, #tpu.memory_space<vmem>> -> memref<1x1024x32xf32, #tpu.memory_space<vmem>>
    %dma_start3A_896 = tpu.memref_squeeze %dma_start3A_895 : memref<1x1024x32xf32, #tpu.memory_space<vmem>> -> memref<1024x32xf32, #tpu.memory_space<vmem>>
    %dma_start3A_897 = arith.constant 0 : i32
    %dma_start3A_898 = tpu.memref_slice %arg7[%dma_start3A_892, %dma_start3A_897] : memref<25x1024xi32, #tpu.memory_space<vmem>> -> memref<1x1024xi32, #tpu.memory_space<vmem>>
    %dma_start3A_899 = tpu.memref_squeeze %dma_start3A_898 : memref<1x1024xi32, #tpu.memory_space<vmem>> -> memref<1024xi32, #tpu.memory_space<vmem>>
    %dma_start3A_900 = arith.constant 0 : i32
    %dma_start3A_901 = arith.constant 0 : i32
    %dma_start3A_902 = tpu.memref_slice %arg5[%dma_start3A_900, %dma_start3A_901] : memref<851968x32xf32, #tpu.memory_space<hbm>> -> memref<851968x32xf32, #tpu.memory_space<hbm>>
    tpu.enqueue_indirect_dma source(%dma_start3A_896 : memref<1024x32xf32, #tpu.memory_space<vmem>>) target(%dma_start3A_902 : memref<851968x32xf32, #tpu.memory_space<hbm>>) offsets(%dma_start3A_899 : memref<1024xi32, #tpu.memory_space<vmem>>) semaphore(%arg11 : memref<!tpu.dma_semaphore, #tpu.memory_space<semaphore_mem>>)
    %dma_wait3A_903 = arith.constant 1 : i32
    %dma_wait3A_904 = arith.constant 19 : i32
    %dma_wait3A_905 = arith.constant 0 : i32
    %dma_wait3A_906 = arith.constant 0 : i32
    %dma_wait3A_907 = tpu.memref_slice %arg8[%dma_wait3A_903, %dma_wait3A_905, %dma_wait3A_906] : memref<2x1024x32xf32, #tpu.memory_space<vmem>> -> memref<1x1024x32xf32, #tpu.memory_space<vmem>>
    %dma_wait3A_908 = tpu.memref_squeeze %dma_wait3A_907 : memref<1x1024x32xf32, #tpu.memory_space<vmem>> -> memref<1024x32xf32, #tpu.memory_space<vmem>>
    %dma_wait3A_909 = arith.constant 0 : i32
    %dma_wait3A_910 = tpu.memref_slice %arg7[%dma_wait3A_904, %dma_wait3A_909] : memref<25x1024xi32, #tpu.memory_space<vmem>> -> memref<1x1024xi32, #tpu.memory_space<vmem>>
    %dma_wait3A_911 = tpu.memref_squeeze %dma_wait3A_910 : memref<1x1024xi32, #tpu.memory_space<vmem>> -> memref<1024xi32, #tpu.memory_space<vmem>>
    %dma_wait3A_912 = arith.constant 0 : i32
    %dma_wait3A_913 = arith.constant 0 : i32
    %dma_wait3A_914 = tpu.memref_slice %arg5[%dma_wait3A_912, %dma_wait3A_913] : memref<851968x32xf32, #tpu.memory_space<hbm>> -> memref<851968x32xf32, #tpu.memory_space<hbm>>
    tpu.wait_indirect_dma semaphore(%arg12 : memref<!tpu.dma_semaphore, #tpu.memory_space<semaphore_mem>>) src(%dma_wait3A_908 : memref<1024x32xf32, #tpu.memory_space<vmem>>) dst(%dma_wait3A_914 : memref<851968x32xf32, #tpu.memory_space<hbm>>)
    %dma_start3A_915 = arith.constant 1 : i32
    %dma_start3A_916 = arith.constant 0 : i32
    %dma_start3A_917 = arith.constant 0 : i32
    %dma_start3A_918 = tpu.memref_slice %arg8[%dma_start3A_915, %dma_start3A_916, %dma_start3A_917] : memref<2x1024x32xf32, #tpu.memory_space<vmem>> -> memref<1x1024x32xf32, #tpu.memory_space<vmem>>
    %dma_start3A_919 = tpu.memref_squeeze %dma_start3A_918 : memref<1x1024x32xf32, #tpu.memory_space<vmem>> -> memref<1024x32xf32, #tpu.memory_space<vmem>>
    %dma_start3A_920 = arith.constant 21504 : i32
    %dma_start3A_921 = tpu.memref_slice %arg6[%dma_start3A_920] : memref<25600xi32, #tpu.memory_space<vmem>> -> memref<1024xi32, #tpu.memory_space<vmem>>
    %dma_start3A_922 = arith.constant 0 : i32
    %dma_start3A_923 = arith.constant 0 : i32
    %dma_start3A_924 = tpu.memref_slice %arg2[%dma_start3A_922, %dma_start3A_923] : memref<1000001x32xf32, #tpu.memory_space<hbm>> -> memref<1000001x32xf32, #tpu.memory_space<hbm>>
    tpu.enqueue_indirect_dma source(%dma_start3A_924 : memref<1000001x32xf32, #tpu.memory_space<hbm>>) target(%dma_start3A_919 : memref<1024x32xf32, #tpu.memory_space<vmem>>) offsets(%dma_start3A_921 : memref<1024xi32, #tpu.memory_space<vmem>>) semaphore(%arg10 : memref<!tpu.dma_semaphore, #tpu.memory_space<semaphore_mem>>)
    %dma_wait3A_925 = arith.constant 1 : i32
    %dma_wait3A_926 = arith.constant 0 : i32
    %dma_wait3A_927 = arith.constant 0 : i32
    %dma_wait3A_928 = tpu.memref_slice %arg8[%dma_wait3A_925, %dma_wait3A_926, %dma_wait3A_927] : memref<2x1024x32xf32, #tpu.memory_space<vmem>> -> memref<1x1024x32xf32, #tpu.memory_space<vmem>>
    %dma_wait3A_929 = tpu.memref_squeeze %dma_wait3A_928 : memref<1x1024x32xf32, #tpu.memory_space<vmem>> -> memref<1024x32xf32, #tpu.memory_space<vmem>>
    %dma_wait3A_930 = arith.constant 21504 : i32
    %dma_wait3A_931 = tpu.memref_slice %arg6[%dma_wait3A_930] : memref<25600xi32, #tpu.memory_space<vmem>> -> memref<1024xi32, #tpu.memory_space<vmem>>
    %dma_wait3A_932 = arith.constant 0 : i32
    %dma_wait3A_933 = arith.constant 0 : i32
    %dma_wait3A_934 = tpu.memref_slice %arg2[%dma_wait3A_932, %dma_wait3A_933] : memref<1000001x32xf32, #tpu.memory_space<hbm>> -> memref<1000001x32xf32, #tpu.memory_space<hbm>>
    tpu.wait_indirect_dma semaphore(%arg10 : memref<!tpu.dma_semaphore, #tpu.memory_space<semaphore_mem>>) src(%dma_wait3A_934 : memref<1000001x32xf32, #tpu.memory_space<hbm>>) dst(%dma_wait3A_929 : memref<1024x32xf32, #tpu.memory_space<vmem>>)
    %dma_start3A_935 = arith.constant 1 : i32
    %dma_start3A_936 = arith.constant 21 : i32
    %dma_start3A_937 = arith.constant 0 : i32
    %dma_start3A_938 = arith.constant 0 : i32
    %dma_start3A_939 = tpu.memref_slice %arg8[%dma_start3A_935, %dma_start3A_937, %dma_start3A_938] : memref<2x1024x32xf32, #tpu.memory_space<vmem>> -> memref<1x1024x32xf32, #tpu.memory_space<vmem>>
    %dma_start3A_940 = tpu.memref_squeeze %dma_start3A_939 : memref<1x1024x32xf32, #tpu.memory_space<vmem>> -> memref<1024x32xf32, #tpu.memory_space<vmem>>
    %dma_start3A_941 = arith.constant 0 : i32
    %dma_start3A_942 = tpu.memref_slice %arg7[%dma_start3A_936, %dma_start3A_941] : memref<25x1024xi32, #tpu.memory_space<vmem>> -> memref<1x1024xi32, #tpu.memory_space<vmem>>
    %dma_start3A_943 = tpu.memref_squeeze %dma_start3A_942 : memref<1x1024xi32, #tpu.memory_space<vmem>> -> memref<1024xi32, #tpu.memory_space<vmem>>
    %dma_start3A_944 = arith.constant 0 : i32
    %dma_start3A_945 = arith.constant 0 : i32
    %dma_start3A_946 = tpu.memref_slice %arg5[%dma_start3A_944, %dma_start3A_945] : memref<851968x32xf32, #tpu.memory_space<hbm>> -> memref<851968x32xf32, #tpu.memory_space<hbm>>
    tpu.enqueue_indirect_dma source(%dma_start3A_940 : memref<1024x32xf32, #tpu.memory_space<vmem>>) target(%dma_start3A_946 : memref<851968x32xf32, #tpu.memory_space<hbm>>) offsets(%dma_start3A_943 : memref<1024xi32, #tpu.memory_space<vmem>>) semaphore(%arg12 : memref<!tpu.dma_semaphore, #tpu.memory_space<semaphore_mem>>)
    %dma_wait3A_947 = arith.constant 0 : i32
    %dma_wait3A_948 = arith.constant 20 : i32
    %dma_wait3A_949 = arith.constant 0 : i32
    %dma_wait3A_950 = arith.constant 0 : i32
    %dma_wait3A_951 = tpu.memref_slice %arg8[%dma_wait3A_947, %dma_wait3A_949, %dma_wait3A_950] : memref<2x1024x32xf32, #tpu.memory_space<vmem>> -> memref<1x1024x32xf32, #tpu.memory_space<vmem>>
    %dma_wait3A_952 = tpu.memref_squeeze %dma_wait3A_951 : memref<1x1024x32xf32, #tpu.memory_space<vmem>> -> memref<1024x32xf32, #tpu.memory_space<vmem>>
    %dma_wait3A_953 = arith.constant 0 : i32
    %dma_wait3A_954 = tpu.memref_slice %arg7[%dma_wait3A_948, %dma_wait3A_953] : memref<25x1024xi32, #tpu.memory_space<vmem>> -> memref<1x1024xi32, #tpu.memory_space<vmem>>
    %dma_wait3A_955 = tpu.memref_squeeze %dma_wait3A_954 : memref<1x1024xi32, #tpu.memory_space<vmem>> -> memref<1024xi32, #tpu.memory_space<vmem>>
    %dma_wait3A_956 = arith.constant 0 : i32
    %dma_wait3A_957 = arith.constant 0 : i32
    %dma_wait3A_958 = tpu.memref_slice %arg5[%dma_wait3A_956, %dma_wait3A_957] : memref<851968x32xf32, #tpu.memory_space<hbm>> -> memref<851968x32xf32, #tpu.memory_space<hbm>>
    tpu.wait_indirect_dma semaphore(%arg11 : memref<!tpu.dma_semaphore, #tpu.memory_space<semaphore_mem>>) src(%dma_wait3A_952 : memref<1024x32xf32, #tpu.memory_space<vmem>>) dst(%dma_wait3A_958 : memref<851968x32xf32, #tpu.memory_space<hbm>>)
    %dma_start3A_959 = arith.constant 0 : i32
    %dma_start3A_960 = arith.constant 0 : i32
    %dma_start3A_961 = arith.constant 0 : i32
    %dma_start3A_962 = tpu.memref_slice %arg8[%dma_start3A_959, %dma_start3A_960, %dma_start3A_961] : memref<2x1024x32xf32, #tpu.memory_space<vmem>> -> memref<1x1024x32xf32, #tpu.memory_space<vmem>>
    %dma_start3A_963 = tpu.memref_squeeze %dma_start3A_962 : memref<1x1024x32xf32, #tpu.memory_space<vmem>> -> memref<1024x32xf32, #tpu.memory_space<vmem>>
    %dma_start3A_964 = arith.constant 22528 : i32
    %dma_start3A_965 = tpu.memref_slice %arg6[%dma_start3A_964] : memref<25600xi32, #tpu.memory_space<vmem>> -> memref<1024xi32, #tpu.memory_space<vmem>>
    %dma_start3A_966 = arith.constant 0 : i32
    %dma_start3A_967 = arith.constant 0 : i32
    %dma_start3A_968 = tpu.memref_slice %arg2[%dma_start3A_966, %dma_start3A_967] : memref<1000001x32xf32, #tpu.memory_space<hbm>> -> memref<1000001x32xf32, #tpu.memory_space<hbm>>
    tpu.enqueue_indirect_dma source(%dma_start3A_968 : memref<1000001x32xf32, #tpu.memory_space<hbm>>) target(%dma_start3A_963 : memref<1024x32xf32, #tpu.memory_space<vmem>>) offsets(%dma_start3A_965 : memref<1024xi32, #tpu.memory_space<vmem>>) semaphore(%arg9 : memref<!tpu.dma_semaphore, #tpu.memory_space<semaphore_mem>>)
    %dma_wait3A_969 = arith.constant 0 : i32
    %dma_wait3A_970 = arith.constant 0 : i32
    %dma_wait3A_971 = arith.constant 0 : i32
    %dma_wait3A_972 = tpu.memref_slice %arg8[%dma_wait3A_969, %dma_wait3A_970, %dma_wait3A_971] : memref<2x1024x32xf32, #tpu.memory_space<vmem>> -> memref<1x1024x32xf32, #tpu.memory_space<vmem>>
    %dma_wait3A_973 = tpu.memref_squeeze %dma_wait3A_972 : memref<1x1024x32xf32, #tpu.memory_space<vmem>> -> memref<1024x32xf32, #tpu.memory_space<vmem>>
    %dma_wait3A_974 = arith.constant 22528 : i32
    %dma_wait3A_975 = tpu.memref_slice %arg6[%dma_wait3A_974] : memref<25600xi32, #tpu.memory_space<vmem>> -> memref<1024xi32, #tpu.memory_space<vmem>>
    %dma_wait3A_976 = arith.constant 0 : i32
    %dma_wait3A_977 = arith.constant 0 : i32
    %dma_wait3A_978 = tpu.memref_slice %arg2[%dma_wait3A_976, %dma_wait3A_977] : memref<1000001x32xf32, #tpu.memory_space<hbm>> -> memref<1000001x32xf32, #tpu.memory_space<hbm>>
    tpu.wait_indirect_dma semaphore(%arg9 : memref<!tpu.dma_semaphore, #tpu.memory_space<semaphore_mem>>) src(%dma_wait3A_978 : memref<1000001x32xf32, #tpu.memory_space<hbm>>) dst(%dma_wait3A_973 : memref<1024x32xf32, #tpu.memory_space<vmem>>)
    %dma_start3A_979 = arith.constant 0 : i32
    %dma_start3A_980 = arith.constant 22 : i32
    %dma_start3A_981 = arith.constant 0 : i32
    %dma_start3A_982 = arith.constant 0 : i32
    %dma_start3A_983 = tpu.memref_slice %arg8[%dma_start3A_979, %dma_start3A_981, %dma_start3A_982] : memref<2x1024x32xf32, #tpu.memory_space<vmem>> -> memref<1x1024x32xf32, #tpu.memory_space<vmem>>
    %dma_start3A_984 = tpu.memref_squeeze %dma_start3A_983 : memref<1x1024x32xf32, #tpu.memory_space<vmem>> -> memref<1024x32xf32, #tpu.memory_space<vmem>>
    %dma_start3A_985 = arith.constant 0 : i32
    %dma_start3A_986 = tpu.memref_slice %arg7[%dma_start3A_980, %dma_start3A_985] : memref<25x1024xi32, #tpu.memory_space<vmem>> -> memref<1x1024xi32, #tpu.memory_space<vmem>>
    %dma_start3A_987 = tpu.memref_squeeze %dma_start3A_986 : memref<1x1024xi32, #tpu.memory_space<vmem>> -> memref<1024xi32, #tpu.memory_space<vmem>>
    %dma_start3A_988 = arith.constant 0 : i32
    %dma_start3A_989 = arith.constant 0 : i32
    %dma_start3A_990 = tpu.memref_slice %arg5[%dma_start3A_988, %dma_start3A_989] : memref<851968x32xf32, #tpu.memory_space<hbm>> -> memref<851968x32xf32, #tpu.memory_space<hbm>>
    tpu.enqueue_indirect_dma source(%dma_start3A_984 : memref<1024x32xf32, #tpu.memory_space<vmem>>) target(%dma_start3A_990 : memref<851968x32xf32, #tpu.memory_space<hbm>>) offsets(%dma_start3A_987 : memref<1024xi32, #tpu.memory_space<vmem>>) semaphore(%arg11 : memref<!tpu.dma_semaphore, #tpu.memory_space<semaphore_mem>>)
    %dma_wait3A_991 = arith.constant 1 : i32
    %dma_wait3A_992 = arith.constant 21 : i32
    %dma_wait3A_993 = arith.constant 0 : i32
    %dma_wait3A_994 = arith.constant 0 : i32
    %dma_wait3A_995 = tpu.memref_slice %arg8[%dma_wait3A_991, %dma_wait3A_993, %dma_wait3A_994] : memref<2x1024x32xf32, #tpu.memory_space<vmem>> -> memref<1x1024x32xf32, #tpu.memory_space<vmem>>
    %dma_wait3A_996 = tpu.memref_squeeze %dma_wait3A_995 : memref<1x1024x32xf32, #tpu.memory_space<vmem>> -> memref<1024x32xf32, #tpu.memory_space<vmem>>
    %dma_wait3A_997 = arith.constant 0 : i32
    %dma_wait3A_998 = tpu.memref_slice %arg7[%dma_wait3A_992, %dma_wait3A_997] : memref<25x1024xi32, #tpu.memory_space<vmem>> -> memref<1x1024xi32, #tpu.memory_space<vmem>>
    %dma_wait3A_999 = tpu.memref_squeeze %dma_wait3A_998 : memref<1x1024xi32, #tpu.memory_space<vmem>> -> memref<1024xi32, #tpu.memory_space<vmem>>
    %dma_wait3A_1000 = arith.constant 0 : i32
    %dma_wait3A_1001 = arith.constant 0 : i32
    %dma_wait3A_1002 = tpu.memref_slice %arg5[%dma_wait3A_1000, %dma_wait3A_1001] : memref<851968x32xf32, #tpu.memory_space<hbm>> -> memref<851968x32xf32, #tpu.memory_space<hbm>>
    tpu.wait_indirect_dma semaphore(%arg12 : memref<!tpu.dma_semaphore, #tpu.memory_space<semaphore_mem>>) src(%dma_wait3A_996 : memref<1024x32xf32, #tpu.memory_space<vmem>>) dst(%dma_wait3A_1002 : memref<851968x32xf32, #tpu.memory_space<hbm>>)
    %dma_start3A_1003 = arith.constant 1 : i32
    %dma_start3A_1004 = arith.constant 0 : i32
    %dma_start3A_1005 = arith.constant 0 : i32
    %dma_start3A_1006 = tpu.memref_slice %arg8[%dma_start3A_1003, %dma_start3A_1004, %dma_start3A_1005] : memref<2x1024x32xf32, #tpu.memory_space<vmem>> -> memref<1x1024x32xf32, #tpu.memory_space<vmem>>
    %dma_start3A_1007 = tpu.memref_squeeze %dma_start3A_1006 : memref<1x1024x32xf32, #tpu.memory_space<vmem>> -> memref<1024x32xf32, #tpu.memory_space<vmem>>
    %dma_start3A_1008 = arith.constant 23552 : i32
    %dma_start3A_1009 = tpu.memref_slice %arg6[%dma_start3A_1008] : memref<25600xi32, #tpu.memory_space<vmem>> -> memref<1024xi32, #tpu.memory_space<vmem>>
    %dma_start3A_1010 = arith.constant 0 : i32
    %dma_start3A_1011 = arith.constant 0 : i32
    %dma_start3A_1012 = tpu.memref_slice %arg2[%dma_start3A_1010, %dma_start3A_1011] : memref<1000001x32xf32, #tpu.memory_space<hbm>> -> memref<1000001x32xf32, #tpu.memory_space<hbm>>
    tpu.enqueue_indirect_dma source(%dma_start3A_1012 : memref<1000001x32xf32, #tpu.memory_space<hbm>>) target(%dma_start3A_1007 : memref<1024x32xf32, #tpu.memory_space<vmem>>) offsets(%dma_start3A_1009 : memref<1024xi32, #tpu.memory_space<vmem>>) semaphore(%arg10 : memref<!tpu.dma_semaphore, #tpu.memory_space<semaphore_mem>>)
    %dma_wait3A_1013 = arith.constant 1 : i32
    %dma_wait3A_1014 = arith.constant 0 : i32
    %dma_wait3A_1015 = arith.constant 0 : i32
    %dma_wait3A_1016 = tpu.memref_slice %arg8[%dma_wait3A_1013, %dma_wait3A_1014, %dma_wait3A_1015] : memref<2x1024x32xf32, #tpu.memory_space<vmem>> -> memref<1x1024x32xf32, #tpu.memory_space<vmem>>
    %dma_wait3A_1017 = tpu.memref_squeeze %dma_wait3A_1016 : memref<1x1024x32xf32, #tpu.memory_space<vmem>> -> memref<1024x32xf32, #tpu.memory_space<vmem>>
    %dma_wait3A_1018 = arith.constant 23552 : i32
    %dma_wait3A_1019 = tpu.memref_slice %arg6[%dma_wait3A_1018] : memref<25600xi32, #tpu.memory_space<vmem>> -> memref<1024xi32, #tpu.memory_space<vmem>>
    %dma_wait3A_1020 = arith.constant 0 : i32
    %dma_wait3A_1021 = arith.constant 0 : i32
    %dma_wait3A_1022 = tpu.memref_slice %arg2[%dma_wait3A_1020, %dma_wait3A_1021] : memref<1000001x32xf32, #tpu.memory_space<hbm>> -> memref<1000001x32xf32, #tpu.memory_space<hbm>>
    tpu.wait_indirect_dma semaphore(%arg10 : memref<!tpu.dma_semaphore, #tpu.memory_space<semaphore_mem>>) src(%dma_wait3A_1022 : memref<1000001x32xf32, #tpu.memory_space<hbm>>) dst(%dma_wait3A_1017 : memref<1024x32xf32, #tpu.memory_space<vmem>>)
    %dma_start3A_1023 = arith.constant 1 : i32
    %dma_start3A_1024 = arith.constant 23 : i32
    %dma_start3A_1025 = arith.constant 0 : i32
    %dma_start3A_1026 = arith.constant 0 : i32
    %dma_start3A_1027 = tpu.memref_slice %arg8[%dma_start3A_1023, %dma_start3A_1025, %dma_start3A_1026] : memref<2x1024x32xf32, #tpu.memory_space<vmem>> -> memref<1x1024x32xf32, #tpu.memory_space<vmem>>
    %dma_start3A_1028 = tpu.memref_squeeze %dma_start3A_1027 : memref<1x1024x32xf32, #tpu.memory_space<vmem>> -> memref<1024x32xf32, #tpu.memory_space<vmem>>
    %dma_start3A_1029 = arith.constant 0 : i32
    %dma_start3A_1030 = tpu.memref_slice %arg7[%dma_start3A_1024, %dma_start3A_1029] : memref<25x1024xi32, #tpu.memory_space<vmem>> -> memref<1x1024xi32, #tpu.memory_space<vmem>>
    %dma_start3A_1031 = tpu.memref_squeeze %dma_start3A_1030 : memref<1x1024xi32, #tpu.memory_space<vmem>> -> memref<1024xi32, #tpu.memory_space<vmem>>
    %dma_start3A_1032 = arith.constant 0 : i32
    %dma_start3A_1033 = arith.constant 0 : i32
    %dma_start3A_1034 = tpu.memref_slice %arg5[%dma_start3A_1032, %dma_start3A_1033] : memref<851968x32xf32, #tpu.memory_space<hbm>> -> memref<851968x32xf32, #tpu.memory_space<hbm>>
    tpu.enqueue_indirect_dma source(%dma_start3A_1028 : memref<1024x32xf32, #tpu.memory_space<vmem>>) target(%dma_start3A_1034 : memref<851968x32xf32, #tpu.memory_space<hbm>>) offsets(%dma_start3A_1031 : memref<1024xi32, #tpu.memory_space<vmem>>) semaphore(%arg12 : memref<!tpu.dma_semaphore, #tpu.memory_space<semaphore_mem>>)
    %dma_wait3A_1035 = arith.constant 0 : i32
    %dma_wait3A_1036 = arith.constant 22 : i32
    %dma_wait3A_1037 = arith.constant 0 : i32
    %dma_wait3A_1038 = arith.constant 0 : i32
    %dma_wait3A_1039 = tpu.memref_slice %arg8[%dma_wait3A_1035, %dma_wait3A_1037, %dma_wait3A_1038] : memref<2x1024x32xf32, #tpu.memory_space<vmem>> -> memref<1x1024x32xf32, #tpu.memory_space<vmem>>
    %dma_wait3A_1040 = tpu.memref_squeeze %dma_wait3A_1039 : memref<1x1024x32xf32, #tpu.memory_space<vmem>> -> memref<1024x32xf32, #tpu.memory_space<vmem>>
    %dma_wait3A_1041 = arith.constant 0 : i32
    %dma_wait3A_1042 = tpu.memref_slice %arg7[%dma_wait3A_1036, %dma_wait3A_1041] : memref<25x1024xi32, #tpu.memory_space<vmem>> -> memref<1x1024xi32, #tpu.memory_space<vmem>>
    %dma_wait3A_1043 = tpu.memref_squeeze %dma_wait3A_1042 : memref<1x1024xi32, #tpu.memory_space<vmem>> -> memref<1024xi32, #tpu.memory_space<vmem>>
    %dma_wait3A_1044 = arith.constant 0 : i32
    %dma_wait3A_1045 = arith.constant 0 : i32
    %dma_wait3A_1046 = tpu.memref_slice %arg5[%dma_wait3A_1044, %dma_wait3A_1045] : memref<851968x32xf32, #tpu.memory_space<hbm>> -> memref<851968x32xf32, #tpu.memory_space<hbm>>
    tpu.wait_indirect_dma semaphore(%arg11 : memref<!tpu.dma_semaphore, #tpu.memory_space<semaphore_mem>>) src(%dma_wait3A_1040 : memref<1024x32xf32, #tpu.memory_space<vmem>>) dst(%dma_wait3A_1046 : memref<851968x32xf32, #tpu.memory_space<hbm>>)
    %dma_start3A_1047 = arith.constant 0 : i32
    %dma_start3A_1048 = arith.constant 0 : i32
    %dma_start3A_1049 = arith.constant 0 : i32
    %dma_start3A_1050 = tpu.memref_slice %arg8[%dma_start3A_1047, %dma_start3A_1048, %dma_start3A_1049] : memref<2x1024x32xf32, #tpu.memory_space<vmem>> -> memref<1x1024x32xf32, #tpu.memory_space<vmem>>
    %dma_start3A_1051 = tpu.memref_squeeze %dma_start3A_1050 : memref<1x1024x32xf32, #tpu.memory_space<vmem>> -> memref<1024x32xf32, #tpu.memory_space<vmem>>
    %dma_start3A_1052 = arith.constant 24576 : i32
    %dma_start3A_1053 = tpu.memref_slice %arg6[%dma_start3A_1052] : memref<25600xi32, #tpu.memory_space<vmem>> -> memref<1024xi32, #tpu.memory_space<vmem>>
    %dma_start3A_1054 = arith.constant 0 : i32
    %dma_start3A_1055 = arith.constant 0 : i32
    %dma_start3A_1056 = tpu.memref_slice %arg2[%dma_start3A_1054, %dma_start3A_1055] : memref<1000001x32xf32, #tpu.memory_space<hbm>> -> memref<1000001x32xf32, #tpu.memory_space<hbm>>
    tpu.enqueue_indirect_dma source(%dma_start3A_1056 : memref<1000001x32xf32, #tpu.memory_space<hbm>>) target(%dma_start3A_1051 : memref<1024x32xf32, #tpu.memory_space<vmem>>) offsets(%dma_start3A_1053 : memref<1024xi32, #tpu.memory_space<vmem>>) semaphore(%arg9 : memref<!tpu.dma_semaphore, #tpu.memory_space<semaphore_mem>>)
    %dma_wait3A_1057 = arith.constant 0 : i32
    %dma_wait3A_1058 = arith.constant 0 : i32
    %dma_wait3A_1059 = arith.constant 0 : i32
    %dma_wait3A_1060 = tpu.memref_slice %arg8[%dma_wait3A_1057, %dma_wait3A_1058, %dma_wait3A_1059] : memref<2x1024x32xf32, #tpu.memory_space<vmem>> -> memref<1x1024x32xf32, #tpu.memory_space<vmem>>
    %dma_wait3A_1061 = tpu.memref_squeeze %dma_wait3A_1060 : memref<1x1024x32xf32, #tpu.memory_space<vmem>> -> memref<1024x32xf32, #tpu.memory_space<vmem>>
    %dma_wait3A_1062 = arith.constant 24576 : i32
    %dma_wait3A_1063 = tpu.memref_slice %arg6[%dma_wait3A_1062] : memref<25600xi32, #tpu.memory_space<vmem>> -> memref<1024xi32, #tpu.memory_space<vmem>>
    %dma_wait3A_1064 = arith.constant 0 : i32
    %dma_wait3A_1065 = arith.constant 0 : i32
    %dma_wait3A_1066 = tpu.memref_slice %arg2[%dma_wait3A_1064, %dma_wait3A_1065] : memref<1000001x32xf32, #tpu.memory_space<hbm>> -> memref<1000001x32xf32, #tpu.memory_space<hbm>>
    tpu.wait_indirect_dma semaphore(%arg9 : memref<!tpu.dma_semaphore, #tpu.memory_space<semaphore_mem>>) src(%dma_wait3A_1066 : memref<1000001x32xf32, #tpu.memory_space<hbm>>) dst(%dma_wait3A_1061 : memref<1024x32xf32, #tpu.memory_space<vmem>>)
    %dma_start3A_1067 = arith.constant 0 : i32
    %dma_start3A_1068 = arith.constant 24 : i32
    %dma_start3A_1069 = arith.constant 0 : i32
    %dma_start3A_1070 = arith.constant 0 : i32
    %dma_start3A_1071 = tpu.memref_slice %arg8[%dma_start3A_1067, %dma_start3A_1069, %dma_start3A_1070] : memref<2x1024x32xf32, #tpu.memory_space<vmem>> -> memref<1x1024x32xf32, #tpu.memory_space<vmem>>
    %dma_start3A_1072 = tpu.memref_squeeze %dma_start3A_1071 : memref<1x1024x32xf32, #tpu.memory_space<vmem>> -> memref<1024x32xf32, #tpu.memory_space<vmem>>
    %dma_start3A_1073 = arith.constant 0 : i32
    %dma_start3A_1074 = tpu.memref_slice %arg7[%dma_start3A_1068, %dma_start3A_1073] : memref<25x1024xi32, #tpu.memory_space<vmem>> -> memref<1x1024xi32, #tpu.memory_space<vmem>>
    %dma_start3A_1075 = tpu.memref_squeeze %dma_start3A_1074 : memref<1x1024xi32, #tpu.memory_space<vmem>> -> memref<1024xi32, #tpu.memory_space<vmem>>
    %dma_start3A_1076 = arith.constant 0 : i32
    %dma_start3A_1077 = arith.constant 0 : i32
    %dma_start3A_1078 = tpu.memref_slice %arg5[%dma_start3A_1076, %dma_start3A_1077] : memref<851968x32xf32, #tpu.memory_space<hbm>> -> memref<851968x32xf32, #tpu.memory_space<hbm>>
    tpu.enqueue_indirect_dma source(%dma_start3A_1072 : memref<1024x32xf32, #tpu.memory_space<vmem>>) target(%dma_start3A_1078 : memref<851968x32xf32, #tpu.memory_space<hbm>>) offsets(%dma_start3A_1075 : memref<1024xi32, #tpu.memory_space<vmem>>) semaphore(%arg11 : memref<!tpu.dma_semaphore, #tpu.memory_space<semaphore_mem>>)
    %dma_wait3A_1079 = arith.constant 1 : i32
    %dma_wait3A_1080 = arith.constant 23 : i32
    %dma_wait3A_1081 = arith.constant 0 : i32
    %dma_wait3A_1082 = arith.constant 0 : i32
    %dma_wait3A_1083 = tpu.memref_slice %arg8[%dma_wait3A_1079, %dma_wait3A_1081, %dma_wait3A_1082] : memref<2x1024x32xf32, #tpu.memory_space<vmem>> -> memref<1x1024x32xf32, #tpu.memory_space<vmem>>
    %dma_wait3A_1084 = tpu.memref_squeeze %dma_wait3A_1083 : memref<1x1024x32xf32, #tpu.memory_space<vmem>> -> memref<1024x32xf32, #tpu.memory_space<vmem>>
    %dma_wait3A_1085 = arith.constant 0 : i32
    %dma_wait3A_1086 = tpu.memref_slice %arg7[%dma_wait3A_1080, %dma_wait3A_1085] : memref<25x1024xi32, #tpu.memory_space<vmem>> -> memref<1x1024xi32, #tpu.memory_space<vmem>>
    %dma_wait3A_1087 = tpu.memref_squeeze %dma_wait3A_1086 : memref<1x1024xi32, #tpu.memory_space<vmem>> -> memref<1024xi32, #tpu.memory_space<vmem>>
    %dma_wait3A_1088 = arith.constant 0 : i32
    %dma_wait3A_1089 = arith.constant 0 : i32
    %dma_wait3A_1090 = tpu.memref_slice %arg5[%dma_wait3A_1088, %dma_wait3A_1089] : memref<851968x32xf32, #tpu.memory_space<hbm>> -> memref<851968x32xf32, #tpu.memory_space<hbm>>
    tpu.wait_indirect_dma semaphore(%arg12 : memref<!tpu.dma_semaphore, #tpu.memory_space<semaphore_mem>>) src(%dma_wait3A_1084 : memref<1024x32xf32, #tpu.memory_space<vmem>>) dst(%dma_wait3A_1090 : memref<851968x32xf32, #tpu.memory_space<hbm>>)
    %dma_wait3A_1091 = arith.constant 0 : i32
    %dma_wait3A_1092 = arith.constant 24 : i32
    %dma_wait3A_1093 = arith.constant 0 : i32
    %dma_wait3A_1094 = arith.constant 0 : i32
    %dma_wait3A_1095 = tpu.memref_slice %arg8[%dma_wait3A_1091, %dma_wait3A_1093, %dma_wait3A_1094] : memref<2x1024x32xf32, #tpu.memory_space<vmem>> -> memref<1x1024x32xf32, #tpu.memory_space<vmem>>
    %dma_wait3A_1096 = tpu.memref_squeeze %dma_wait3A_1095 : memref<1x1024x32xf32, #tpu.memory_space<vmem>> -> memref<1024x32xf32, #tpu.memory_space<vmem>>
    %dma_wait3A_1097 = arith.constant 0 : i32
    %dma_wait3A_1098 = tpu.memref_slice %arg7[%dma_wait3A_1092, %dma_wait3A_1097] : memref<25x1024xi32, #tpu.memory_space<vmem>> -> memref<1x1024xi32, #tpu.memory_space<vmem>>
    %dma_wait3A_1099 = tpu.memref_squeeze %dma_wait3A_1098 : memref<1x1024xi32, #tpu.memory_space<vmem>> -> memref<1024xi32, #tpu.memory_space<vmem>>
    %dma_wait3A_1100 = arith.constant 0 : i32
    %dma_wait3A_1101 = arith.constant 0 : i32
    %dma_wait3A_1102 = tpu.memref_slice %arg5[%dma_wait3A_1100, %dma_wait3A_1101] : memref<851968x32xf32, #tpu.memory_space<hbm>> -> memref<851968x32xf32, #tpu.memory_space<hbm>>
    tpu.wait_indirect_dma semaphore(%arg11 : memref<!tpu.dma_semaphore, #tpu.memory_space<semaphore_mem>>) src(%dma_wait3A_1096 : memref<1024x32xf32, #tpu.memory_space<vmem>>) dst(%dma_wait3A_1102 : memref<851968x32xf32, #tpu.memory_space<hbm>>)
    return
  }
}

</mosaic_0001>

<sc_bundles>
// kernel: kernel.3.cloned.1.call-start
scs
__scs_entry_jumppad:
0x0: {  	(pc) =	sbr.rel $0x88, $3  }
0x1: {  	(tag) =	ssettag $0x0;
	lr =	simm.s32 $0x1  }
0x2: {  	[smem:$0x3F9F] =	sst lr;
	_ =	strace $0xD0000000  }
0x3: {  	_ = 	snop  }
0x4: {  	_ = 	snop  }
0x5: {  	_ = 	snop  }
0x6: {  	_ = 	snop  }
0x7: {  	_ = 	snop  }
__scs_overlays_trampoline_lowered:
0x8: {  	[smem:$0x3FAE] =	sst s0  }
0x9: {  	[smem:$0x3FAF] =	sst s1  }
0xa: {  	[smem:$0x3FB0] =	sst s2  }
0xb: {  	[smem:$0x3FB1] =	sst s3  }
0xc: {  	[smem:$0x3FB2] =	sst s4  }
0xd: {  	[smem:$0x3FB3] =	sst s5  }
0xe: {  	[smem:$0x3FB4] =	sst s6  }
0xf: {  	[smem:$0x3FB5] =	sst s7  }
0x10: {  	[smem:$0x3FB6] =	sst s8  }
0x11: {  	[smem:$0x3FB7] =	sst s9;
	s0 =	simm.s32 @!p0 $0x0  }
0x12: {  	s1 =	sld [smem:$0x3F9D];
	s0 =	simm.s32 @p0 $0x1  }
0x13: {  	[smem:$0x3FB8] =	sst s0;
	s0 =	simm.s32 @!p1 $0x0  }
0x14: {  	s2 =	sld [smem:$0x3F9C];
	s0 =	simm.s32 @p1 $0x1  }
0x15: {  	[smem:$0x3FB9] =	sst s0;
	s0 =	simm.s32 @!p2 $0x0  }
0x16: {  	s3 =	sld [smem:$0x3FDB];
	s0 =	simm.s32 @p2 $0x1  }
0x17: {  	s4 =	simm.s32 $0x1BF5;
	[smem:$0x3FBB] =	sst s0  }
0x18: {  	s0 =	sld [smem:$0x3F9E];
	_ =	swait.ge [sflag:s4], $0x0  }
0x19: {  	s7 =	sld [smem:$0x3F9F]  }
0x1a: {  	s8 =	sadd.s32 $0xFFFFE003, lr  }
0x1b: {  	s9 =	sadd.s32 $0xFFFFFEF7, lr;
	s5 =	simm.s32 $0xFFFFFFFF;
	p2 =	slt.u32 s8, $0xFFFFF086  }
0x1c: {  	p1 =	slt.u32 s9, $0xF7A;
	s5 =	simm.s32 @!p2 $0x0  }
0x1d: {  	s5 =	simm.s32 @p1 $0x1;
	p0 =	seq.s32 s7, s2  }
0x1e: {  	s7 =	smul.u32 @!p0 $0xF7A, s2;
	p2 =	seq.s32 @!p0 s5, $0x0  }
0x1f: {  	s9 =	smul.u32 $0xF7A, s1;
	s8 =	simm.s32 @!p0 $0x1BF5;
	p2 =	por !p2, p0  }
0x20: {  	[sflag:s8] =	ssyncset.s32 @!p0 $0xFFFFF086;
	s6 =	sadd.s32 @!p0 s3, s7;
	s7 =	simm.s32 @!p0 $0x108  }
0x21: {  	s3 =	sadd.s32 s3, s9;
	s6 =	sadd.s32 @!p0 $0x88, s6;
	s7 =	simm.s32 @p2 $0x1082  }
0x22: {  	[simem:s7], [sflag:s8] =	dma.local @!p0 [hbm:s6], $0xF7A  }
0x23: {  	s9 =	sor.u32 $0xD0000000, s2;
	s6 =	simm.s32 $0x108;
	_ =	swait.ge @!p0 [sflag:s8], $0x0  }
0x24: {  	s3 =	sadd.s32 $0x88, s3;
	s6 =	simm.s32 @!p1 $0x1082;
	[sflag:s4] =	ssyncset.s32 $0xFFFFF086  }
0x25: {  	[simem:s6], [sflag:s4] =	dma.local [hbm:s3], $0xF7A  }
0x26: {  	[smem:$0x3F9F] =	sst s1;
	(tag) =	ssettag s2;
	_ =	strace s9  }
0x27: {  	s1 =	sld [smem:$0x3FAF]  }
0x28: {  	s2 =	sld [smem:$0x3FB0]  }
0x29: {  	s4 =	sld [smem:$0x3FB2]  }
0x2a: {  	p0 =	seq.s32 s5, $0x0;
	s5 =	sld [smem:$0x3FB3]  }
0x2b: {  	s6 =	sld [smem:$0x3FB4]  }
0x2c: {  	s7 =	sld [smem:$0x3FB5]  }
0x2d: {  	s3 =	simm.s32 $0x108;
	s8 =	sld [smem:$0x3FB6]  }
0x2e: {  	s3 =	simm.s32 @!p0 $0x1082;
	s9 =	sld [smem:$0x3FB7]  }
0x2f: {  	lr =	sadd.s32 s0, s3;
	s0 =	sld [smem:$0x3FAE]  }
0x30: {  	s3 =	sld [smem:$0x3FB1]  }
0x31: {  	[smem:$0x3FBA] =	sst s10  }
0x32: {  	s10 =	sld [smem:$0x3FB8];
	_ =	sdelay $0x3  }
0x33: {  	p0 =	seq.s32 s10, $0x1;
	s10 =	sld [smem:$0x3FBA];
	_ =	sdelay $0x3  }
0x34: {  	[smem:$0x3FBA] =	sst s10  }
0x35: {  	s10 =	sld [smem:$0x3FB9];
	_ =	sdelay $0x3  }
0x36: {  	p1 =	seq.s32 s10, $0x1;
	s10 =	sld [smem:$0x3FBA];
	_ =	sdelay $0x3  }
0x37: {  	[smem:$0x3FBA] =	sst s10  }
0x38: {  	s10 =	sld [smem:$0x3FBB]  }
0x39: {  	_ = 	snop;
	(pc) =	sbr.ind lr, $3  }
0x3a: {  	_ = 	snop  }
0x3b: {  	_ = 	snop  }
0x3c: {  	p2 =	seq.s32 s10, $0x1;
	s10 =	sld [smem:$0x3FBA]  }
0x3d: {  	_ =	shalt  }
0x3e: {  	_ =	shalt  }
0x3f: {  	_ =	shalt  }
0x40: {  	_ =	shalt  }
0x41: {  	_ =	shalt  }
0x42: {  	_ =	shalt  }
0x43: {  	_ =	shalt  }
0x44: {  	_ =	shalt  }
0x45: {  	_ =	shalt  }
0x46: {  	_ =	shalt  }
0x47: {  	_ =	shalt  }
0x48: {  	_ =	shalt  }
0x49: {  	_ =	shalt  }
0x4a: {  	_ =	shalt  }
0x4b: {  	_ =	shalt  }
0x4c: {  	_ =	shalt  }
0x4d: {  	_ =	shalt  }
0x4e: {  	_ =	shalt  }
0x4f: {  	_ =	shalt  }
0x50: {  	_ =	shalt  }
0x51: {  	_ =	shalt  }
0x52: {  	_ =	shalt  }
0x53: {  	_ =	shalt  }
0x54: {  	_ =	shalt  }
0x55: {  	_ =	shalt  }
0x56: {  	_ =	shalt  }
0x57: {  	_ =	shalt  }
0x58: {  	_ =	shalt  }
0x59: {  	_ =	shalt  }
0x5a: {  	_ =	shalt  }
0x5b: {  	_ =	shalt  }
0x5c: {  	_ =	shalt  }
0x5d: {  	_ =	shalt  }
0x5e: {  	_ =	shalt  }
0x5f: {  	_ =	shalt  }
0x60: {  	_ =	shalt  }
0x61: {  	_ =	shalt  }
0x62: {  	_ =	shalt  }
0x63: {  	_ =	shalt  }
0x64: {  	_ =	shalt  }
0x65: {  	_ =	shalt  }
0x66: {  	_ =	shalt  }
0x67: {  	_ =	shalt  }
0x68: {  	_ =	shalt  }
0x69: {  	_ =	shalt  }
0x6a: {  	_ =	shalt  }
0x6b: {  	_ =	shalt  }
0x6c: {  	_ =	shalt  }
0x6d: {  	_ =	shalt  }
0x6e: {  	_ =	shalt  }
0x6f: {  	_ =	shalt  }
0x70: {  	_ =	shalt  }
0x71: {  	_ =	shalt  }
0x72: {  	_ =	shalt  }
0x73: {  	_ =	shalt  }
0x74: {  	_ =	shalt  }
0x75: {  	_ =	shalt  }
0x76: {  	_ =	shalt  }
0x77: {  	_ =	shalt  }
0x78: {  	_ =	shalt  }
0x79: {  	_ =	shalt  }
0x7a: {  	_ =	shalt  }
0x7b: {  	_ =	shalt  }
0x7c: {  	_ =	shalt  }
0x7d: {  	_ =	shalt  }
0x7e: {  	_ =	shalt  }
0x7f: {  	_ =	shalt  }
0x80: {  	_ =	shalt  }
0x81: {  	_ =	shalt  }
0x82: {  	_ =	shalt  }
0x83: {  	_ =	shalt  }
0x84: {  	_ =	shalt  }
0x85: {  	_ =	shalt  }
0x86: {  	_ =	shalt  }
0x87: {  	_ =	shalt  }
.Lfunc_end0:
.L_simem_size_0:
called_computation.1_lowered:
.L_overlay_start_0:
0x88: {  	s2 =	sld [smem:$0x3FD9]  }
0x89: {  	s3 =	sld [smem:$0x3FFE];
	_ =	sdelay $0x1  }
0x8a: {  	s1 =	srdreg.scid  }
0x8b: {  	s0 =	sand.u32 $0x1, s1  }
0x8c: {  	s17 =	sshll.u32 s0, $0xA;
	s2 =	sadd.s32 s3, s2  }
0x8d: {  	s2 =	sadd.s32 s2, s17  }
0x8e: {  	[smem:$0x3FC6] =	sst s2  }
0x8f: {  	_ = 	snop  }
0x90: {  	s2 =	sld [smem:$0x3FD0];
	(tm) =	ssettm $0x1  }
0x91: {  	s18 =	sld [smem:$0x3FFB];
	_ =	sdelay $0x3  }
0x92: {  	_ =	strace s18  }
0x93: {  	s3 =	sld [smem:$0x3FFC];
	_ =	sdelay $0x3  }
0x94: {  	_ =	strace s3  }
0x95: {  	s3 =	sld [smem:$0x3FFD];
	_ =	sdelay $0x3  }
0x96: {  	_ =	strace s3  }
0x97: {  	_ =	strace $0x8FFFFFFF  }
0x98: {  	s19 =	sld [smem:$0x3FDB];
	_ =	sdelay $0x1  }
0x99: {  	s4 =	simm.s32 $_scs_section_size  }
0x9a: {  	s5 =	simm.s32 $_size__tile_overlayer_lowered;
	s6 =	simm.s32 $_tile_overlayer_lowered  }
0x9b: {  	s22 =	simm.s32 $0x1BFF;
	s21 =	sshll.u32 s6, $0x1;
	s3 =	sadd.s32 s4, s19  }
0x9c: {  	s7 =	simm.s32 $0x0;
	s20 =	sshll.u32 s5, $0x1;
	s5 =	sadd.s32 s21, s3  }
0x9d: {  	[timem:s7], [sflag:s22] =	dma.local [hbm:s5], s20  }
0x9e: {  	_ =	swait.ge [sflag:s22], s20  }
0x9f: {  	s4 =	ssub.s32 $0x0, s20;
	[sflag:s22] =	ssyncset.done $0x0  }
0xa0: {  	[sflag:s22] =	ssyncadd.s32 s4;
	_ =	sdelay $0x1  }
0xa1: {  	s23 =	simm.s32 $0x1B8B  }
0xa2: {  	_ =	swait.ge [sflag:s23], $0x1  }
0xa3: {  	[sflag:s23] =	ssyncset.done $0x0  }
0xa4: {  	s25 =	simm.s32 $0x1B8E;
	s24 =	sld [smem:$0x3FFE];
	[sflag:s23] =	ssyncadd.s32 $0xFFFFFFFF  }
0xa5: {  	s26 =	simm.s32 $execute0_lowered;
	[smem:$0x3FD2] =	sst s25  }
0xa6: {  	s5 =	sshll.u32 s26, $0x1;
	_ =	strace $0x80000046;
	[dreg:$0x1] =	wrdreg $0xFFFFFFFF  }
0xa7: {  	s28 =	simm.s32 $_size_execute0_lowered;
	s3 =	sadd.s32 s3, s5;
	[dreg:$0x0] =	wrdreg $0x0  }
0xa8: {  	s5 =	sshll.u32 s28, $0x1;
	[dreg:$0x2] =	wrdreg s3  }
0xa9: {  	[dreg:$0x3] =	wrdreg s5  }
0xaa: {  	[dreg:$0x4] =	wrdreg $0xC0  }
0xab: {  	_ =	task [dreg:s7], $0x5FFFF  }
0xac: {  	[dreg:$0x1] =	wrdreg $0xFFFFFFFF  }
0xad: {  	[dreg:$0x0] =	wrdreg $0x60  }
0xae: {  	[dreg:$0x2] =	wrdreg s24  }
0xaf: {  	[dreg:$0x3] =	wrdreg s2  }
0xb0: {  	[dreg:$0x4] =	wrdreg $0x9  }
0xb1: {  	_ =	task.clear_ibuf [dreg:s7], $0x5FFFF;
	_ =	strace $0x90000046  }
0xb2: {  	s29 =	simm.s32 $0x9;
	_ =	strace $0x80000048  }
0xb3: {  	_ =	swait.ge [sflag:s29], $0x1  }
0xb4: {  	[sflag:s29] =	ssyncadd.s32 $0xFFFFFFFF  }
0xb5: {  	_ =	strace $0x90000048  }
0xb6: {  	_ =	sfence  }
0xb7: {  	s30 =	sld [smem:$0x0];
	_ =	sdelay $0x2  }
0xb8: {  	s31 =	sshll.u32 s1, $0xD;
	s1 =	sshrl.u32 s1, $0x2  }
0xb9: {  	s3 =	sand.u32 $0x4000, s31;
	s1 =	sadd.s32 s1, s30  }
0xba: {  	s0 =	sor.u32 s3, s0;
	s1 =	sshll.u32 s1, $0x11  }
0xbb: {  	s0 =	sor.u32 s1, s0  }
0xbc: {  	s0 =	sadd.s32 $0x8F2B, s0  }
0xbd: {  	[sflag:s0] =	ssyncadd.remote.s32 $0x1  }
0xbe: {  	_ =	sfence.sel $0xFFFF  }
0xbf: {  	[dreg:$0x0] =	wrdreg $0xFFFFFFFF;
	(pc) =	sbr.abs _section_cstart, $3  }
0xc0: {  	[dreg:$0x1] =	wrdreg $0xFFFFFFFF  }
0xc1: {  	_ =	task.clear_ibuf [dreg:s7], $0x2FFFF;
	_ =	strace $0x9FFFFFFF  }
0xc2: {  	(tm) =	ssettm $0x7FFFFFFF  }
0xc3: {  	_ =	shalt  }
tec
execute0_lowered:
.L_overlay_start_1:
0x0: {  	(tag) =	ssettag $0x1  }
0x1: {  	s1 =	rddreg [dreg:$0x0]  }
0x2: {  	s3 =	rddreg [dreg:$0x1];
	s29 =	simm.s32 $0x0  }
0x3: {  	s20 =	simm.s32 $0x6800;
	[smem:$0x7FF] =	sst s29  }
0x4: {  	s21 =	simm.s32 $0x800;
	_ =	strace $0x80000047;
	[dreg:$0x5] =	wrdreg s20  }
0x5: {  	s22 =	simm.s32 $0x6C00;
	[dreg:$0x6] =	wrdreg s21  }
0x6: {  	s23 =	simm.s32 $0xC00;
	[dreg:$0x7] =	wrdreg s22  }
0x7: {  	s24 =	simm.s32 $0x7000;
	[dreg:$0x8] =	wrdreg s23  }
0x8: {  	s25 =	simm.s32 $0x1000;
	[dreg:$0x9] =	wrdreg s24  }
0x9: {  	s26 =	simm.s32 $0x7400;
	[dreg:$0xa] =	wrdreg s25  }
0xa: {  	s5 =	simm.s32 $0x1800;
	[dreg:$0xb] =	wrdreg s26  }
0xb: {  	s6 =	simm.s32 $0x7C00;
	[dreg:$0xe] =	wrdreg s5  }
0xc: {  	s7 =	simm.s32 $0x1C00;
	[dreg:$0xf] =	wrdreg s6  }
0xd: {  	s8 =	simm.s32 $0x8000;
	[dreg:$0x10] =	wrdreg s7  }
0xe: {  	s0 =	srdreg.scid;
	s9 =	simm.s32 $0x2000;
	[dreg:$0x11] =	wrdreg s8  }
0xf: {  	s2 =	stileid.u32;
	s10 =	simm.s32 $0x8400;
	[dreg:$0x12] =	wrdreg s9  }
0x10: {  	s11 =	simm.s32 $0x2400;
	s12 =	simm.s32 $0x8800;
	[dreg:$0x13] =	wrdreg s10  }
0x11: {  	s13 =	simm.s32 $0x2800;
	s14 =	simm.s32 $0x8C00;
	[dreg:$0x14] =	wrdreg s11  }
0x12: {  	s15 =	simm.s32 $0x2C00;
	s17 =	simm.s32 $0x9000;
	[dreg:$0x15] =	wrdreg s12  }
0x13: {  	s18 =	simm.s32 $0x3000;
	s31 =	simm.s32 $0x5;
	[dreg:$0x16] =	wrdreg s13  }
0x14: {  	s30 =	simm.s32 $0x6400;
	s28 =	simm.s32 $0xA400;
	[dreg:$0x17] =	wrdreg s14  }
0x15: {  	s0 =	sand.u32 $0x1, s0;
	s2 =	sshll.u32 s2, $0x1;
	[dreg:$0x18] =	wrdreg s15  }
0x16: {  	p0 =	por $0x0, $0x0;
	s2 =	sor.u32 s0, s2;
	[dreg:$0x19] =	wrdreg s17  }
0x17: {  	s0 =	ssub.s32 $0x2, s0;
	[dreg:$0x1a] =	wrdreg s18;
	s20 =	simm.s32 $0x3400  }
0x18: {  	s21 =	simm.s32 $0x9800;
	s22 =	simm.s32 $0x3800;
	s5 =	simm.s32 $0xC800  }
0x19: {  	s23 =	simm.s32 $0x9C00;
	s6 =	simm.s32 $0x1;
	s24 =	simm.s32 $0x3C00  }
0x1a: {  	s9 =	simm.s32 $0x14800;
	s25 =	simm.s32 $0xA000;
	s10 =	simm.s32 $0x2  }
0x1b: {  	s26 =	simm.s32 $0x4000;
	s7 =	simm.s32 $0x3;
	[dreg:$0x1c] =	wrdreg s20  }
0x1c: {  	s8 =	simm.s32 $0x4;
	s18 =	simm.s32 $0x5400;
	[dreg:$0x1d] =	wrdreg s21  }
0x1d: {  	s17 =	simm.s32 $0x5800;
	s15 =	simm.s32 $0xBC00;
	[dreg:$0x1e] =	wrdreg s22  }
0x1e: {  	s14 =	simm.s32 $0x5C00;
	s13 =	simm.s32 $0xC000;
	[dreg:$0x1f] =	wrdreg s23  }
0x1f: {  	s12 =	simm.s32 $0x6000;
	s11 =	simm.s32 $0xC400;
	[smem:$0x7FB] =	sst s24  }
0x20: {  	s2 =	smul.u32 $0xC80, s2;
	s16 =	sshrl.u32 s0, $0x1;
	[smem:$0x7FC] =	sst s25  }
0x21: {  	[smem:$0x7FD] =	sst s26;
	s26 =	simm.s32 $0x4400;
	s25 =	simm.s32 $0xA800  }
0x22: {  	s24 =	simm.s32 $0x4800;
	s23 =	simm.s32 $0xAC00;
	s22 =	simm.s32 $0x4C00  }
0x23: {  	s21 =	simm.s32 $0xB000;
	s20 =	simm.s32 $0x5000;
	s0 =	ssub.s32 s0, s16  }
0x24: {  	s4 =	sadd.s32 s2, s1;
	s2 =	sadd.s32 s3, s2;
	s0 =	smax.u32 s0, $0x1  }
0x25: {  	s3 =	simm.s32 $0x1400;
	[dreg:$0x3] =	wrdreg s2;
	p1 =	sne.s32 s0, $0x1  }
.Ltmp0:
0x26: {  	s19 =	sadd.s32 $0xC00, s4;
	[dreg:$0xc] =	wrdreg s3;
	(pc) =	sbr.rel @!p1 .LBB2_3-.Ltmp0, $4  }
0x27: {  	s16 =	simm.s32 $0xB800;
	s4 =	simm.s32 $0x7800;
	[dreg:$0x4] =	wrdreg s19  }
0x28: {  	s3 =	sadd.s32 $0xF43200, s1;
	s2 =	sadd.s32 $0x19C00, s1;
	[dreg:$0xd] =	wrdreg s4  }
0x29: {  	s1 =	sadd.s32 $0xFFFFFFFF, s0;
	s19 =	simm.s32 $0x9400;
	s0 =	rddreg [dreg:$0x3]  }
0x2a: {  	s4 =	simm.s32 $0x400;
	[dreg:$0x1b] =	wrdreg s19;
	s19 =	simm.s32 $0xB400  }
0x2b: {  	[tilespmem:s29], [sflag:$0x5] =	stream.linear.gather [hbm4b:s0+s29], $0x6400, $0x38;
	[tilespmem:$0x1C800] =	vst v63  }
0x2c: {  	_ =	swait.ge [sflag:s31], $0x6400  }
0x2d: {  	[sflag:s31] =	ssyncset.done $0x0  }
0x2e: {  	s0 =	rddreg [dreg:$0x4];
	[sflag:s31] =	ssyncadd.s32 $0xFFFF9C00  }
0x2f: {  	[tilespmem:s30], [sflag:$0x5] =	stream.linear.gather [hbm4b:s0+s29], $0x6400, $0x38;
	[tilespmem:$0x1C800] =	vst v63  }
0x30: {  	_ =	swait.ge [sflag:s31], $0x6400  }
0x31: {  	[sflag:s31] =	ssyncset.done $0x0  }
0x32: {  	[sflag:s31] =	ssyncadd.s32 $0xFFFF9C00  }
0x33: {  	[tilespmem:s5], [sflag:$0x1] =	stream.indirect.gather [hbm4b:s3+s4], $0x20, s29, s4, $0xb8;
	[tilespmem:$0x1C800] =	vst v63  }
0x34: {  	_ =	swait.ge [sflag:s6], $0x8000  }
0x35: {  	[sflag:s6] =	ssyncset.done $0x0  }
0x36: {  	[sflag:s6] =	ssyncadd.s32 $0xFFFF8000  }
0x37: {  	[hbm4b:s2+s4] =	stream.indirect.scatter [tilespmem:s5], [sflag:$0x3], $0x20, s30, s4, $0xb8;
	[tilespmem:$0x1C800] =	vst v63  }
0x38: {  	_ = 	snop  }
0x39: {  	[tilespmem:s9], [sflag:$0x2] =	stream.indirect.gather [hbm4b:s3+s4], $0x20, s4, s4, $0xb8;
	[tilespmem:$0x1C800] =	vst v63  }
0x3a: {  	_ =	swait.ge [sflag:s10], $0x8000  }
0x3b: {  	[sflag:s10] =	ssyncset.done $0x0  }
0x3c: {  	s0 =	rddreg [dreg:$0x5];
	[sflag:s10] =	ssyncadd.s32 $0xFFFF8000  }
0x3d: {  	[hbm4b:s2+s4] =	stream.indirect.scatter [tilespmem:s9], [sflag:$0x4], $0x20, s0, s4, $0xb8;
	[tilespmem:$0x1C800] =	vst v63  }
0x3e: {  	_ =	swait.ge [sflag:s7], $0x8000  }
0x3f: {  	[sflag:s7] =	ssyncset.done $0x0  }
0x40: {  	s0 =	rddreg [dreg:$0x6];
	[sflag:s7] =	ssyncadd.s32 $0xFFFF8000  }
0x41: {  	[tilespmem:s5], [sflag:$0x1] =	stream.indirect.gather [hbm4b:s3+s4], $0x20, s0, s4, $0xb8;
	[tilespmem:$0x1C800] =	vst v63  }
0x42: {  	_ =	swait.ge [sflag:s6], $0x8000  }
0x43: {  	[sflag:s6] =	ssyncset.done $0x0  }
0x44: {  	s0 =	rddreg [dreg:$0x7];
	[sflag:s6] =	ssyncadd.s32 $0xFFFF8000  }
0x45: {  	[hbm4b:s2+s4] =	stream.indirect.scatter [tilespmem:s5], [sflag:$0x3], $0x20, s0, s4, $0xb8;
	[tilespmem:$0x1C800] =	vst v63  }
0x46: {  	_ =	swait.ge [sflag:s8], $0x8000  }
0x47: {  	[sflag:s8] =	ssyncset.done $0x0  }
0x48: {  	s0 =	rddreg [dreg:$0x8];
	[sflag:s8] =	ssyncadd.s32 $0xFFFF8000  }
0x49: {  	[tilespmem:s9], [sflag:$0x2] =	stream.indirect.gather [hbm4b:s3+s4], $0x20, s0, s4, $0xb8;
	[tilespmem:$0x1C800] =	vst v63  }
0x4a: {  	_ =	swait.ge [sflag:s10], $0x8000  }
0x4b: {  	[sflag:s10] =	ssyncset.done $0x0  }
0x4c: {  	s0 =	rddreg [dreg:$0x9];
	[sflag:s10] =	ssyncadd.s32 $0xFFFF8000  }
0x4d: {  	[hbm4b:s2+s4] =	stream.indirect.scatter [tilespmem:s9], [sflag:$0x4], $0x20, s0, s4, $0xb8;
	[tilespmem:$0x1C800] =	vst v63  }
0x4e: {  	_ =	swait.ge [sflag:s7], $0x8000  }
0x4f: {  	[sflag:s7] =	ssyncset.done $0x0  }
0x50: {  	s0 =	rddreg [dreg:$0xa];
	[sflag:s7] =	ssyncadd.s32 $0xFFFF8000  }
0x51: {  	[tilespmem:s5], [sflag:$0x1] =	stream.indirect.gather [hbm4b:s3+s4], $0x20, s0, s4, $0xb8;
	[tilespmem:$0x1C800] =	vst v63  }
0x52: {  	_ =	swait.ge [sflag:s6], $0x8000  }
0x53: {  	[sflag:s6] =	ssyncset.done $0x0  }
0x54: {  	s0 =	rddreg [dreg:$0xb];
	[sflag:s6] =	ssyncadd.s32 $0xFFFF8000  }
0x55: {  	[hbm4b:s2+s4] =	stream.indirect.scatter [tilespmem:s5], [sflag:$0x3], $0x20, s0, s4, $0xb8;
	[tilespmem:$0x1C800] =	vst v63  }
0x56: {  	_ =	swait.ge [sflag:s8], $0x8000  }
0x57: {  	[sflag:s8] =	ssyncset.done $0x0  }
0x58: {  	s0 =	rddreg [dreg:$0xc];
	[sflag:s8] =	ssyncadd.s32 $0xFFFF8000  }
0x59: {  	[tilespmem:s9], [sflag:$0x2] =	stream.indirect.gather [hbm4b:s3+s4], $0x20, s0, s4, $0xb8;
	[tilespmem:$0x1C800] =	vst v63  }
0x5a: {  	_ =	swait.ge [sflag:s10], $0x8000  }
0x5b: {  	[sflag:s10] =	ssyncset.done $0x0  }
0x5c: {  	s0 =	rddreg [dreg:$0xd];
	[sflag:s10] =	ssyncadd.s32 $0xFFFF8000  }
0x5d: {  	[hbm4b:s2+s4] =	stream.indirect.scatter [tilespmem:s9], [sflag:$0x4], $0x20, s0, s4, $0xb8;
	[tilespmem:$0x1C800] =	vst v63  }
0x5e: {  	_ =	swait.ge [sflag:s7], $0x8000  }
0x5f: {  	[sflag:s7] =	ssyncset.done $0x0  }
0x60: {  	s0 =	rddreg [dreg:$0xe];
	[sflag:s7] =	ssyncadd.s32 $0xFFFF8000  }
0x61: {  	[tilespmem:s5], [sflag:$0x1] =	stream.indirect.gather [hbm4b:s3+s4], $0x20, s0, s4, $0xb8;
	[tilespmem:$0x1C800] =	vst v63  }
0x62: {  	_ =	swait.ge [sflag:s6], $0x8000  }
0x63: {  	[sflag:s6] =	ssyncset.done $0x0  }
0x64: {  	s0 =	rddreg [dreg:$0xf];
	[sflag:s6] =	ssyncadd.s32 $0xFFFF8000  }
0x65: {  	[hbm4b:s2+s4] =	stream.indirect.scatter [tilespmem:s5], [sflag:$0x3], $0x20, s0, s4, $0xb8;
	[tilespmem:$0x1C800] =	vst v63  }
0x66: {  	_ =	swait.ge [sflag:s8], $0x8000  }
0x67: {  	[sflag:s8] =	ssyncset.done $0x0  }
0x68: {  	s0 =	rddreg [dreg:$0x10];
	[sflag:s8] =	ssyncadd.s32 $0xFFFF8000  }
0x69: {  	[tilespmem:s9], [sflag:$0x2] =	stream.indirect.gather [hbm4b:s3+s4], $0x20, s0, s4, $0xb8;
	[tilespmem:$0x1C800] =	vst v63  }
0x6a: {  	_ =	swait.ge [sflag:s10], $0x8000  }
0x6b: {  	[sflag:s10] =	ssyncset.done $0x0  }
0x6c: {  	s0 =	rddreg [dreg:$0x11];
	[sflag:s10] =	ssyncadd.s32 $0xFFFF8000  }
0x6d: {  	[hbm4b:s2+s4] =	stream.indirect.scatter [tilespmem:s9], [sflag:$0x4], $0x20, s0, s4, $0xb8;
	[tilespmem:$0x1C800] =	vst v63  }
0x6e: {  	_ =	swait.ge [sflag:s7], $0x8000  }
0x6f: {  	[sflag:s7] =	ssyncset.done $0x0  }
0x70: {  	s0 =	rddreg [dreg:$0x12];
	[sflag:s7] =	ssyncadd.s32 $0xFFFF8000  }
0x71: {  	[tilespmem:s5], [sflag:$0x1] =	stream.indirect.gather [hbm4b:s3+s4], $0x20, s0, s4, $0xb8;
	[tilespmem:$0x1C800] =	vst v63  }
0x72: {  	_ =	swait.ge [sflag:s6], $0x8000  }
0x73: {  	[sflag:s6] =	ssyncset.done $0x0  }
0x74: {  	s0 =	rddreg [dreg:$0x13];
	[sflag:s6] =	ssyncadd.s32 $0xFFFF8000  }
0x75: {  	[hbm4b:s2+s4] =	stream.indirect.scatter [tilespmem:s5], [sflag:$0x3], $0x20, s0, s4, $0xb8;
	[tilespmem:$0x1C800] =	vst v63  }
0x76: {  	_ =	swait.ge [sflag:s8], $0x8000  }
0x77: {  	[sflag:s8] =	ssyncset.done $0x0  }
0x78: {  	s0 =	rddreg [dreg:$0x14];
	[sflag:s8] =	ssyncadd.s32 $0xFFFF8000  }
0x79: {  	[tilespmem:s9], [sflag:$0x2] =	stream.indirect.gather [hbm4b:s3+s4], $0x20, s0, s4, $0xb8;
	[tilespmem:$0x1C800] =	vst v63  }
0x7a: {  	_ =	swait.ge [sflag:s10], $0x8000  }
0x7b: {  	[sflag:s10] =	ssyncset.done $0x0  }
0x7c: {  	s0 =	rddreg [dreg:$0x15];
	[sflag:s10] =	ssyncadd.s32 $0xFFFF8000  }
0x7d: {  	[hbm4b:s2+s4] =	stream.indirect.scatter [tilespmem:s9], [sflag:$0x4], $0x20, s0, s4, $0xb8;
	[tilespmem:$0x1C800] =	vst v63  }
0x7e: {  	_ =	swait.ge [sflag:s7], $0x8000  }
0x7f: {  	[sflag:s7] =	ssyncset.done $0x0  }
0x80: {  	s0 =	rddreg [dreg:$0x16];
	[sflag:s7] =	ssyncadd.s32 $0xFFFF8000  }
0x81: {  	[tilespmem:s5], [sflag:$0x1] =	stream.indirect.gather [hbm4b:s3+s4], $0x20, s0, s4, $0xb8;
	[tilespmem:$0x1C800] =	vst v63  }
0x82: {  	_ =	swait.ge [sflag:s6], $0x8000  }
0x83: {  	[sflag:s6] =	ssyncset.done $0x0  }
0x84: {  	s0 =	rddreg [dreg:$0x17];
	[sflag:s6] =	ssyncadd.s32 $0xFFFF8000  }
0x85: {  	[hbm4b:s2+s4] =	stream.indirect.scatter [tilespmem:s5], [sflag:$0x3], $0x20, s0, s4, $0xb8;
	[tilespmem:$0x1C800] =	vst v63  }
0x86: {  	_ =	swait.ge [sflag:s8], $0x8000  }
0x87: {  	[sflag:s8] =	ssyncset.done $0x0  }
0x88: {  	s0 =	rddreg [dreg:$0x18];
	[sflag:s8] =	ssyncadd.s32 $0xFFFF8000  }
0x89: {  	[tilespmem:s9], [sflag:$0x2] =	stream.indirect.gather [hbm4b:s3+s4], $0x20, s0, s4, $0xb8;
	[tilespmem:$0x1C800] =	vst v63  }
0x8a: {  	_ =	swait.ge [sflag:s10], $0x8000  }
0x8b: {  	[sflag:s10] =	ssyncset.done $0x0  }
0x8c: {  	s0 =	rddreg [dreg:$0x19];
	[sflag:s10] =	ssyncadd.s32 $0xFFFF8000  }
0x8d: {  	[hbm4b:s2+s4] =	stream.indirect.scatter [tilespmem:s9], [sflag:$0x4], $0x20, s0, s4, $0xb8;
	[tilespmem:$0x1C800] =	vst v63  }
0x8e: {  	_ =	swait.ge [sflag:s7], $0x8000  }
0x8f: {  	[sflag:s7] =	ssyncset.done $0x0  }
0x90: {  	s0 =	rddreg [dreg:$0x1a];
	[sflag:s7] =	ssyncadd.s32 $0xFFFF8000  }
0x91: {  	[tilespmem:s5], [sflag:$0x1] =	stream.indirect.gather [hbm4b:s3+s4], $0x20, s0, s4, $0xb8;
	[tilespmem:$0x1C800] =	vst v63  }
0x92: {  	_ =	swait.ge [sflag:s6], $0x8000  }
0x93: {  	[sflag:s6] =	ssyncset.done $0x0  }
0x94: {  	s0 =	rddreg [dreg:$0x1b];
	[sflag:s6] =	ssyncadd.s32 $0xFFFF8000  }
0x95: {  	[hbm4b:s2+s4] =	stream.indirect.scatter [tilespmem:s5], [sflag:$0x3], $0x20, s0, s4, $0xb8;
	[tilespmem:$0x1C800] =	vst v63  }
0x96: {  	_ =	swait.ge [sflag:s8], $0x8000  }
0x97: {  	[sflag:s8] =	ssyncset.done $0x0  }
0x98: {  	s0 =	rddreg [dreg:$0x1c];
	[sflag:s8] =	ssyncadd.s32 $0xFFFF8000  }
0x99: {  	[tilespmem:s9], [sflag:$0x2] =	stream.indirect.gather [hbm4b:s3+s4], $0x20, s0, s4, $0xb8;
	[tilespmem:$0x1C800] =	vst v63  }
0x9a: {  	_ =	swait.ge [sflag:s10], $0x8000  }
0x9b: {  	[sflag:s10] =	ssyncset.done $0x0  }
0x9c: {  	s0 =	rddreg [dreg:$0x1d];
	[sflag:s10] =	ssyncadd.s32 $0xFFFF8000  }
0x9d: {  	[hbm4b:s2+s4] =	stream.indirect.scatter [tilespmem:s9], [sflag:$0x4], $0x20, s0, s4, $0xb8;
	[tilespmem:$0x1C800] =	vst v63  }
0x9e: {  	_ =	swait.ge [sflag:s7], $0x8000  }
0x9f: {  	[sflag:s7] =	ssyncset.done $0x0  }
0xa0: {  	s0 =	rddreg [dreg:$0x1e];
	[sflag:s7] =	ssyncadd.s32 $0xFFFF8000  }
0xa1: {  	[tilespmem:s5], [sflag:$0x1] =	stream.indirect.gather [hbm4b:s3+s4], $0x20, s0, s4, $0xb8;
	[tilespmem:$0x1C800] =	vst v63  }
0xa2: {  	_ =	swait.ge [sflag:s6], $0x8000  }
0xa3: {  	[sflag:s6] =	ssyncset.done $0x0  }
0xa4: {  	s0 =	rddreg [dreg:$0x1f];
	[sflag:s6] =	ssyncadd.s32 $0xFFFF8000  }
0xa5: {  	[hbm4b:s2+s4] =	stream.indirect.scatter [tilespmem:s5], [sflag:$0x3], $0x20, s0, s4, $0xb8;
	[tilespmem:$0x1C800] =	vst v63  }
0xa6: {  	_ =	swait.ge [sflag:s8], $0x8000  }
0xa7: {  	s0 =	sld [smem:$0x7FB]  }
0xa8: {  	[sflag:s8] =	ssyncset.done $0x0  }
0xa9: {  	[sflag:s8] =	ssyncadd.s32 $0xFFFF8000  }
0xaa: {  	[tilespmem:s9], [sflag:$0x2] =	stream.indirect.gather [hbm4b:s3+s4], $0x20, s0, s4, $0xb8;
	[tilespmem:$0x1C800] =	vst v63  }
0xab: {  	_ =	swait.ge [sflag:s10], $0x8000  }
0xac: {  	s0 =	sld [smem:$0x7FC]  }
0xad: {  	[sflag:s10] =	ssyncset.done $0x0  }
0xae: {  	[sflag:s10] =	ssyncadd.s32 $0xFFFF8000  }
0xaf: {  	[hbm4b:s2+s4] =	stream.indirect.scatter [tilespmem:s9], [sflag:$0x4], $0x20, s0, s4, $0xb8;
	[tilespmem:$0x1C800] =	vst v63  }
0xb0: {  	_ =	swait.ge [sflag:s7], $0x8000  }
0xb1: {  	s0 =	sld [smem:$0x7FD]  }
0xb2: {  	[sflag:s7] =	ssyncset.done $0x0  }
0xb3: {  	[sflag:s7] =	ssyncadd.s32 $0xFFFF8000  }
0xb4: {  	[tilespmem:s5], [sflag:$0x1] =	stream.indirect.gather [hbm4b:s3+s4], $0x20, s0, s4, $0xb8;
	[tilespmem:$0x1C800] =	vst v63  }
0xb5: {  	_ =	swait.ge [sflag:s6], $0x8000  }
0xb6: {  	[sflag:s6] =	ssyncset.done $0x0  }
0xb7: {  	[sflag:s6] =	ssyncadd.s32 $0xFFFF8000  }
0xb8: {  	[hbm4b:s2+s4] =	stream.indirect.scatter [tilespmem:s5], [sflag:$0x3], $0x20, s28, s4, $0xb8;
	[tilespmem:$0x1C800] =	vst v63  }
0xb9: {  	_ =	swait.ge [sflag:s8], $0x8000  }
0xba: {  	[sflag:s8] =	ssyncset.done $0x0  }
0xbb: {  	[sflag:s8] =	ssyncadd.s32 $0xFFFF8000  }
0xbc: {  	[tilespmem:s9], [sflag:$0x2] =	stream.indirect.gather [hbm4b:s3+s4], $0x20, s26, s4, $0xb8;
	[tilespmem:$0x1C800] =	vst v63  }
0xbd: {  	_ =	swait.ge [sflag:s10], $0x8000  }
0xbe: {  	[sflag:s10] =	ssyncset.done $0x0  }
0xbf: {  	[sflag:s10] =	ssyncadd.s32 $0xFFFF8000  }
0xc0: {  	[hbm4b:s2+s4] =	stream.indirect.scatter [tilespmem:s9], [sflag:$0x4], $0x20, s25, s4, $0xb8;
	[tilespmem:$0x1C800] =	vst v63  }
0xc1: {  	_ =	swait.ge [sflag:s7], $0x8000  }
0xc2: {  	[sflag:s7] =	ssyncset.done $0x0  }
0xc3: {  	[sflag:s7] =	ssyncadd.s32 $0xFFFF8000  }
0xc4: {  	[tilespmem:s5], [sflag:$0x1] =	stream.indirect.gather [hbm4b:s3+s4], $0x20, s24, s4, $0xb8;
	[tilespmem:$0x1C800] =	vst v63  }
0xc5: {  	_ =	swait.ge [sflag:s6], $0x8000  }
0xc6: {  	[sflag:s6] =	ssyncset.done $0x0  }
0xc7: {  	[sflag:s6] =	ssyncadd.s32 $0xFFFF8000  }
0xc8: {  	[hbm4b:s2+s4] =	stream.indirect.scatter [tilespmem:s5], [sflag:$0x3], $0x20, s23, s4, $0xb8;
	[tilespmem:$0x1C800] =	vst v63  }
0xc9: {  	_ =	swait.ge [sflag:s8], $0x8000  }
0xca: {  	[sflag:s8] =	ssyncset.done $0x0  }
0xcb: {  	[sflag:s8] =	ssyncadd.s32 $0xFFFF8000  }
0xcc: {  	[tilespmem:s9], [sflag:$0x2] =	stream.indirect.gather [hbm4b:s3+s4], $0x20, s22, s4, $0xb8;
	[tilespmem:$0x1C800] =	vst v63  }
0xcd: {  	_ =	swait.ge [sflag:s10], $0x8000  }
0xce: {  	[sflag:s10] =	ssyncset.done $0x0  }
0xcf: {  	[sflag:s10] =	ssyncadd.s32 $0xFFFF8000  }
0xd0: {  	[hbm4b:s2+s4] =	stream.indirect.scatter [tilespmem:s9], [sflag:$0x4], $0x20, s21, s4, $0xb8;
	[tilespmem:$0x1C800] =	vst v63  }
0xd1: {  	_ =	swait.ge [sflag:s7], $0x8000  }
0xd2: {  	[sflag:s7] =	ssyncset.done $0x0  }
0xd3: {  	[sflag:s7] =	ssyncadd.s32 $0xFFFF8000  }
0xd4: {  	[tilespmem:s5], [sflag:$0x1] =	stream.indirect.gather [hbm4b:s3+s4], $0x20, s20, s4, $0xb8;
	[tilespmem:$0x1C800] =	vst v63  }
0xd5: {  	_ =	swait.ge [sflag:s6], $0x8000  }
0xd6: {  	[sflag:s6] =	ssyncset.done $0x0  }
0xd7: {  	[sflag:s6] =	ssyncadd.s32 $0xFFFF8000  }
0xd8: {  	[hbm4b:s2+s4] =	stream.indirect.scatter [tilespmem:s5], [sflag:$0x3], $0x20, s19, s4, $0xb8;
	[tilespmem:$0x1C800] =	vst v63  }
0xd9: {  	_ =	swait.ge [sflag:s8], $0x8000  }
0xda: {  	[sflag:s8] =	ssyncset.done $0x0  }
0xdb: {  	[sflag:s8] =	ssyncadd.s32 $0xFFFF8000  }
0xdc: {  	[tilespmem:s9], [sflag:$0x2] =	stream.indirect.gather [hbm4b:s3+s4], $0x20, s18, s4, $0xb8;
	[tilespmem:$0x1C800] =	vst v63  }
0xdd: {  	_ =	swait.ge [sflag:s10], $0x8000  }
0xde: {  	[sflag:s10] =	ssyncset.done $0x0  }
0xdf: {  	[sflag:s10] =	ssyncadd.s32 $0xFFFF8000  }
0xe0: {  	[hbm4b:s2+s4] =	stream.indirect.scatter [tilespmem:s9], [sflag:$0x4], $0x20, s16, s4, $0xb8;
	[tilespmem:$0x1C800] =	vst v63  }
0xe1: {  	_ =	swait.ge [sflag:s7], $0x8000  }
0xe2: {  	[sflag:s7] =	ssyncset.done $0x0  }
0xe3: {  	[sflag:s7] =	ssyncadd.s32 $0xFFFF8000  }
0xe4: {  	[tilespmem:s5], [sflag:$0x1] =	stream.indirect.gather [hbm4b:s3+s4], $0x20, s17, s4, $0xb8;
	[tilespmem:$0x1C800] =	vst v63  }
0xe5: {  	_ =	swait.ge [sflag:s6], $0x8000  }
0xe6: {  	[sflag:s6] =	ssyncset.done $0x0  }
0xe7: {  	[sflag:s6] =	ssyncadd.s32 $0xFFFF8000  }
0xe8: {  	[hbm4b:s2+s4] =	stream.indirect.scatter [tilespmem:s5], [sflag:$0x3], $0x20, s15, s4, $0xb8;
	[tilespmem:$0x1C800] =	vst v63  }
0xe9: {  	_ =	swait.ge [sflag:s8], $0x8000  }
0xea: {  	[sflag:s8] =	ssyncset.done $0x0  }
0xeb: {  	[sflag:s8] =	ssyncadd.s32 $0xFFFF8000  }
0xec: {  	[tilespmem:s9], [sflag:$0x2] =	stream.indirect.gather [hbm4b:s3+s4], $0x20, s14, s4, $0xb8;
	[tilespmem:$0x1C800] =	vst v63  }
0xed: {  	_ =	swait.ge [sflag:s10], $0x8000  }
0xee: {  	[sflag:s10] =	ssyncset.done $0x0  }
0xef: {  	[sflag:s10] =	ssyncadd.s32 $0xFFFF8000  }
0xf0: {  	[hbm4b:s2+s4] =	stream.indirect.scatter [tilespmem:s9], [sflag:$0x4], $0x20, s13, s4, $0xb8;
	[tilespmem:$0x1C800] =	vst v63  }
0xf1: {  	_ =	swait.ge [sflag:s7], $0x8000  }
0xf2: {  	[sflag:s7] =	ssyncset.done $0x0  }
0xf3: {  	[sflag:s7] =	ssyncadd.s32 $0xFFFF8000  }
0xf4: {  	[tilespmem:s5], [sflag:$0x1] =	stream.indirect.gather [hbm4b:s3+s4], $0x20, s12, s4, $0xb8;
	[tilespmem:$0x1C800] =	vst v63  }
0xf5: {  	_ =	swait.ge [sflag:s6], $0x8000  }
0xf6: {  	[sflag:s6] =	ssyncset.done $0x0  }
0xf7: {  	p1 =	sne.s32 s1, $0x1;
	[sflag:s6] =	ssyncadd.s32 $0xFFFF8000  }
0xf8: {  	[hbm4b:s2+s4] =	stream.indirect.scatter [tilespmem:s5], [sflag:$0x3], $0x20, s11, s4, $0xb8;
	[tilespmem:$0x1C800] =	vst v63  }
.Ltmp1:
0xf9: {  	_ =	swait.ge [sflag:s8], $0x8000;
	(pc) =	sbr.rel @!p1 .LBB2_3-.Ltmp1, $4  }
0xfa: {  	[sflag:s8] =	ssyncset.done $0x0  }
0xfb: {  	[sflag:s8] =	ssyncadd.s32 $0xFFFF8000  }
0xfc: {  	s1 =	sadd.s32 $0xFFFFFFFF, s1;
	_ =	swait.ge [sflag:s7], $0x8000  }
0xfd: {  	p0 =	por $0x1, $0x1;
	s0 =	rddreg [dreg:$0x3];
	[sflag:s7] =	ssyncset.done $0x0  }
.LBB2_2:
0xfe: {  	[sflag:s7] =	ssyncadd.s32 $0xFFFF8000  }
0xff: {  	[tilespmem:s29], [sflag:$0x5] =	stream.linear.gather [hbm4b:s0+s29], $0x6400, $0x38;
	[tilespmem:$0x1C800] =	vst v63  }
0x100: {  	_ =	swait.ge [sflag:s31], $0x6400  }
0x101: {  	[sflag:s31] =	ssyncset.done $0x0  }
0x102: {  	s0 =	rddreg [dreg:$0x4];
	[sflag:s31] =	ssyncadd.s32 $0xFFFF9C00  }
0x103: {  	[tilespmem:s30], [sflag:$0x5] =	stream.linear.gather [hbm4b:s0+s29], $0x6400, $0x38;
	[tilespmem:$0x1C800] =	vst v63  }
0x104: {  	_ =	swait.ge [sflag:s31], $0x6400  }
0x105: {  	[sflag:s31] =	ssyncset.done $0x0  }
0x106: {  	[sflag:s31] =	ssyncadd.s32 $0xFFFF9C00  }
0x107: {  	[tilespmem:s5], [sflag:$0x1] =	stream.indirect.gather [hbm4b:s3+s4], $0x20, s29, s4, $0xb8;
	[tilespmem:$0x1C800] =	vst v63  }
0x108: {  	_ =	swait.ge [sflag:s6], $0x8000  }
0x109: {  	[sflag:s6] =	ssyncset.done $0x0  }
0x10a: {  	[sflag:s6] =	ssyncadd.s32 $0xFFFF8000  }
0x10b: {  	[hbm4b:s2+s4] =	stream.indirect.scatter [tilespmem:s5], [sflag:$0x3], $0x20, s30, s4, $0xb8;
	[tilespmem:$0x1C800] =	vst v63  }
0x10c: {  	_ = 	snop  }
0x10d: {  	[tilespmem:s9], [sflag:$0x2] =	stream.indirect.gather [hbm4b:s3+s4], $0x20, s4, s4, $0xb8;
	[tilespmem:$0x1C800] =	vst v63  }
0x10e: {  	_ =	swait.ge [sflag:s10], $0x8000  }
0x10f: {  	[sflag:s10] =	ssyncset.done $0x0  }
0x110: {  	s0 =	rddreg [dreg:$0x5];
	[sflag:s10] =	ssyncadd.s32 $0xFFFF8000  }
0x111: {  	[hbm4b:s2+s4] =	stream.indirect.scatter [tilespmem:s9], [sflag:$0x4], $0x20, s0, s4, $0xb8;
	[tilespmem:$0x1C800] =	vst v63  }
0x112: {  	_ =	swait.ge [sflag:s7], $0x8000  }
0x113: {  	[sflag:s7] =	ssyncset.done $0x0  }
0x114: {  	s0 =	rddreg [dreg:$0x6];
	[sflag:s7] =	ssyncadd.s32 $0xFFFF8000  }
0x115: {  	[tilespmem:s5], [sflag:$0x1] =	stream.indirect.gather [hbm4b:s3+s4], $0x20, s0, s4, $0xb8;
	[tilespmem:$0x1C800] =	vst v63  }
0x116: {  	_ =	swait.ge [sflag:s6], $0x8000  }
0x117: {  	[sflag:s6] =	ssyncset.done $0x0  }
0x118: {  	s0 =	rddreg [dreg:$0x7];
	[sflag:s6] =	ssyncadd.s32 $0xFFFF8000  }
0x119: {  	[hbm4b:s2+s4] =	stream.indirect.scatter [tilespmem:s5], [sflag:$0x3], $0x20, s0, s4, $0xb8;
	[tilespmem:$0x1C800] =	vst v63  }
0x11a: {  	_ =	swait.ge [sflag:s8], $0x8000  }
0x11b: {  	[sflag:s8] =	ssyncset.done $0x0  }
0x11c: {  	s0 =	rddreg [dreg:$0x8];
	[sflag:s8] =	ssyncadd.s32 $0xFFFF8000  }
0x11d: {  	[tilespmem:s9], [sflag:$0x2] =	stream.indirect.gather [hbm4b:s3+s4], $0x20, s0, s4, $0xb8;
	[tilespmem:$0x1C800] =	vst v63  }
0x11e: {  	_ =	swait.ge [sflag:s10], $0x8000  }
0x11f: {  	[sflag:s10] =	ssyncset.done $0x0  }
0x120: {  	s0 =	rddreg [dreg:$0x9];
	[sflag:s10] =	ssyncadd.s32 $0xFFFF8000  }
0x121: {  	[hbm4b:s2+s4] =	stream.indirect.scatter [tilespmem:s9], [sflag:$0x4], $0x20, s0, s4, $0xb8;
	[tilespmem:$0x1C800] =	vst v63  }
0x122: {  	_ =	swait.ge [sflag:s7], $0x8000  }
0x123: {  	[sflag:s7] =	ssyncset.done $0x0  }
0x124: {  	s0 =	rddreg [dreg:$0xa];
	[sflag:s7] =	ssyncadd.s32 $0xFFFF8000  }
0x125: {  	[tilespmem:s5], [sflag:$0x1] =	stream.indirect.gather [hbm4b:s3+s4], $0x20, s0, s4, $0xb8;
	[tilespmem:$0x1C800] =	vst v63  }
0x126: {  	_ =	swait.ge [sflag:s6], $0x8000  }
0x127: {  	[sflag:s6] =	ssyncset.done $0x0  }
0x128: {  	s0 =	rddreg [dreg:$0xb];
	[sflag:s6] =	ssyncadd.s32 $0xFFFF8000  }
0x129: {  	[hbm4b:s2+s4] =	stream.indirect.scatter [tilespmem:s5], [sflag:$0x3], $0x20, s0, s4, $0xb8;
	[tilespmem:$0x1C800] =	vst v63  }
0x12a: {  	_ =	swait.ge [sflag:s8], $0x8000  }
0x12b: {  	[sflag:s8] =	ssyncset.done $0x0  }
0x12c: {  	s0 =	rddreg [dreg:$0xc];
	[sflag:s8] =	ssyncadd.s32 $0xFFFF8000  }
0x12d: {  	[tilespmem:s9], [sflag:$0x2] =	stream.indirect.gather [hbm4b:s3+s4], $0x20, s0, s4, $0xb8;
	[tilespmem:$0x1C800] =	vst v63  }
0x12e: {  	_ =	swait.ge [sflag:s10], $0x8000  }
0x12f: {  	[sflag:s10] =	ssyncset.done $0x0  }
0x130: {  	s0 =	rddreg [dreg:$0xd];
	[sflag:s10] =	ssyncadd.s32 $0xFFFF8000  }
0x131: {  	[hbm4b:s2+s4] =	stream.indirect.scatter [tilespmem:s9], [sflag:$0x4], $0x20, s0, s4, $0xb8;
	[tilespmem:$0x1C800] =	vst v63  }
0x132: {  	_ =	swait.ge [sflag:s7], $0x8000  }
0x133: {  	[sflag:s7] =	ssyncset.done $0x0  }
0x134: {  	s0 =	rddreg [dreg:$0xe];
	[sflag:s7] =	ssyncadd.s32 $0xFFFF8000  }
0x135: {  	[tilespmem:s5], [sflag:$0x1] =	stream.indirect.gather [hbm4b:s3+s4], $0x20, s0, s4, $0xb8;
	[tilespmem:$0x1C800] =	vst v63  }
0x136: {  	_ =	swait.ge [sflag:s6], $0x8000  }
0x137: {  	[sflag:s6] =	ssyncset.done $0x0  }
0x138: {  	s0 =	rddreg [dreg:$0xf];
	[sflag:s6] =	ssyncadd.s32 $0xFFFF8000  }
0x139: {  	[hbm4b:s2+s4] =	stream.indirect.scatter [tilespmem:s5], [sflag:$0x3], $0x20, s0, s4, $0xb8;
	[tilespmem:$0x1C800] =	vst v63  }
0x13a: {  	_ =	swait.ge [sflag:s8], $0x8000  }
0x13b: {  	[sflag:s8] =	ssyncset.done $0x0  }
0x13c: {  	s0 =	rddreg [dreg:$0x10];
	[sflag:s8] =	ssyncadd.s32 $0xFFFF8000  }
0x13d: {  	[tilespmem:s9], [sflag:$0x2] =	stream.indirect.gather [hbm4b:s3+s4], $0x20, s0, s4, $0xb8;
	[tilespmem:$0x1C800] =	vst v63  }
0x13e: {  	_ =	swait.ge [sflag:s10], $0x8000  }
0x13f: {  	[sflag:s10] =	ssyncset.done $0x0  }
0x140: {  	s0 =	rddreg [dreg:$0x11];
	[sflag:s10] =	ssyncadd.s32 $0xFFFF8000  }
0x141: {  	[hbm4b:s2+s4] =	stream.indirect.scatter [tilespmem:s9], [sflag:$0x4], $0x20, s0, s4, $0xb8;
	[tilespmem:$0x1C800] =	vst v63  }
0x142: {  	_ =	swait.ge [sflag:s7], $0x8000  }
0x143: {  	[sflag:s7] =	ssyncset.done $0x0  }
0x144: {  	s0 =	rddreg [dreg:$0x12];
	[sflag:s7] =	ssyncadd.s32 $0xFFFF8000  }
0x145: {  	[tilespmem:s5], [sflag:$0x1] =	stream.indirect.gather [hbm4b:s3+s4], $0x20, s0, s4, $0xb8;
	[tilespmem:$0x1C800] =	vst v63  }
0x146: {  	_ =	swait.ge [sflag:s6], $0x8000  }
0x147: {  	[sflag:s6] =	ssyncset.done $0x0  }
0x148: {  	s0 =	rddreg [dreg:$0x13];
	[sflag:s6] =	ssyncadd.s32 $0xFFFF8000  }
0x149: {  	[hbm4b:s2+s4] =	stream.indirect.scatter [tilespmem:s5], [sflag:$0x3], $0x20, s0, s4, $0xb8;
	[tilespmem:$0x1C800] =	vst v63  }
0x14a: {  	_ =	swait.ge [sflag:s8], $0x8000  }
0x14b: {  	[sflag:s8] =	ssyncset.done $0x0  }
0x14c: {  	s0 =	rddreg [dreg:$0x14];
	[sflag:s8] =	ssyncadd.s32 $0xFFFF8000  }
0x14d: {  	[tilespmem:s9], [sflag:$0x2] =	stream.indirect.gather [hbm4b:s3+s4], $0x20, s0, s4, $0xb8;
	[tilespmem:$0x1C800] =	vst v63  }
0x14e: {  	_ =	swait.ge [sflag:s10], $0x8000  }
0x14f: {  	[sflag:s10] =	ssyncset.done $0x0  }
0x150: {  	s0 =	rddreg [dreg:$0x15];
	[sflag:s10] =	ssyncadd.s32 $0xFFFF8000  }
0x151: {  	[hbm4b:s2+s4] =	stream.indirect.scatter [tilespmem:s9], [sflag:$0x4], $0x20, s0, s4, $0xb8;
	[tilespmem:$0x1C800] =	vst v63  }
0x152: {  	_ =	swait.ge [sflag:s7], $0x8000  }
0x153: {  	[sflag:s7] =	ssyncset.done $0x0  }
0x154: {  	s0 =	rddreg [dreg:$0x16];
	[sflag:s7] =	ssyncadd.s32 $0xFFFF8000  }
0x155: {  	[tilespmem:s5], [sflag:$0x1] =	stream.indirect.gather [hbm4b:s3+s4], $0x20, s0, s4, $0xb8;
	[tilespmem:$0x1C800] =	vst v63  }
0x156: {  	_ =	swait.ge [sflag:s6], $0x8000  }
0x157: {  	[sflag:s6] =	ssyncset.done $0x0  }
0x158: {  	s0 =	rddreg [dreg:$0x17];
	[sflag:s6] =	ssyncadd.s32 $0xFFFF8000  }
0x159: {  	[hbm4b:s2+s4] =	stream.indirect.scatter [tilespmem:s5], [sflag:$0x3], $0x20, s0, s4, $0xb8;
	[tilespmem:$0x1C800] =	vst v63  }
0x15a: {  	_ =	swait.ge [sflag:s8], $0x8000  }
0x15b: {  	[sflag:s8] =	ssyncset.done $0x0  }
0x15c: {  	s0 =	rddreg [dreg:$0x18];
	[sflag:s8] =	ssyncadd.s32 $0xFFFF8000  }
0x15d: {  	[tilespmem:s9], [sflag:$0x2] =	stream.indirect.gather [hbm4b:s3+s4], $0x20, s0, s4, $0xb8;
	[tilespmem:$0x1C800] =	vst v63  }
0x15e: {  	_ =	swait.ge [sflag:s10], $0x8000  }
0x15f: {  	[sflag:s10] =	ssyncset.done $0x0  }
0x160: {  	s0 =	rddreg [dreg:$0x19];
	[sflag:s10] =	ssyncadd.s32 $0xFFFF8000  }
0x161: {  	[hbm4b:s2+s4] =	stream.indirect.scatter [tilespmem:s9], [sflag:$0x4], $0x20, s0, s4, $0xb8;
	[tilespmem:$0x1C800] =	vst v63  }
0x162: {  	_ =	swait.ge [sflag:s7], $0x8000  }
0x163: {  	[sflag:s7] =	ssyncset.done $0x0  }
0x164: {  	s0 =	rddreg [dreg:$0x1a];
	[sflag:s7] =	ssyncadd.s32 $0xFFFF8000  }
0x165: {  	[tilespmem:s5], [sflag:$0x1] =	stream.indirect.gather [hbm4b:s3+s4], $0x20, s0, s4, $0xb8;
	[tilespmem:$0x1C800] =	vst v63  }
0x166: {  	_ =	swait.ge [sflag:s6], $0x8000  }
0x167: {  	[sflag:s6] =	ssyncset.done $0x0  }
0x168: {  	s0 =	rddreg [dreg:$0x1b];
	[sflag:s6] =	ssyncadd.s32 $0xFFFF8000  }
0x169: {  	[hbm4b:s2+s4] =	stream.indirect.scatter [tilespmem:s5], [sflag:$0x3], $0x20, s0, s4, $0xb8;
	[tilespmem:$0x1C800] =	vst v63  }
0x16a: {  	_ =	swait.ge [sflag:s8], $0x8000  }
0x16b: {  	[sflag:s8] =	ssyncset.done $0x0  }
0x16c: {  	s0 =	rddreg [dreg:$0x1c];
	[sflag:s8] =	ssyncadd.s32 $0xFFFF8000  }
0x16d: {  	[tilespmem:s9], [sflag:$0x2] =	stream.indirect.gather [hbm4b:s3+s4], $0x20, s0, s4, $0xb8;
	[tilespmem:$0x1C800] =	vst v63  }
0x16e: {  	_ =	swait.ge [sflag:s10], $0x8000  }
0x16f: {  	[sflag:s10] =	ssyncset.done $0x0  }
0x170: {  	s0 =	rddreg [dreg:$0x1d];
	[sflag:s10] =	ssyncadd.s32 $0xFFFF8000  }
0x171: {  	[hbm4b:s2+s4] =	stream.indirect.scatter [tilespmem:s9], [sflag:$0x4], $0x20, s0, s4, $0xb8;
	[tilespmem:$0x1C800] =	vst v63  }
0x172: {  	_ =	swait.ge [sflag:s7], $0x8000  }
0x173: {  	[sflag:s7] =	ssyncset.done $0x0  }
0x174: {  	s0 =	rddreg [dreg:$0x1e];
	[sflag:s7] =	ssyncadd.s32 $0xFFFF8000  }
0x175: {  	[tilespmem:s5], [sflag:$0x1] =	stream.indirect.gather [hbm4b:s3+s4], $0x20, s0, s4, $0xb8;
	[tilespmem:$0x1C800] =	vst v63  }
0x176: {  	_ =	swait.ge [sflag:s6], $0x8000  }
0x177: {  	[sflag:s6] =	ssyncset.done $0x0  }
0x178: {  	s0 =	rddreg [dreg:$0x1f];
	[sflag:s6] =	ssyncadd.s32 $0xFFFF8000  }
0x179: {  	[hbm4b:s2+s4] =	stream.indirect.scatter [tilespmem:s5], [sflag:$0x3], $0x20, s0, s4, $0xb8;
	[tilespmem:$0x1C800] =	vst v63  }
0x17a: {  	_ =	swait.ge [sflag:s8], $0x8000  }
0x17b: {  	s0 =	sld [smem:$0x7FB]  }
0x17c: {  	[sflag:s8] =	ssyncset.done $0x0  }
0x17d: {  	[sflag:s8] =	ssyncadd.s32 $0xFFFF8000  }
0x17e: {  	[tilespmem:s9], [sflag:$0x2] =	stream.indirect.gather [hbm4b:s3+s4], $0x20, s0, s4, $0xb8;
	[tilespmem:$0x1C800] =	vst v63  }
0x17f: {  	_ =	swait.ge [sflag:s10], $0x8000  }
0x180: {  	s0 =	sld [smem:$0x7FC]  }
0x181: {  	[sflag:s10] =	ssyncset.done $0x0  }
0x182: {  	[sflag:s10] =	ssyncadd.s32 $0xFFFF8000  }
0x183: {  	[hbm4b:s2+s4] =	stream.indirect.scatter [tilespmem:s9], [sflag:$0x4], $0x20, s0, s4, $0xb8;
	[tilespmem:$0x1C800] =	vst v63  }
0x184: {  	_ =	swait.ge [sflag:s7], $0x8000  }
0x185: {  	s0 =	sld [smem:$0x7FD]  }
0x186: {  	[sflag:s7] =	ssyncset.done $0x0  }
0x187: {  	[sflag:s7] =	ssyncadd.s32 $0xFFFF8000  }
0x188: {  	[tilespmem:s5], [sflag:$0x1] =	stream.indirect.gather [hbm4b:s3+s4], $0x20, s0, s4, $0xb8;
	[tilespmem:$0x1C800] =	vst v63  }
0x189: {  	_ =	swait.ge [sflag:s6], $0x8000  }
0x18a: {  	[sflag:s6] =	ssyncset.done $0x0  }
0x18b: {  	[sflag:s6] =	ssyncadd.s32 $0xFFFF8000  }
0x18c: {  	[hbm4b:s2+s4] =	stream.indirect.scatter [tilespmem:s5], [sflag:$0x3], $0x20, s28, s4, $0xb8;
	[tilespmem:$0x1C800] =	vst v63  }
0x18d: {  	_ =	swait.ge [sflag:s8], $0x8000  }
0x18e: {  	[sflag:s8] =	ssyncset.done $0x0  }
0x18f: {  	[sflag:s8] =	ssyncadd.s32 $0xFFFF8000  }
0x190: {  	[tilespmem:s9], [sflag:$0x2] =	stream.indirect.gather [hbm4b:s3+s4], $0x20, s26, s4, $0xb8;
	[tilespmem:$0x1C800] =	vst v63  }
0x191: {  	_ =	swait.ge [sflag:s10], $0x8000  }
0x192: {  	[sflag:s10] =	ssyncset.done $0x0  }
0x193: {  	[sflag:s10] =	ssyncadd.s32 $0xFFFF8000  }
0x194: {  	[hbm4b:s2+s4] =	stream.indirect.scatter [tilespmem:s9], [sflag:$0x4], $0x20, s25, s4, $0xb8;
	[tilespmem:$0x1C800] =	vst v63  }
0x195: {  	_ =	swait.ge [sflag:s7], $0x8000  }
0x196: {  	[sflag:s7] =	ssyncset.done $0x0  }
0x197: {  	[sflag:s7] =	ssyncadd.s32 $0xFFFF8000  }
0x198: {  	[tilespmem:s5], [sflag:$0x1] =	stream.indirect.gather [hbm4b:s3+s4], $0x20, s24, s4, $0xb8;
	[tilespmem:$0x1C800] =	vst v63  }
0x199: {  	_ =	swait.ge [sflag:s6], $0x8000  }
0x19a: {  	[sflag:s6] =	ssyncset.done $0x0  }
0x19b: {  	[sflag:s6] =	ssyncadd.s32 $0xFFFF8000  }
0x19c: {  	[hbm4b:s2+s4] =	stream.indirect.scatter [tilespmem:s5], [sflag:$0x3], $0x20, s23, s4, $0xb8;
	[tilespmem:$0x1C800] =	vst v63  }
0x19d: {  	_ =	swait.ge [sflag:s8], $0x8000  }
0x19e: {  	[sflag:s8] =	ssyncset.done $0x0  }
0x19f: {  	[sflag:s8] =	ssyncadd.s32 $0xFFFF8000  }
0x1a0: {  	[tilespmem:s9], [sflag:$0x2] =	stream.indirect.gather [hbm4b:s3+s4], $0x20, s22, s4, $0xb8;
	[tilespmem:$0x1C800] =	vst v63  }
0x1a1: {  	_ =	swait.ge [sflag:s10], $0x8000  }
0x1a2: {  	[sflag:s10] =	ssyncset.done $0x0  }
0x1a3: {  	[sflag:s10] =	ssyncadd.s32 $0xFFFF8000  }
0x1a4: {  	[hbm4b:s2+s4] =	stream.indirect.scatter [tilespmem:s9], [sflag:$0x4], $0x20, s21, s4, $0xb8;
	[tilespmem:$0x1C800] =	vst v63  }
0x1a5: {  	_ =	swait.ge [sflag:s7], $0x8000  }
0x1a6: {  	[sflag:s7] =	ssyncset.done $0x0  }
0x1a7: {  	[sflag:s7] =	ssyncadd.s32 $0xFFFF8000  }
0x1a8: {  	[tilespmem:s5], [sflag:$0x1] =	stream.indirect.gather [hbm4b:s3+s4], $0x20, s20, s4, $0xb8;
	[tilespmem:$0x1C800] =	vst v63  }
0x1a9: {  	_ =	swait.ge [sflag:s6], $0x8000  }
0x1aa: {  	[sflag:s6] =	ssyncset.done $0x0  }
0x1ab: {  	[sflag:s6] =	ssyncadd.s32 $0xFFFF8000  }
0x1ac: {  	[hbm4b:s2+s4] =	stream.indirect.scatter [tilespmem:s5], [sflag:$0x3], $0x20, s19, s4, $0xb8;
	[tilespmem:$0x1C800] =	vst v63  }
0x1ad: {  	_ =	swait.ge [sflag:s8], $0x8000  }
0x1ae: {  	[sflag:s8] =	ssyncset.done $0x0  }
0x1af: {  	[sflag:s8] =	ssyncadd.s32 $0xFFFF8000  }
0x1b0: {  	[tilespmem:s9], [sflag:$0x2] =	stream.indirect.gather [hbm4b:s3+s4], $0x20, s18, s4, $0xb8;
	[tilespmem:$0x1C800] =	vst v63  }
0x1b1: {  	_ =	swait.ge [sflag:s10], $0x8000  }
0x1b2: {  	[sflag:s10] =	ssyncset.done $0x0  }
0x1b3: {  	[sflag:s10] =	ssyncadd.s32 $0xFFFF8000  }
0x1b4: {  	[hbm4b:s2+s4] =	stream.indirect.scatter [tilespmem:s9], [sflag:$0x4], $0x20, s16, s4, $0xb8;
	[tilespmem:$0x1C800] =	vst v63  }
0x1b5: {  	_ =	swait.ge [sflag:s7], $0x8000  }
0x1b6: {  	[sflag:s7] =	ssyncset.done $0x0  }
0x1b7: {  	[sflag:s7] =	ssyncadd.s32 $0xFFFF8000  }
0x1b8: {  	[tilespmem:s5], [sflag:$0x1] =	stream.indirect.gather [hbm4b:s3+s4], $0x20, s17, s4, $0xb8;
	[tilespmem:$0x1C800] =	vst v63  }
0x1b9: {  	_ =	swait.ge [sflag:s6], $0x8000  }
0x1ba: {  	[sflag:s6] =	ssyncset.done $0x0  }
0x1bb: {  	[sflag:s6] =	ssyncadd.s32 $0xFFFF8000  }
0x1bc: {  	[hbm4b:s2+s4] =	stream.indirect.scatter [tilespmem:s5], [sflag:$0x3], $0x20, s15, s4, $0xb8;
	[tilespmem:$0x1C800] =	vst v63  }
0x1bd: {  	_ =	swait.ge [sflag:s8], $0x8000  }
0x1be: {  	[sflag:s8] =	ssyncset.done $0x0  }
0x1bf: {  	[sflag:s8] =	ssyncadd.s32 $0xFFFF8000  }
0x1c0: {  	[tilespmem:s9], [sflag:$0x2] =	stream.indirect.gather [hbm4b:s3+s4], $0x20, s14, s4, $0xb8;
	[tilespmem:$0x1C800] =	vst v63  }
0x1c1: {  	_ =	swait.ge [sflag:s10], $0x8000  }
0x1c2: {  	[sflag:s10] =	ssyncset.done $0x0  }
0x1c3: {  	[sflag:s10] =	ssyncadd.s32 $0xFFFF8000  }
0x1c4: {  	[hbm4b:s2+s4] =	stream.indirect.scatter [tilespmem:s9], [sflag:$0x4], $0x20, s13, s4, $0xb8;
	[tilespmem:$0x1C800] =	vst v63  }
0x1c5: {  	_ =	swait.ge [sflag:s7], $0x8000  }
0x1c6: {  	[sflag:s7] =	ssyncset.done $0x0  }
0x1c7: {  	[sflag:s7] =	ssyncadd.s32 $0xFFFF8000  }
0x1c8: {  	[tilespmem:s5], [sflag:$0x1] =	stream.indirect.gather [hbm4b:s3+s4], $0x20, s12, s4, $0xb8;
	[tilespmem:$0x1C800] =	vst v63  }
0x1c9: {  	_ =	swait.ge [sflag:s6], $0x8000  }
0x1ca: {  	[sflag:s6] =	ssyncset.done $0x0  }
0x1cb: {  	p1 =	sne.s32 s1, $0x1;
	[sflag:s6] =	ssyncadd.s32 $0xFFFF8000  }
0x1cc: {  	[hbm4b:s2+s4] =	stream.indirect.scatter [tilespmem:s5], [sflag:$0x3], $0x20, s11, s4, $0xb8;
	[tilespmem:$0x1C800] =	vst v63  }
.Ltmp2:
0x1cd: {  	_ =	swait.ge [sflag:s8], $0x8000;
	(pc) =	sbr.rel @p1 .LBB2_2-.Ltmp2, $4  }
0x1ce: {  	[sflag:s8] =	ssyncset.done $0x0  }
0x1cf: {  	[sflag:s8] =	ssyncadd.s32 $0xFFFF8000  }
0x1d0: {  	_ =	swait.ge [sflag:s7], $0x8000  }
0x1d1: {  	s1 =	sadd.s32 $0xFFFFFFFF, s1;
	s0 =	rddreg [dreg:$0x3];
	[sflag:s7] =	ssyncset.done $0x0  }
.LBB2_3:
0x1d2: {  	[sflag:s7] =	ssyncadd.s32 @p0 $0xFFFF8000  }
0x1d3: {  	[tilespmem:s29], [sflag:$0x5] =	stream.linear.gather [hbm4b:s0+s29], $0x6400, $0x38;
	[tilespmem:$0x1C800] =	vst v63  }
0x1d4: {  	_ =	swait.ge [sflag:s31], $0x6400  }
0x1d5: {  	[sflag:s31] =	ssyncset.done $0x0  }
0x1d6: {  	s1 =	rddreg [dreg:$0x4];
	[sflag:s31] =	ssyncadd.s32 $0xFFFF9C00  }
0x1d7: {  	[tilespmem:s30], [sflag:$0x5] =	stream.linear.gather [hbm4b:s1+s29], $0x6400, $0x38;
	[tilespmem:$0x1C800] =	vst v63  }
0x1d8: {  	_ =	swait.ge [sflag:s31], $0x6400  }
0x1d9: {  	[sflag:s31] =	ssyncset.done $0x0  }
0x1da: {  	[sflag:s31] =	ssyncadd.s32 $0xFFFF9C00  }
0x1db: {  	[tilespmem:s5], [sflag:$0x1] =	stream.indirect.gather [hbm4b:s3+s4], $0x20, s29, s4, $0xb8;
	[tilespmem:$0x1C800] =	vst v63  }
0x1dc: {  	_ =	swait.ge [sflag:s6], $0x8000  }
0x1dd: {  	[sflag:s6] =	ssyncset.done $0x0  }
0x1de: {  	[sflag:s6] =	ssyncadd.s32 $0xFFFF8000  }
0x1df: {  	[hbm4b:s2+s4] =	stream.indirect.scatter [tilespmem:s5], [sflag:$0x3], $0x20, s30, s4, $0xb8;
	[tilespmem:$0x1C800] =	vst v63  }
0x1e0: {  	_ = 	snop  }
0x1e1: {  	[tilespmem:s9], [sflag:$0x2] =	stream.indirect.gather [hbm4b:s3+s4], $0x20, s4, s4, $0xb8;
	[tilespmem:$0x1C800] =	vst v63  }
0x1e2: {  	_ =	swait.ge [sflag:s10], $0x8000  }
0x1e3: {  	[sflag:s10] =	ssyncset.done $0x0  }
0x1e4: {  	s29 =	rddreg [dreg:$0x5];
	[sflag:s10] =	ssyncadd.s32 $0xFFFF8000  }
0x1e5: {  	[hbm4b:s2+s4] =	stream.indirect.scatter [tilespmem:s9], [sflag:$0x4], $0x20, s29, s4, $0xb8;
	[tilespmem:$0x1C800] =	vst v63  }
0x1e6: {  	_ =	swait.ge [sflag:s7], $0x8000  }
0x1e7: {  	[sflag:s7] =	ssyncset.done $0x0  }
0x1e8: {  	s30 =	rddreg [dreg:$0x6];
	[sflag:s7] =	ssyncadd.s32 $0xFFFF8000  }
0x1e9: {  	[tilespmem:s5], [sflag:$0x1] =	stream.indirect.gather [hbm4b:s3+s4], $0x20, s30, s4, $0xb8;
	[tilespmem:$0x1C800] =	vst v63  }
0x1ea: {  	_ =	swait.ge [sflag:s6], $0x8000  }
0x1eb: {  	[sflag:s6] =	ssyncset.done $0x0  }
0x1ec: {  	s31 =	rddreg [dreg:$0x7];
	[sflag:s6] =	ssyncadd.s32 $0xFFFF8000  }
0x1ed: {  	[hbm4b:s2+s4] =	stream.indirect.scatter [tilespmem:s5], [sflag:$0x3], $0x20, s31, s4, $0xb8;
	[tilespmem:$0x1C800] =	vst v63  }
0x1ee: {  	_ =	swait.ge [sflag:s8], $0x8000  }
0x1ef: {  	[sflag:s8] =	ssyncset.done $0x0  }
0x1f0: {  	s1 =	rddreg [dreg:$0x8];
	[sflag:s8] =	ssyncadd.s32 $0xFFFF8000  }
0x1f1: {  	[tilespmem:s9], [sflag:$0x2] =	stream.indirect.gather [hbm4b:s3+s4], $0x20, s1, s4, $0xb8;
	[tilespmem:$0x1C800] =	vst v63  }
0x1f2: {  	_ =	swait.ge [sflag:s10], $0x8000  }
0x1f3: {  	[sflag:s10] =	ssyncset.done $0x0  }
0x1f4: {  	s29 =	rddreg [dreg:$0x9];
	[sflag:s10] =	ssyncadd.s32 $0xFFFF8000  }
0x1f5: {  	[hbm4b:s2+s4] =	stream.indirect.scatter [tilespmem:s9], [sflag:$0x4], $0x20, s29, s4, $0xb8;
	[tilespmem:$0x1C800] =	vst v63  }
0x1f6: {  	_ =	swait.ge [sflag:s7], $0x8000  }
0x1f7: {  	[sflag:s7] =	ssyncset.done $0x0  }
0x1f8: {  	s30 =	rddreg [dreg:$0xa];
	[sflag:s7] =	ssyncadd.s32 $0xFFFF8000  }
0x1f9: {  	[tilespmem:s5], [sflag:$0x1] =	stream.indirect.gather [hbm4b:s3+s4], $0x20, s30, s4, $0xb8;
	[tilespmem:$0x1C800] =	vst v63  }
0x1fa: {  	_ =	swait.ge [sflag:s6], $0x8000  }
0x1fb: {  	[sflag:s6] =	ssyncset.done $0x0  }
0x1fc: {  	s31 =	rddreg [dreg:$0xb];
	[sflag:s6] =	ssyncadd.s32 $0xFFFF8000  }
0x1fd: {  	[hbm4b:s2+s4] =	stream.indirect.scatter [tilespmem:s5], [sflag:$0x3], $0x20, s31, s4, $0xb8;
	[tilespmem:$0x1C800] =	vst v63  }
0x1fe: {  	_ =	swait.ge [sflag:s8], $0x8000  }
0x1ff: {  	[sflag:s8] =	ssyncset.done $0x0  }
0x200: {  	s1 =	rddreg [dreg:$0xc];
	[sflag:s8] =	ssyncadd.s32 $0xFFFF8000  }
0x201: {  	[tilespmem:s9], [sflag:$0x2] =	stream.indirect.gather [hbm4b:s3+s4], $0x20, s1, s4, $0xb8;
	[tilespmem:$0x1C800] =	vst v63  }
0x202: {  	_ =	swait.ge [sflag:s10], $0x8000  }
0x203: {  	[sflag:s10] =	ssyncset.done $0x0  }
0x204: {  	s29 =	rddreg [dreg:$0xd];
	[sflag:s10] =	ssyncadd.s32 $0xFFFF8000  }
0x205: {  	[hbm4b:s2+s4] =	stream.indirect.scatter [tilespmem:s9], [sflag:$0x4], $0x20, s29, s4, $0xb8;
	[tilespmem:$0x1C800] =	vst v63  }
0x206: {  	_ =	swait.ge [sflag:s7], $0x8000  }
0x207: {  	[sflag:s7] =	ssyncset.done $0x0  }
0x208: {  	s30 =	rddreg [dreg:$0xe];
	[sflag:s7] =	ssyncadd.s32 $0xFFFF8000  }
0x209: {  	[tilespmem:s5], [sflag:$0x1] =	stream.indirect.gather [hbm4b:s3+s4], $0x20, s30, s4, $0xb8;
	[tilespmem:$0x1C800] =	vst v63  }
0x20a: {  	_ =	swait.ge [sflag:s6], $0x8000  }
0x20b: {  	[sflag:s6] =	ssyncset.done $0x0  }
0x20c: {  	s31 =	rddreg [dreg:$0xf];
	[sflag:s6] =	ssyncadd.s32 $0xFFFF8000  }
0x20d: {  	[hbm4b:s2+s4] =	stream.indirect.scatter [tilespmem:s5], [sflag:$0x3], $0x20, s31, s4, $0xb8;
	[tilespmem:$0x1C800] =	vst v63  }
0x20e: {  	_ =	swait.ge [sflag:s8], $0x8000  }
0x20f: {  	[sflag:s8] =	ssyncset.done $0x0  }
0x210: {  	s1 =	rddreg [dreg:$0x10];
	[sflag:s8] =	ssyncadd.s32 $0xFFFF8000  }
0x211: {  	[tilespmem:s9], [sflag:$0x2] =	stream.indirect.gather [hbm4b:s3+s4], $0x20, s1, s4, $0xb8;
	[tilespmem:$0x1C800] =	vst v63  }
0x212: {  	_ =	swait.ge [sflag:s10], $0x8000  }
0x213: {  	[sflag:s10] =	ssyncset.done $0x0  }
0x214: {  	s29 =	rddreg [dreg:$0x11];
	[sflag:s10] =	ssyncadd.s32 $0xFFFF8000  }
0x215: {  	[hbm4b:s2+s4] =	stream.indirect.scatter [tilespmem:s9], [sflag:$0x4], $0x20, s29, s4, $0xb8;
	[tilespmem:$0x1C800] =	vst v63  }
0x216: {  	_ =	swait.ge [sflag:s7], $0x8000  }
0x217: {  	[sflag:s7] =	ssyncset.done $0x0  }
0x218: {  	s30 =	rddreg [dreg:$0x12];
	[sflag:s7] =	ssyncadd.s32 $0xFFFF8000  }
0x219: {  	[tilespmem:s5], [sflag:$0x1] =	stream.indirect.gather [hbm4b:s3+s4], $0x20, s30, s4, $0xb8;
	[tilespmem:$0x1C800] =	vst v63  }
0x21a: {  	_ =	swait.ge [sflag:s6], $0x8000  }
0x21b: {  	[sflag:s6] =	ssyncset.done $0x0  }
0x21c: {  	s31 =	rddreg [dreg:$0x13];
	[sflag:s6] =	ssyncadd.s32 $0xFFFF8000  }
0x21d: {  	[hbm4b:s2+s4] =	stream.indirect.scatter [tilespmem:s5], [sflag:$0x3], $0x20, s31, s4, $0xb8;
	[tilespmem:$0x1C800] =	vst v63  }
0x21e: {  	_ =	swait.ge [sflag:s8], $0x8000  }
0x21f: {  	[sflag:s8] =	ssyncset.done $0x0  }
0x220: {  	s1 =	rddreg [dreg:$0x14];
	[sflag:s8] =	ssyncadd.s32 $0xFFFF8000  }
0x221: {  	[tilespmem:s9], [sflag:$0x2] =	stream.indirect.gather [hbm4b:s3+s4], $0x20, s1, s4, $0xb8;
	[tilespmem:$0x1C800] =	vst v63  }
0x222: {  	_ =	swait.ge [sflag:s10], $0x8000  }
0x223: {  	[sflag:s10] =	ssyncset.done $0x0  }
0x224: {  	s29 =	rddreg [dreg:$0x15];
	[sflag:s10] =	ssyncadd.s32 $0xFFFF8000  }
0x225: {  	[hbm4b:s2+s4] =	stream.indirect.scatter [tilespmem:s9], [sflag:$0x4], $0x20, s29, s4, $0xb8;
	[tilespmem:$0x1C800] =	vst v63  }
0x226: {  	_ =	swait.ge [sflag:s7], $0x8000  }
0x227: {  	[sflag:s7] =	ssyncset.done $0x0  }
0x228: {  	s30 =	rddreg [dreg:$0x16];
	[sflag:s7] =	ssyncadd.s32 $0xFFFF8000  }
0x229: {  	[tilespmem:s5], [sflag:$0x1] =	stream.indirect.gather [hbm4b:s3+s4], $0x20, s30, s4, $0xb8;
	[tilespmem:$0x1C800] =	vst v63  }
0x22a: {  	_ =	swait.ge [sflag:s6], $0x8000  }
0x22b: {  	[sflag:s6] =	ssyncset.done $0x0  }
0x22c: {  	s31 =	rddreg [dreg:$0x17];
	[sflag:s6] =	ssyncadd.s32 $0xFFFF8000  }
0x22d: {  	[hbm4b:s2+s4] =	stream.indirect.scatter [tilespmem:s5], [sflag:$0x3], $0x20, s31, s4, $0xb8;
	[tilespmem:$0x1C800] =	vst v63  }
0x22e: {  	_ =	swait.ge [sflag:s8], $0x8000  }
0x22f: {  	[sflag:s8] =	ssyncset.done $0x0  }
0x230: {  	s1 =	rddreg [dreg:$0x18];
	[sflag:s8] =	ssyncadd.s32 $0xFFFF8000  }
0x231: {  	[tilespmem:s9], [sflag:$0x2] =	stream.indirect.gather [hbm4b:s3+s4], $0x20, s1, s4, $0xb8;
	[tilespmem:$0x1C800] =	vst v63  }
0x232: {  	_ =	swait.ge [sflag:s10], $0x8000  }
0x233: {  	[sflag:s10] =	ssyncset.done $0x0  }
0x234: {  	s29 =	rddreg [dreg:$0x19];
	[sflag:s10] =	ssyncadd.s32 $0xFFFF8000  }
0x235: {  	[hbm4b:s2+s4] =	stream.indirect.scatter [tilespmem:s9], [sflag:$0x4], $0x20, s29, s4, $0xb8;
	[tilespmem:$0x1C800] =	vst v63  }
0x236: {  	_ =	swait.ge [sflag:s7], $0x8000  }
0x237: {  	[sflag:s7] =	ssyncset.done $0x0  }
0x238: {  	s30 =	rddreg [dreg:$0x1a];
	[sflag:s7] =	ssyncadd.s32 $0xFFFF8000  }
0x239: {  	[tilespmem:s5], [sflag:$0x1] =	stream.indirect.gather [hbm4b:s3+s4], $0x20, s30, s4, $0xb8;
	[tilespmem:$0x1C800] =	vst v63  }
0x23a: {  	_ =	swait.ge [sflag:s6], $0x8000  }
0x23b: {  	[sflag:s6] =	ssyncset.done $0x0  }
0x23c: {  	s31 =	rddreg [dreg:$0x1b];
	[sflag:s6] =	ssyncadd.s32 $0xFFFF8000  }
0x23d: {  	[hbm4b:s2+s4] =	stream.indirect.scatter [tilespmem:s5], [sflag:$0x3], $0x20, s31, s4, $0xb8;
	[tilespmem:$0x1C800] =	vst v63  }
0x23e: {  	_ =	swait.ge [sflag:s8], $0x8000  }
0x23f: {  	[sflag:s8] =	ssyncset.done $0x0  }
0x240: {  	s1 =	rddreg [dreg:$0x1c];
	[sflag:s8] =	ssyncadd.s32 $0xFFFF8000  }
0x241: {  	[tilespmem:s9], [sflag:$0x2] =	stream.indirect.gather [hbm4b:s3+s4], $0x20, s1, s4, $0xb8;
	[tilespmem:$0x1C800] =	vst v63  }
0x242: {  	_ =	swait.ge [sflag:s10], $0x8000  }
0x243: {  	[sflag:s10] =	ssyncset.done $0x0  }
0x244: {  	s29 =	rddreg [dreg:$0x1d];
	[sflag:s10] =	ssyncadd.s32 $0xFFFF8000  }
0x245: {  	[hbm4b:s2+s4] =	stream.indirect.scatter [tilespmem:s9], [sflag:$0x4], $0x20, s29, s4, $0xb8;
	[tilespmem:$0x1C800] =	vst v63  }
0x246: {  	_ =	swait.ge [sflag:s7], $0x8000  }
0x247: {  	[sflag:s7] =	ssyncset.done $0x0  }
0x248: {  	s30 =	rddreg [dreg:$0x1e];
	[sflag:s7] =	ssyncadd.s32 $0xFFFF8000  }
0x249: {  	[tilespmem:s5], [sflag:$0x1] =	stream.indirect.gather [hbm4b:s3+s4], $0x20, s30, s4, $0xb8;
	[tilespmem:$0x1C800] =	vst v63  }
0x24a: {  	_ =	swait.ge [sflag:s6], $0x8000  }
0x24b: {  	[sflag:s6] =	ssyncset.done $0x0  }
0x24c: {  	s31 =	rddreg [dreg:$0x1f];
	[sflag:s6] =	ssyncadd.s32 $0xFFFF8000  }
0x24d: {  	[hbm4b:s2+s4] =	stream.indirect.scatter [tilespmem:s5], [sflag:$0x3], $0x20, s31, s4, $0xb8;
	[tilespmem:$0x1C800] =	vst v63  }
0x24e: {  	_ =	swait.ge [sflag:s8], $0x8000  }
0x24f: {  	s1 =	sld [smem:$0x7FB]  }
0x250: {  	[sflag:s8] =	ssyncset.done $0x0  }
0x251: {  	[sflag:s8] =	ssyncadd.s32 $0xFFFF8000  }
0x252: {  	[tilespmem:s9], [sflag:$0x2] =	stream.indirect.gather [hbm4b:s3+s4], $0x20, s1, s4, $0xb8;
	[tilespmem:$0x1C800] =	vst v63  }
0x253: {  	_ =	swait.ge [sflag:s10], $0x8000  }
0x254: {  	s29 =	sld [smem:$0x7FC]  }
0x255: {  	[sflag:s10] =	ssyncset.done $0x0  }
0x256: {  	[sflag:s10] =	ssyncadd.s32 $0xFFFF8000  }
0x257: {  	[hbm4b:s2+s4] =	stream.indirect.scatter [tilespmem:s9], [sflag:$0x4], $0x20, s29, s4, $0xb8;
	[tilespmem:$0x1C800] =	vst v63  }
0x258: {  	_ =	swait.ge [sflag:s7], $0x8000  }
0x259: {  	s30 =	sld [smem:$0x7FD]  }
0x25a: {  	[sflag:s7] =	ssyncset.done $0x0  }
0x25b: {  	[sflag:s7] =	ssyncadd.s32 $0xFFFF8000  }
0x25c: {  	[tilespmem:s5], [sflag:$0x1] =	stream.indirect.gather [hbm4b:s3+s4], $0x20, s30, s4, $0xb8;
	[tilespmem:$0x1C800] =	vst v63  }
0x25d: {  	_ =	swait.ge [sflag:s6], $0x8000  }
0x25e: {  	[sflag:s6] =	ssyncset.done $0x0  }
0x25f: {  	[sflag:s6] =	ssyncadd.s32 $0xFFFF8000  }
0x260: {  	[hbm4b:s2+s4] =	stream.indirect.scatter [tilespmem:s5], [sflag:$0x3], $0x20, s28, s4, $0xb8;
	[tilespmem:$0x1C800] =	vst v63  }
0x261: {  	_ =	swait.ge [sflag:s8], $0x8000  }
0x262: {  	[sflag:s8] =	ssyncset.done $0x0  }
0x263: {  	[sflag:s8] =	ssyncadd.s32 $0xFFFF8000  }
0x264: {  	[tilespmem:s9], [sflag:$0x2] =	stream.indirect.gather [hbm4b:s3+s4], $0x20, s26, s4, $0xb8;
	[tilespmem:$0x1C800] =	vst v63  }
0x265: {  	_ =	swait.ge [sflag:s10], $0x8000  }
0x266: {  	[sflag:s10] =	ssyncset.done $0x0  }
0x267: {  	[sflag:s10] =	ssyncadd.s32 $0xFFFF8000  }
0x268: {  	[hbm4b:s2+s4] =	stream.indirect.scatter [tilespmem:s9], [sflag:$0x4], $0x20, s25, s4, $0xb8;
	[tilespmem:$0x1C800] =	vst v63  }
0x269: {  	_ =	swait.ge [sflag:s7], $0x8000  }
0x26a: {  	[sflag:s7] =	ssyncset.done $0x0  }
0x26b: {  	[sflag:s7] =	ssyncadd.s32 $0xFFFF8000  }
0x26c: {  	[tilespmem:s5], [sflag:$0x1] =	stream.indirect.gather [hbm4b:s3+s4], $0x20, s24, s4, $0xb8;
	[tilespmem:$0x1C800] =	vst v63  }
0x26d: {  	_ =	swait.ge [sflag:s6], $0x8000  }
0x26e: {  	[sflag:s6] =	ssyncset.done $0x0  }
0x26f: {  	[sflag:s6] =	ssyncadd.s32 $0xFFFF8000  }
0x270: {  	[hbm4b:s2+s4] =	stream.indirect.scatter [tilespmem:s5], [sflag:$0x3], $0x20, s23, s4, $0xb8;
	[tilespmem:$0x1C800] =	vst v63  }
0x271: {  	_ =	swait.ge [sflag:s8], $0x8000  }
0x272: {  	[sflag:s8] =	ssyncset.done $0x0  }
0x273: {  	[sflag:s8] =	ssyncadd.s32 $0xFFFF8000  }
0x274: {  	[tilespmem:s9], [sflag:$0x2] =	stream.indirect.gather [hbm4b:s3+s4], $0x20, s22, s4, $0xb8;
	[tilespmem:$0x1C800] =	vst v63  }
0x275: {  	_ =	swait.ge [sflag:s10], $0x8000  }
0x276: {  	[sflag:s10] =	ssyncset.done $0x0  }
0x277: {  	[sflag:s10] =	ssyncadd.s32 $0xFFFF8000  }
0x278: {  	[hbm4b:s2+s4] =	stream.indirect.scatter [tilespmem:s9], [sflag:$0x4], $0x20, s21, s4, $0xb8;
	[tilespmem:$0x1C800] =	vst v63  }
0x279: {  	_ =	swait.ge [sflag:s7], $0x8000  }
0x27a: {  	[sflag:s7] =	ssyncset.done $0x0  }
0x27b: {  	[sflag:s7] =	ssyncadd.s32 $0xFFFF8000  }
0x27c: {  	[tilespmem:s5], [sflag:$0x1] =	stream.indirect.gather [hbm4b:s3+s4], $0x20, s20, s4, $0xb8;
	[tilespmem:$0x1C800] =	vst v63  }
0x27d: {  	_ =	swait.ge [sflag:s6], $0x8000  }
0x27e: {  	[sflag:s6] =	ssyncset.done $0x0  }
0x27f: {  	[sflag:s6] =	ssyncadd.s32 $0xFFFF8000  }
0x280: {  	[hbm4b:s2+s4] =	stream.indirect.scatter [tilespmem:s5], [sflag:$0x3], $0x20, s19, s4, $0xb8;
	[tilespmem:$0x1C800] =	vst v63  }
0x281: {  	_ =	swait.ge [sflag:s8], $0x8000  }
0x282: {  	[sflag:s8] =	ssyncset.done $0x0  }
0x283: {  	[sflag:s8] =	ssyncadd.s32 $0xFFFF8000  }
0x284: {  	[tilespmem:s9], [sflag:$0x2] =	stream.indirect.gather [hbm4b:s3+s4], $0x20, s18, s4, $0xb8;
	[tilespmem:$0x1C800] =	vst v63  }
0x285: {  	_ =	swait.ge [sflag:s10], $0x8000  }
0x286: {  	[sflag:s10] =	ssyncset.done $0x0  }
0x287: {  	[sflag:s10] =	ssyncadd.s32 $0xFFFF8000  }
0x288: {  	[hbm4b:s2+s4] =	stream.indirect.scatter [tilespmem:s9], [sflag:$0x4], $0x20, s16, s4, $0xb8;
	[tilespmem:$0x1C800] =	vst v63  }
0x289: {  	_ =	swait.ge [sflag:s7], $0x8000  }
0x28a: {  	[sflag:s7] =	ssyncset.done $0x0  }
0x28b: {  	[sflag:s7] =	ssyncadd.s32 $0xFFFF8000  }
0x28c: {  	[tilespmem:s5], [sflag:$0x1] =	stream.indirect.gather [hbm4b:s3+s4], $0x20, s17, s4, $0xb8;
	[tilespmem:$0x1C800] =	vst v63  }
0x28d: {  	_ =	swait.ge [sflag:s6], $0x8000  }
0x28e: {  	[sflag:s6] =	ssyncset.done $0x0  }
0x28f: {  	[sflag:s6] =	ssyncadd.s32 $0xFFFF8000  }
0x290: {  	[hbm4b:s2+s4] =	stream.indirect.scatter [tilespmem:s5], [sflag:$0x3], $0x20, s15, s4, $0xb8;
	[tilespmem:$0x1C800] =	vst v63  }
0x291: {  	_ =	swait.ge [sflag:s8], $0x8000  }
0x292: {  	[sflag:s8] =	ssyncset.done $0x0  }
0x293: {  	[sflag:s8] =	ssyncadd.s32 $0xFFFF8000  }
0x294: {  	[tilespmem:s9], [sflag:$0x2] =	stream.indirect.gather [hbm4b:s3+s4], $0x20, s14, s4, $0xb8;
	[tilespmem:$0x1C800] =	vst v63  }
0x295: {  	_ =	swait.ge [sflag:s10], $0x8000  }
0x296: {  	[sflag:s10] =	ssyncset.done $0x0  }
0x297: {  	[sflag:s10] =	ssyncadd.s32 $0xFFFF8000  }
0x298: {  	[hbm4b:s2+s4] =	stream.indirect.scatter [tilespmem:s9], [sflag:$0x4], $0x20, s13, s4, $0xb8;
	[tilespmem:$0x1C800] =	vst v63  }
0x299: {  	_ =	swait.ge [sflag:s7], $0x8000  }
0x29a: {  	[sflag:s7] =	ssyncset.done $0x0  }
0x29b: {  	[sflag:s7] =	ssyncadd.s32 $0xFFFF8000  }
0x29c: {  	[tilespmem:s5], [sflag:$0x1] =	stream.indirect.gather [hbm4b:s3+s4], $0x20, s12, s4, $0xb8;
	[tilespmem:$0x1C800] =	vst v63  }
0x29d: {  	_ =	swait.ge [sflag:s6], $0x8000  }
0x29e: {  	[sflag:s6] =	ssyncset.done $0x0  }
0x29f: {  	[sflag:s6] =	ssyncadd.s32 $0xFFFF8000  }
0x2a0: {  	[hbm4b:s2+s4] =	stream.indirect.scatter [tilespmem:s5], [sflag:$0x3], $0x20, s11, s4, $0xb8;
	[tilespmem:$0x1C800] =	vst v63  }
0x2a1: {  	_ =	swait.ge [sflag:s8], $0x8000  }
0x2a2: {  	[sflag:s8] =	ssyncset.done $0x0  }
0x2a3: {  	[sflag:s8] =	ssyncadd.s32 $0xFFFF8000  }
0x2a4: {  	_ =	swait.ge [sflag:s7], $0x8000  }
0x2a5: {  	[sflag:s7] =	ssyncset.done $0x0  }
0x2a6: {  	[sflag:s7] =	ssyncadd.s32 $0xFFFF8000  }
0x2a7: {  	_ =	sfence.sel $0x180000  }
0x2a8: {  	[bflag:$0x0] =	sbarrier.arrive $0xFFFF  }
0x2a9: {  	_ =	strace $0x90000047  }
0x2aa: {  	s31 =	stileid.u32;
	[bflag:$0x2] =	sbarrier.arrive $0xFFFF  }
0x2ab: {  	p0 =	sne.s32 s31, $0x0;
	s0 =	rddreg [dreg:$0x2]  }
0x2ac: {  	s0 =	sadd.s32 @!p0 $0x100000, s0  }
0x2ad: {  	[sflag:s0] =	ssyncadd.tile.s32 @!p0 $0x1;
	_ =	shalt  }
.Lfunc_end2:
_tile_overlayer_lowered:
.L_overlay_start_2:
0x2ae: {  	(tag) =	ssettag $0x2  }
0x2af: {  	s0 =	rddreg [dreg:$0x0];
	s2 =	stileid.u32  }
0x2b0: {  	s1 =	rddreg [dreg:$0x1];
	p0 =	sne.s32 s2, $0x0  }
0x2b1: {  	s3 =	rddreg [dreg:$0x2];
	[bflag:$0x3] =	sbarrier.arrive $0xFFFF;
	s2 =	simm.s32 @!p0 $0x1C05  }
0x2b2: {  	[timem:s3], [sflag:s2] =	dma.local @!p0 [hbm:s0], s1  }
0x2b3: {  	s0 =	simm.s32 @!p0 $0x5  }
0x2b4: {  	_ =	swait.ge @!p0 [sflag:s0], s1  }
0x2b5: {  	s1 =	ssub.s32 @!p0 $0x0, s1;
	[sflag:s0] =	ssyncset.done @!p0 $0x0  }
0x2b6: {  	[sflag:s0] =	ssyncadd.s32 @!p0 s1  }
0x2b7: {  	[bflag:$0x3] =	sbarrier.arrive $0xFFFF  }
0x2b8: {  	_ =	shalt  }

// kernel: sparse-core-data-format-call.cloned.1.call-start
scs
called_computation_lowered:
.L_overlay_start_0:
0x0: {  	s2 =	sld [smem:$0x3FD9]  }
0x1: {  	s3 =	sld [smem:$0x3FFE];
	_ =	sdelay $0x1  }
0x2: {  	s1 =	srdreg.scid  }
0x3: {  	s0 =	sand.u32 $0x1, s1  }
0x4: {  	s18 =	sshll.u32 s0, $0xA;
	s2 =	sadd.s32 s3, s2  }
0x5: {  	s2 =	sadd.s32 s2, s18  }
0x6: {  	[smem:$0x3FC6] =	sst s2  }
0x7: {  	_ = 	snop  }
0x8: {  	s2 =	sld [smem:$0x3FD0];
	(tm) =	ssettm $0x1  }
0x9: {  	s19 =	sld [smem:$0x3FFB];
	_ =	sdelay $0x3  }
0xa: {  	_ =	strace s19  }
0xb: {  	s3 =	sld [smem:$0x3FFC];
	_ =	sdelay $0x3  }
0xc: {  	_ =	strace s3  }
0xd: {  	s3 =	sld [smem:$0x3FFD];
	_ =	sdelay $0x3  }
0xe: {  	_ =	strace s3  }
0xf: {  	_ =	strace $0x8FFFFFFF  }
0x10: {  	s20 =	sld [smem:$0x3FDB];
	_ =	sdelay $0x1  }
0x11: {  	s4 =	simm.s32 $_scs_section_size  }
0x12: {  	s5 =	simm.s32 $_size__tile_overlayer_lowered;
	s6 =	simm.s32 $_tile_overlayer_lowered  }
0x13: {  	s23 =	simm.s32 $0x1BFF;
	s22 =	sshll.u32 s6, $0x1;
	s3 =	sadd.s32 s4, s20  }
0x14: {  	s7 =	simm.s32 $0x0;
	s21 =	sshll.u32 s5, $0x1;
	s5 =	sadd.s32 s22, s3  }
0x15: {  	[timem:s7], [sflag:s23] =	dma.local [hbm:s5], s21  }
0x16: {  	_ =	swait.ge [sflag:s23], s21  }
0x17: {  	s4 =	ssub.s32 $0x0, s21;
	[sflag:s23] =	ssyncset.done $0x0  }
0x18: {  	[sflag:s23] =	ssyncadd.s32 s4;
	_ =	sdelay $0x1  }
0x19: {  	s24 =	simm.s32 $0x1B8B  }
0x1a: {  	_ =	swait.ge [sflag:s24], $0x1  }
0x1b: {  	[sflag:s24] =	ssyncset.done $0x0  }
0x1c: {  	s26 =	simm.s32 $0x1B8E;
	s25 =	sld [smem:$0x3FFE];
	[sflag:s24] =	ssyncadd.s32 $0xFFFFFFFF  }
0x1d: {  	s27 =	simm.s32 $execute0_lowered;
	[smem:$0x3FD2] =	sst s26  }
0x1e: {  	s5 =	sshll.u32 s27, $0x1;
	_ =	strace $0x80000049;
	[dreg:$0x1] =	wrdreg $0xFFFFFFFF  }
0x1f: {  	s28 =	simm.s32 $_size_execute0_lowered;
	s3 =	sadd.s32 s3, s5;
	[dreg:$0x0] =	wrdreg $0x0  }
0x20: {  	s5 =	sshll.u32 s28, $0x1;
	[dreg:$0x2] =	wrdreg s3  }
0x21: {  	[dreg:$0x3] =	wrdreg s5  }
0x22: {  	[dreg:$0x4] =	wrdreg $0xC0  }
0x23: {  	_ =	task [dreg:s7], $0x5FFFF  }
0x24: {  	[dreg:$0x1] =	wrdreg $0xFFFFFFFF  }
0x25: {  	[dreg:$0x0] =	wrdreg $0x60  }
0x26: {  	[dreg:$0x2] =	wrdreg s25  }
0x27: {  	[dreg:$0x3] =	wrdreg s2  }
0x28: {  	[dreg:$0x4] =	wrdreg $0x9  }
0x29: {  	_ =	task.clear_ibuf [dreg:s7], $0x5FFFF;
	_ =	strace $0x90000049  }
0x2a: {  	s29 =	simm.s32 $0x9;
	_ =	strace $0x8000004B  }
0x2b: {  	_ =	swait.ge [sflag:s29], $0x1  }
0x2c: {  	[sflag:s29] =	ssyncadd.s32 $0xFFFFFFFF  }
0x2d: {  	_ =	strace $0x9000004B  }
0x2e: {  	_ =	sfence  }
0x2f: {  	s30 =	sld [smem:$0x0];
	_ =	sdelay $0x2  }
0x30: {  	s31 =	sshll.u32 s1, $0xD;
	s1 =	sshrl.u32 s1, $0x2  }
0x31: {  	s3 =	sand.u32 $0x4000, s31;
	s1 =	sadd.s32 s1, s30  }
0x32: {  	s0 =	sor.u32 s3, s0;
	s1 =	sshll.u32 s1, $0x11  }
0x33: {  	s0 =	sor.u32 s1, s0  }
0x34: {  	s0 =	sadd.s32 $0x8F2B, s0  }
0x35: {  	[sflag:s0] =	ssyncadd.remote.s32 $0x1  }
0x36: {  	_ =	sfence.sel $0xFFFF  }
0x37: {  	[dreg:$0x0] =	wrdreg $0xFFFFFFFF;
	(pc) =	sbr.abs _section_cstart, $3  }
0x38: {  	[dreg:$0x1] =	wrdreg $0xFFFFFFFF  }
0x39: {  	_ =	task.clear_ibuf [dreg:s7], $0x2FFFF;
	_ =	strace $0x9FFFFFFF  }
0x3a: {  	(tm) =	ssettm $0x7FFFFFFF  }
0x3b: {  	_ =	shalt  }
tec
execute0_lowered:
.L_overlay_start_1:
0x0: {  	(tag) =	ssettag $0x1  }
0x1: {  	s0 =	srdreg.scid  }
0x2: {  	s1 =	sshll.u32 s0, $0x4  }
0x3: {  	s6 =	rddreg [dreg:$0x0];
	s0 =	stileid.u32;
	s1 =	sand.u32 $0x10, s1  }
0x4: {  	s3 =	rddreg [dreg:$0x1];
	s1 =	sor.u32 s0, s1  }
0x5: {  	s5 =	simm.s32 $0x1;
	s31 =	simm.s32 $0x2;
	s2 =	sshll.u32 s1, $0x7  }
0x6: {  	s15 =	simm.s32 $0x0;
	s8 =	simm.s32 $0x20000;
	s4 =	ssub.s32 $0x4000, s2  }
0x7: {  	s14 =	simm.s32 $0x0;
	s9 =	simm.s32 $0x0;
	s30 =	sand.u32 $0xF80, s4  }
0x8: {  	s10 =	simm.s32 $0x0;
	s11 =	simm.s32 $0x0;
	p0 =	sne.s32 s30, $0x0  }
.Ltmp0:
0x9: {  	s7 =	sshrl.u32 s4, $0xC;
	s5 =	simm.s32 @!p0 $0x0;
	(pc) =	sbr.rel .LBB1_1-.Ltmp0, $4  }
0xa: {  	s13 =	simm.s32 $0x0;
	s1 =	rddreg [dreg:$0x2];
	s5 =	sadd.s32 s5, s7  }
0xb: {  	_ =	strace $0x8000004A;
	s4 =	simm.s32 $0x1;
	s5 =	smul.u32 $0xD, s5  }
0xc: {  	s6 =	sadd.s32 $0x19C00, s6;
	s12 =	smov.u32 s2;
	[sflag:s4] =	ssyncpa.u1 $0x0  }
0xd: {  	[sflag:s31] =	ssyncpa.u1 $0x0;
	p0 =	por $0x0, $0x0;
	s7 =	sadd.s32 $0x1, s5  }
.LBB1_4:
0xe: {  	s20 =	sshra.s32 s20, $0x2  }
0xf: {  	s28 =	sand.u32 $0x78, s10;
	s21 =	sshll.u32 s9, $0xE;
	s22 =	sshll.u32 s10, $0x3  }
0x10: {  	s24 =	sshll.u32 s9, $0x7;
	p1 =	sgt.s32 s9, $0x5C0;
	s30 =	sshra.s32 s9, $0x1F  }
0x11: {  	s26 =	sshra.s32 s10, $0x1F;
	s19 =	sadd.s32 s20, s19;
	s21 =	sand.u32 $0xFFFE0000, s21  }
0x12: {  	v5 =	vld [tilespmem:s17+$0xFFFFFFD0];
	[tilespmem:s18+$0x2040 ss:$0x81] =	vst.msk $0xffff, v4;
	s23 =	sand.u32 $0xFFFFFC00, s22;
	s29 =	sand.u32 $0x380, s24;
	s22 =	sand.u32 $0x3C00, s22  }
0x13: {  	v58 =	vld [tilespmem:s17+$0xFFFFFFE0];
	[tilespmem:s18+$0x2850 ss:$0x81] =	vst.msk $0xffff, v3;
	s21 =	sadd.s32 s23, s21;
	s20 =	sor.u32 s28, s22;
	s22 =	smov.u32 s9  }
0x14: {  	v59 =	vld [tilespmem:s17+$0xFFFFFFF0];
	[tilespmem:s18+$0x3060 ss:$0x81] =	vst.msk $0xffff, v2;
	s24 =	sand.u32 s30, s9;
	s21 =	sshrl.u32 s21, $0xE;
	s22 =	simm.s32 @!p1 $0x5C0  }
0x15: {  	v60 =	vld [tilespmem:s17+$0x0];
	[tilespmem:s18+$0x0 ss:$0x81] =	vst.msk $0xffff, v1;
	p1 =	sgt.s32 s10, $0x3F80;
	s31 =	ssub.s32 s22, s24;
	s22 =	smov.u32 s10  }
0x16: {  	v61 =	vld [tilespmem:s17+$0x10];
	[tilespmem:s19+$0x3870 ss:$0x81] =	vst.msk $0xffff, v0;
	s25 =	smulhi.u32 $0x28F5C3, s21;
	s24 =	sand.u32 s26, s10;
	s22 =	simm.s32 @!p1 $0x3F80  }
0x17: {  	v62 =	vld [tilespmem:s17+$0x20];
	s20 =	sor.u32 s29, s20;
	[tilespmem:s19+$0x810 ss:$0x81] =	vst.msk $0xffff, v5;
	s27 =	sadd.s32 $0xFFFFFA40, s31;
	s22 =	ssub.s32 s22, s24  }
0x18: {  	v63 =	vld [tilespmem:s17+$0xFFFFFFC0];
	[tilespmem:s19+$0x1020 ss:$0x81] =	vst.msk $0xffff, v58;
	s18 =	ssub.s32 $0x640, s31;
	s28 =	smul.u32 $0x640, s25;
	s29 =	sadd.s32 $0xFFFFC080, s22  }
0x19: {  	[tilespmem:s19+$0x1830 ss:$0x81] =	vst.msk $0xffff, v59;
	p1 =	sgt.s32 s27, $0x7F;
	s22 =	ssub.s32 $0x4000, s22;
	p2 =	sgt.s32 s29, $0x7F  }
0x1a: {  	s30 =	sand.u32 $0x7, s10;
	[tilespmem:s19+$0x2040 ss:$0x81] =	vst.msk $0xffff, v60;
	s18 =	simm.s32 @p1 $0x0;
	s22 =	simm.s32 @p2 $0x0  }
0x1b: {  	s20 =	sshrl.u32 s20, $0x3;
	[tilespmem:s19+$0x2850 ss:$0x81] =	vst.msk $0xffff, v61;
	s17 =	ssub.s32 s21, s28;
	s18 =	smul.u32 s22, s18  }
0x1c: {  	[tilespmem:s19+$0x3060 ss:$0x81] =	vst.msk $0xffff, v62;
	s20 =	sadd.s32 s3, s20;
	s21 =	sshll.u32 s30, $0x12;
	s17 =	sshll.u32 s17, $0xB  }
0x1d: {  	[tilespmem:s19+$0x0 ss:$0x81] =	vst.msk $0xffff, v63;
	s31 =	sor.u32 $0x400, s21;
	s17 =	sadd.s32 s17, s20;
	s18 =	sand.u32 $0x3FFFFFFF, s18  }
0x1e: {  	[hbm4b:s17+s31] =	stream.strided.scatter [tilespmem:s16], [sflag:$0x2], s18, s8, s31, $0x20;
	[tilespmem:$0x10100] =	vst v63  }
.LBB1_5:
0x1f: {  	p1 =	slt.u32 s13, $0x2  }
0x20: {  	s17 =	smov.u32 s15;
	p2 =	sgt.s32 @!p1 s15, $0x5C0;
	s16 =	sshra.s32 @!p1 s15, $0x1F  }
0x21: {  	p3 =	sgt.s32 @!p1 s14, $0x3F80;
	s18 =	sshra.s32 @!p1 s14, $0x1F;
	p2 =	por !p2, p1  }
0x22: {  	s15 =	sand.u32 @!p1 s16, s15;
	p3 =	por !p3, p1;
	s16 =	smov.u32 s14  }
0x23: {  	s14 =	sand.u32 @!p1 s18, s14;
	s17 =	simm.s32 @p2 $0x5C0;
	s16 =	simm.s32 @p3 $0x3F80  }
0x24: {  	s15 =	ssub.s32 @!p1 s17, s15;
	s14 =	ssub.s32 @!p1 s16, s14  }
0x25: {  	s18 =	smov.u32 s12;
	s16 =	sadd.s32 @!p1 $0xFFFFFA40, s15;
	s17 =	sadd.s32 @!p1 $0xFFFFC080, s14  }
0x26: {  	s15 =	ssub.s32 @!p1 $0x640, s15;
	p2 =	sgt.s32 @!p1 s16, $0x7F;
	p3 =	sgt.s32 @!p1 s17, $0x7F  }
0x27: {  	s14 =	ssub.s32 @!p1 $0x4000, s14;
	p2 =	por !p2, p1;
	p3 =	por !p3, p1  }
0x28: {  	s16 =	sadd.s32 $0x80, s11;
	s15 =	simm.s32 @!p2 $0x0;
	s14 =	simm.s32 @!p3 $0x0  }
0x29: {  	p2 =	sgt.s32 s16, $0x63F;
	s14 =	smul.u32 @!p1 s14, s15;
	s15 =	sadd.s32 $0x1000, s12  }
0x2a: {  	s18 =	smov.u32 @p2 s15  }
0x2b: {  	s16 =	simm.s32 @p2 $0x0;
	p2 =	sgt.s32 s18, $0x3FFF  }
0x2c: {  	s18 =	smov.u32 @p2 s2;
	p2 =	sne.s32 s13, s7  }
.Ltmp1:
0x2d: {  	p0 =	por !p0, !p0;
	s17 =	simm.s32 @!p1 $0x2;
	(pc) =	sbr.rel @!p2 .LBB1_6-.Ltmp1, $4  }
0x2e: {  	s15 =	smov.u32 s9;
	s9 =	smov.u32 s11;
	s14 =	sand.u32 @!p1 $0x3FFFFFFF, s14  }
0x2f: {  	s11 =	smov.u32 s16;
	_ =	swait.ge @!p1 [sflag:s17], s14;
	s19 =	ssub.s32 @!p1 $0x0, s14  }
0x30: {  	s14 =	smov.u32 s10;
	s13 =	sadd.s32 $0x1, s13;
	[sflag:s17] =	ssyncset.done @!p1 $0x0  }
0x31: {  	s10 =	smov.u32 s12;
	s12 =	smov.u32 s18;
	[sflag:s17] =	ssyncadd.s32 @!p1 s19  }
.LBB1_1:
0x32: {  	p1 =	sge.u32 s13, s5  }
0x33: {  	s16 =	sshrl.u32 @!p1 s12, $0x3  }
0x34: {  	s17 =	sshll.u32 @!p1 s11, $0x3;
	s16 =	smul.u32 @!p1 $0x3400, s16  }
0x35: {  	s18 =	sshll.u32 @!p1 s12, $0x7;
	s17 =	sand.u32 @!p1 $0xFFFFFC00, s17  }
0x36: {  	s16 =	sadd.s32 @!p1 s16, s17;
	s17 =	sand.u32 @!p1 $0x380, s18  }
0x37: {  	s18 =	sand.u32 @!p1 $0x7F, s11;
	s16 =	sor.u32 @!p1 s17, s16  }
0x38: {  	s17 =	sor.u32 @!p1 s18, s16  }
0x39: {  	s18 =	smulhi.u32 @!p1 $0x4EC4EC4F, s17;
	_ =	sdelay $0x1  }
0x3a: {  	s16 =	smulhi.u32 @!p1 $0x4EC4EC4F, s16;
	s18 =	sshrl.u32 @!p1 s18, $0x9  }
0x3b: {  	s18 =	smul.u32 @!p1 $0x680, s18  }
0x3c: {  	s31 =	sadd.s32 $0xFFFFFFFF, s13;
	s19 =	sxor.u32 @!p1 $0xFFFFFFFF, s13;
	s16 =	sshrl.u32 @!p1 s16, $0x9  }
0x3d: {  	s19 =	sshll.u32 @!p1 s19, $0xE;
	s16 =	sand.u32 @!p1 $0x3FFF, s16;
	s17 =	ssub.s32 @!p1 s17, s18  }
0x3e: {  	s16 =	smul.u32 @!p1 $0xD0, s16;
	s18 =	sshrl.u32 @!p1 s17, $0x3;
	s17 =	sand.u32 @!p1 $0x7, s17  }
0x3f: {  	s19 =	sand.u32 @!p1 $0x4000, s19;
	s18 =	sadd.s32 @!p1 s6, s18;
	s17 =	sshll.u32 @!p1 s17, $0x12  }
0x40: {  	s16 =	sadd.s32 @!p1 s16, s18;
	s17 =	sor.u32 @!p1 $0x400, s17;
	s18 =	simm.s32 @!p1 $0x3400  }
0x41: {  	[tilespmem:s19], [sflag:$0x1] =	stream.strided.gather @!p1 [hbm4b:s16+s17], $0x4000, s18, s17, $0x38;
	[tilespmem:$0x10100] =	vst v63  }
0x42: {  	p1 =	sge.u32 s31, s5  }
.Ltmp2:
0x43: {  	_ = 	snop;
	(pc) =	sbr.rel @p1 .LBB1_5-.Ltmp2, $1  }
0x44: {  	_ =	sdelay $0x3  }
0x45: {  	s16 =	simm.s32 $0x1  }
0x46: {  	_ =	swait.ge [sflag:s4], $0x4000;
	s16 =	simm.s32 @!p0 $0x0  }
0x47: {  	[sflag:s4] =	ssyncset.done $0x0;
	s17 =	sshll.u32 s16, $0xE  }
0x48: {  	[sflag:s4] =	ssyncadd.s32 $0xFFFFC000;
	s17 =	sor.u32 $0x40, s17  }
0x49: {  	s16 =	smul.u32 $0x10200, s16;
	v0 =	vld [tilespmem:s17+$0x30]  }
0x4a: {  	v1 =	vld [tilespmem:s17+$0xFFFFFFD0]  }
0x4b: {  	s16 =	sshrl.u32 s16, $0x2;
	v5 =	vld [tilespmem:s17+$0xFFFFFFE0]  }
0x4c: {  	v6 =	vld [tilespmem:s17+$0xFFFFFFF0];
	s19 =	sor.u32 $0x8000, s16  }
0x4d: {  	s31 =	sand.u32 $0x1, s13;
	v4 =	vld [tilespmem:s17+$0x0];
	s18 =	sadd.s32 $0x0, s19  }
0x4e: {  	v3 =	vld [tilespmem:s17+$0x10];
	s16 =	smul.u32 $0x10200, s31;
	[tilespmem:s18+$0x3870 ss:$0x81] =	vst.msk $0xffff, v0  }
0x4f: {  	v2 =	vld [tilespmem:s17+$0x20];
	[tilespmem:s18+$0x810 ss:$0x81] =	vst.msk $0xffff, v1  }
0x50: {  	s16 =	sshrl.u32 s16, $0x2;
	v1 =	vld [tilespmem:s17+$0xFFFFFFC0];
	[tilespmem:s18+$0x1020 ss:$0x81] =	vst.msk $0xffff, v5;
	s17 =	sadd.s32 $0x80, s17  }
0x51: {  	s20 =	simm.s32 $0x4;
	s21 =	simm.s32 $0x8;
	s16 =	sor.u32 $0x8000, s16;
	[tilespmem:s18+$0x1830 ss:$0x81] =	vst.msk $0xffff, v6;
	v0 =	vld [tilespmem:s17+$0x30]  }
.LBB1_3:
0x52: {  	p1 =	sne.s32 s21, $0x1FC;
	v5 =	vld [tilespmem:s17+$0xFFFFFFD0];
	[tilespmem:s18+$0x2040 ss:$0x81] =	vst.msk $0xffff, v4  }
0x53: {  	v6 =	vld [tilespmem:s17+$0xFFFFFFE0];
	[tilespmem:s18+$0x2850 ss:$0x81] =	vst.msk $0xffff, v3  }
0x54: {  	s22 =	sshra.s32 s20, $0x2;
	s20 =	smov.u32 s21;
	v7 =	vld [tilespmem:s17+$0xFFFFFFF0];
	[tilespmem:s18+$0x3060 ss:$0x81] =	vst.msk $0xffff, v2  }
.Ltmp3:
0x55: {  	v4 =	vld [tilespmem:s17+$0x0];
	[tilespmem:s18+$0x0 ss:$0x81] =	vst.msk $0xffff, v1;
	s18 =	sadd.s32 s22, s19;
	(pc) =	sbr.rel @p1 .LBB1_3-.Ltmp3, $4  }
0x56: {  	v3 =	vld [tilespmem:s17+$0x10];
	[tilespmem:s18+$0x3870 ss:$0x81] =	vst.msk $0xffff, v0  }
0x57: {  	[tilespmem:s18+$0x810 ss:$0x81] =	vst.msk $0xffff, v5;
	v2 =	vld [tilespmem:s17+$0x20]  }
0x58: {  	v1 =	vld [tilespmem:s17+$0xFFFFFFC0];
	[tilespmem:s18+$0x1020 ss:$0x81] =	vst.msk $0xffff, v6;
	s17 =	sadd.s32 $0x80, s17  }
0x59: {  	s21 =	sadd.s32 $0x4, s21;
	v0 =	vld [tilespmem:s17+$0x30];
	[tilespmem:s18+$0x1830 ss:$0x81] =	vst.msk $0xffff, v7  }
.Ltmp4:
0x5a: {  	_ = 	snop;
	(pc) =	sbr.rel .LBB1_4-.Ltmp4, $1  }
0x5b: {  	_ =	sdelay $0x3  }
.LBB1_6:
0x5c: {  	_ =	sfence.sel $0x180000  }
0x5d: {  	s2 =	simm.s32 $0x1;
	[bflag:$0x0] =	sbarrier.arrive $0xFFFF  }
0x5e: {  	s31 =	simm.s32 $0x2;
	[sflag:s2] =	ssyncpa.u1 $0x1  }
0x5f: {  	[sflag:s31] =	ssyncpa.u1 $0x1  }
0x60: {  	p0 =	sne.s32 s0, $0x0;
	_ =	strace $0x9000004A  }
0x61: {  	s0 =	sadd.s32 @!p0 $0x100000, s1;
	[bflag:$0x2] =	sbarrier.arrive $0xFFFF  }
0x62: {  	[sflag:s0] =	ssyncadd.tile.s32 @!p0 $0x1;
	_ =	shalt  }
.Lfunc_end1:
_tile_overlayer_lowered:
.L_overlay_start_2:
0x63: {  	(tag) =	ssettag $0x2  }
0x64: {  	s0 =	rddreg [dreg:$0x0];
	s2 =	stileid.u32  }
0x65: {  	s1 =	rddreg [dreg:$0x1];
	p0 =	sne.s32 s2, $0x0  }
0x66: {  	s3 =	rddreg [dreg:$0x2];
	[bflag:$0x3] =	sbarrier.arrive $0xFFFF;
	s2 =	simm.s32 @!p0 $0x1C01  }
0x67: {  	[timem:s3], [sflag:s2] =	dma.local @!p0 [hbm:s0], s1  }
0x68: {  	s0 =	simm.s32 @!p0 $0x1  }
0x69: {  	_ =	swait.ge @!p0 [sflag:s0], s1  }
0x6a: {  	s1 =	ssub.s32 @!p0 $0x0, s1;
	[sflag:s0] =	ssyncset.done @!p0 $0x0  }
0x6b: {  	[sflag:s0] =	ssyncadd.s32 @!p0 s1  }
0x6c: {  	[bflag:$0x3] =	sbarrier.arrive $0xFFFF  }
0x6d: {  	_ =	shalt  }

</sc_bundles>
